<compile_context>
chip_gen: v7x
topology: tpu7x:2x2x1
jax: 0.10.2.dev20260603
libtpu: 0.0.44.dev20260713+nightly
codegen_flags: <defaults>
</compile_context>

<pallas_src>
import jax
import jax.numpy as jnp
from jax import lax
from jax.experimental import pallas as pl
from jax.experimental.pallas import tpu as pltpu
from jax.experimental.pallas import tpu_sc as plsc

N = 10000
E = 320000
F = 128
H = 128
C = 16

NC = 2
NS = 16
NW = NC * NS
L = 16

EPT = E // NW
NOFF = 10240
NP = 2 * NOFF
RED = NP // NS


def _counts_body(src_ref, dst_ref, out_ref, pk_ref, cnt_ref, sbuf, dbuf, pbuf,
                 shared, red, acc):
    cid = lax.axis_index("c")
    sid = lax.axis_index("s")
    wid = sid * NC + cid
    zeros = jnp.zeros((L,), jnp.float32)
    ones = jnp.ones((L,), jnp.float32)

    def zero_body(i, _):
        cnt_ref[pl.ds(i * L, L)] = zeros
        return 0

    lax.fori_loop(0, NP // L, zero_body, 0)

    eoff = wid * EPT
    pltpu.sync_copy(src_ref.at[pl.ds(eoff, EPT)], sbuf)
    pltpu.sync_copy(dst_ref.at[pl.ds(eoff, EPT)], dbuf)

    @plsc.parallel_loop(0, EPT // L, 1, unroll=4)
    def count_body(i):
        s16 = sbuf[pl.ds(i * L, L)]
        d16 = dbuf[pl.ds(i * L, L)]
        plsc.addupdate_scatter(cnt_ref, [s16], ones)
        plsc.addupdate_scatter(cnt_ref, [d16 + NOFF], ones)
        pbuf[pl.ds(i * L, L)] = s16 | (d16 << 16)
    pltpu.sync_copy(pbuf, pk_ref.at[pl.ds(eoff, EPT)])

    pltpu.sync_copy(cnt_ref, shared.at[sid])
    plsc.subcore_barrier()

    col0 = sid * RED

    def zero_acc(i, _):
        acc[pl.ds(i * L, L)] = zeros
        return 0

    lax.fori_loop(0, RED // L, zero_acc, 0)

    for t in range(NS):
        pltpu.sync_copy(shared.at[t, pl.ds(col0, RED)], red)

        def add_body(i, _):
            acc[pl.ds(i * L, L)] = acc[pl.ds(i * L, L)] + red[pl.ds(i * L, L)]
            return 0

        lax.fori_loop(0, RED // L, add_body, 0)

    pltpu.sync_copy(acc, out_ref.at[cid, pl.ds(col0, RED)])


_sc_counts = pl.kernel(
    _counts_body,
    out_type=(jax.ShapeDtypeStruct((NC, NP), jnp.float32),
              jax.ShapeDtypeStruct((E,), jnp.int32)),
    mesh=plsc.VectorSubcoreMesh(core_axis_name="c", subcore_axis_name="s",
                                num_cores=NC, num_subcores=NS),
    scratch_types=[
        pltpu.VMEM((NP,), jnp.float32),
        pltpu.VMEM((EPT,), jnp.int32),
        pltpu.VMEM((EPT,), jnp.int32),
        pltpu.VMEM((EPT,), jnp.int32),
        pltpu.VMEM_SHARED((NS, NP), jnp.float32),
        pltpu.VMEM((RED,), jnp.float32),
        pltpu.VMEM((RED,), jnp.float32),
    ],
    compiler_params=pltpu.CompilerParams(needs_layout_passes=False),
)

FPT = F // NW
CHB = 20000
NPAIR = E // (2 * CHB)


def _agg_body(p_ref, pk_ref, out_hbm,
              in0, in1, ou0, ou1, ou2, ou3,
              pb0, pb1, sem_0, sem_1):
    cid = lax.axis_index("c")
    sid = lax.axis_index("s")
    wid = sid * NC + cid
    v0 = wid * (FPT * N)
    zeros = jnp.zeros((L,), jnp.float32)
    ins = (in0, in1)
    outs = (ou0, ou1, ou2, ou3)

    def edge_dma(e0, pbuf, sem):
        return pltpu.make_async_copy(pk_ref.at[pl.ds(e0, CHB)], pbuf, sem)

    edge_dma(0, pb0, sem_0).start()

    pv0 = wid * (2 * N)
    for c in range(2):
        pltpu.sync_copy(p_ref.at[pl.ds(pv0 + c * N, N)], ins[c])

    def zero_body(i, _):
        for c in range(FPT):
            outs[c][pl.ds(i * L, L)] = zeros
        return 0

    lax.fori_loop(0, N // L, zero_body, 0)

    himask = jnp.full((L,), -65536, jnp.int32)

    def process(pbuf):
        @plsc.parallel_loop(0, CHB // L, 1, unroll=4)
        def _(i):
            p16 = pbuf[pl.ds(i * L, L)]
            s16 = p16 & 0xFFFF
            d16 = lax.shift_right_logical(p16, 16)
            for c in range(2):
                g = plsc.load_gather(ins[c], [s16])
                fa = plsc.bitcast(lax.shift_left(g, 16), jnp.float32)
                fb = plsc.bitcast(g & himask, jnp.float32)
                plsc.addupdate_scatter(outs[2 * c], [d16], fa)
                plsc.addupdate_scatter(outs[2 * c + 1], [d16], fb)

    def pair_body(j, _):
        e0 = 2 * j * CHB
        edge_dma(e0 + CHB, pb1, sem_1).start()
        edge_dma(e0, pb0, sem_0).wait()
        process(pb0)

        @pl.when(j + 1 < NPAIR)
        def _():
            edge_dma(e0 + 2 * CHB, pb0, sem_0).start()

        edge_dma(e0 + CHB, pb1, sem_1).wait()
        process(pb1)
        return 0

    lax.fori_loop(0, NPAIR, pair_body, 0)

    for c in range(FPT):
        pltpu.sync_copy(outs[c], out_hbm.at[pl.ds(v0 + c * N, N)])


_sc_aggregate = pl.kernel(
    _agg_body,
    out_type=jax.ShapeDtypeStruct((F * N,), jnp.float32),
    mesh=plsc.VectorSubcoreMesh(core_axis_name="c", subcore_axis_name="s",
                                num_cores=NC, num_subcores=NS),
    scratch_types=[
        pltpu.VMEM((N,), jnp.int32),
        pltpu.VMEM((N,), jnp.int32),
        pltpu.VMEM((N,), jnp.float32),
        pltpu.VMEM((N,), jnp.float32),
        pltpu.VMEM((N,), jnp.float32),
        pltpu.VMEM((N,), jnp.float32),
        pltpu.VMEM((CHB,), jnp.int32),
        pltpu.VMEM((CHB,), jnp.int32),
        pltpu.SemaphoreType.DMA,
        pltpu.SemaphoreType.DMA,
    ],
    compiler_params=pltpu.CompilerParams(needs_layout_passes=False),
)



def _pack_pairs(even, odd):
    lo = lax.bitcast_convert_type(even.astype(jnp.bfloat16), jnp.uint16)
    hi = lax.bitcast_convert_type(odd.astype(jnp.bfloat16), jnp.uint16)
    w = lo.astype(jnp.uint32) | (hi.astype(jnp.uint32) << 16)
    return lax.bitcast_convert_type(w, jnp.int32)


def _prep_body(x_ref, cs_ref, cd_ref, p_ref, ns_ref, nd_ref):
    cs = cs_ref[...]
    cd = cd_ref[...]
    ns = lax.rsqrt(jnp.maximum(cs[0:1] + cs[1:2], 1.0))
    nd = lax.rsqrt(jnp.maximum(cd[0:1] + cd[1:2], 1.0))
    ns_ref[...] = ns
    nd_ref[...] = nd
    r = lax.broadcasted_iota(jnp.int32, (F // 2, F), 0)
    c = lax.broadcasted_iota(jnp.int32, (F // 2, F), 1)
    sel_e = (c == 2 * r).astype(jnp.float32)
    sel_o = (c == 2 * r + 1).astype(jnp.float32)
    xb = x_ref[...]
    xte = lax.dot_general(sel_e, xb, (((1,), (1,)), ((), ())),
                          preferred_element_type=jnp.float32) * ns
    xto = lax.dot_general(sel_o, xb, (((1,), (1,)), ((), ())),
                          preferred_element_type=jnp.float32) * ns
    p_ref[...] = _pack_pairs(xte, xto)


_tc_prep = pl.pallas_call(
    _prep_body,
    out_shape=[
        jax.ShapeDtypeStruct((F // 2, N), jnp.int32),
        jax.ShapeDtypeStruct((1, N), jnp.float32),
        jax.ShapeDtypeStruct((1, N), jnp.float32),
    ],
)


def _mid_body(s_ref, we_ref, wo_ref, be_ref, bo_ref, nd_ref, ns_ref, h_ref):
    sb = s_ref[...] * nd_ref[...]
    ns = ns_ref[...]
    he = lax.dot_general(we_ref[...], sb, (((0,), (0,)), ((), ())),
                         preferred_element_type=jnp.float32) + be_ref[...]
    ho = lax.dot_general(wo_ref[...], sb, (((0,), (0,)), ((), ())),
                         preferred_element_type=jnp.float32) + bo_ref[...]
    he = jnp.maximum(he, 0.0) * ns
    ho = jnp.maximum(ho, 0.0) * ns
    h_ref[...] = _pack_pairs(he, ho)


_tc_mid = pl.pallas_call(
    _mid_body,
    out_shape=jax.ShapeDtypeStruct((H // 2, N), jnp.int32),
)


def _head_body(s_ref, w2_ref, b2_ref, wfc_ref, bfc_ref, nd_ref, o_ref):
    sb = s_ref[...] * nd_ref[...]
    h2 = lax.dot_general(sb, w2_ref[...], (((0,), (0,)), ((), ())),
                         preferred_element_type=jnp.float32)
    h2 = h2 + b2_ref[...]
    o_ref[...] = lax.dot_general(h2, wfc_ref[...], (((1,), (0,)), ((), ())),
                                 preferred_element_type=jnp.float32) + bfc_ref[...]


_tc_head = pl.pallas_call(
    _head_body,
    out_shape=jax.ShapeDtypeStruct((N, C), jnp.float32),
)


def kernel(x, edge_index, W1, b1, W2, b2, Wfc, bfc):
    ei = edge_index.astype(jnp.int32)
    src = ei[0]
    dst = ei[1]
    counts, pk = _sc_counts(src, dst)
    cs = counts[:, :N]
    cd = counts[:, NOFF:NOFF + N]
    p1t, ns, nd = _tc_prep(x, cs, cd)
    s1t = _sc_aggregate(p1t.reshape(-1), pk).reshape(F, N)
    h1t = _tc_mid(s1t, W1[:, 0::2], W1[:, 1::2],
                  b1[0::2].reshape(H // 2, 1), b1[1::2].reshape(H // 2, 1),
                  nd, ns)
    s2t = _sc_aggregate(h1t.reshape(-1), pk).reshape(F, N)
    out = _tc_head(s2t, W2, b2.reshape(1, H), Wfc, bfc.reshape(1, C), nd)
    return out

# --- scband reference (transcript-rebuilt; emitter-appended) ---
"""Pipeline reference for scband-gcn-6640019440029 (READ-ONLY COPY).

The authoritative reference and input builder live on the scoring server;
editing this copy changes nothing except your own understanding.
"""

import jax, jax.numpy as jnp
import numpy as np

N_NODES = 10000
N_EDGES = 320000
NFEAT = 128
NHID = 128
NCLASS = 16


def setup_inputs(seed: int = 0) -> dict:
    key = jax.random.key(seed)
    ks = jax.random.split(key, 8)
    x = jax.random.normal(ks[0], (N_NODES, NFEAT), dtype=jnp.float32)
    edge_index = jax.random.randint(ks[1], (2, N_EDGES), 0, N_NODES)
    W1 = jax.random.normal(ks[2], (NFEAT, NHID), dtype=jnp.float32) * (1.0 / np.sqrt(NFEAT))
    b1 = jnp.zeros((NHID,), dtype=jnp.float32)
    W2 = jax.random.normal(ks[3], (NHID, NHID), dtype=jnp.float32) * (1.0 / np.sqrt(NHID))
    b2 = jnp.zeros((NHID,), dtype=jnp.float32)
    Wfc = jax.random.normal(ks[4], (NHID, NCLASS), dtype=jnp.float32) * (1.0 / np.sqrt(NHID))
    bfc = jnp.zeros((NCLASS,), dtype=jnp.float32)
    return {"x": x, "edge_index": edge_index, "W1": W1, "b1": b1, "W2": W2, "b2": b2, "Wfc": Wfc, "bfc": bfc}


def _graph_conv(h, src, dst, W, b, n_nodes):
    # DGL GraphConv with norm='both': D_out^{-1/2} -> weight -> aggregate -> D_in^{-1/2} -> bias
    deg_out = jnp.clip(jnp.bincount(src, length=n_nodes).astype(h.dtype), 1.0)
    deg_in = jnp.clip(jnp.bincount(dst, length=n_nodes).astype(h.dtype), 1.0)
    norm_src = deg_out ** -0.5
    norm_dst = deg_in ** -0.5
    h = h * norm_src[:, None]
    h = h @ W
    msgs = h[src]
    agg = jax.ops.segment_sum(msgs, dst, num_segments=n_nodes)
    agg = agg * norm_dst[:, None]
    return agg + b


def reference(x, edge_index, W1, b1, W2, b2, Wfc, bfc):
    src = edge_index[0]
    dst = edge_index[1]
    n_nodes = x.shape[0]
    h = _graph_conv(x, src, dst, W1, b1, n_nodes)
    h = jax.nn.relu(h)
    # dropout is identity at inference
    h = _graph_conv(h, src, dst, W2, b2, n_nodes)
    out = h @ Wfc + bfc
    return out

if __name__ == "__main__":
    import jax
    _d = setup_inputs()
    print(jax.jit(kernel)(*tuple(_d.values())))

</pallas_src>

<mosaic_0001>
#map = affine_map<(d0, d1) -> (0)>
module attributes {stable_mosaic.version = 14 : i64} {
  func.func @_agg_body(%arg0: i32, %arg1: i32, %arg2: memref<640000xi32, #tpu.memory_space<hbm>>, %arg3: memref<320000xi32, #tpu.memory_space<hbm>>, %arg4: memref<1280000xf32, #tpu.memory_space<hbm>>, %arg5: memref<10000xi32, #tpu.memory_space<vmem>>, %arg6: memref<10000xi32, #tpu.memory_space<vmem>>, %arg7: memref<10000xf32, #tpu.memory_space<vmem>>, %arg8: memref<10000xf32, #tpu.memory_space<vmem>>, %arg9: memref<10000xf32, #tpu.memory_space<vmem>>, %arg10: memref<10000xf32, #tpu.memory_space<vmem>>, %arg11: memref<20000xi32, #tpu.memory_space<vmem>>, %arg12: memref<20000xi32, #tpu.memory_space<vmem>>, %arg13: memref<!tpu.dma_semaphore, #tpu.memory_space<semaphore_mem>>, %arg14: memref<!tpu.dma_semaphore, #tpu.memory_space<semaphore_mem>>) attributes {dimension_semantics = [#tpu.dimension_semantics<core_parallel>, #tpu.dimension_semantics<subcore_parallel>], iteration_bounds = array<i64: 2, 16>, scalar_prefetch = 0 : i64, scratch_operands = 10 : i64, tpu.core_type = #tpu.core_type<sc_vector_subcore>, window_params = [{transform_indices = #map}, {transform_indices = #map}, {transform_indices = #map}]} {
    %mul3A = arith.constant 2 : i32
    %mul3A_0 = arith.muli %arg1, %mul3A : i32
    %add3A = arith.addi %mul3A_0, %arg0 : i32
    %mul3A_1 = arith.constant 40000 : i32
    %mul3A_2 = arith.muli %add3A, %mul3A_1 : i32
    %broadcast_in_dim3A = arith.constant 0.000000e+00 : f32
    %broadcast_in_dim3A_3 = vector.broadcast %broadcast_in_dim3A : f32 to vector<16xf32>
    %dma_start3A = arith.constant 0 : i32
    %dma_start3A_4 = tpu.memref_slice %arg3[%dma_start3A] : memref<320000xi32, #tpu.memory_space<hbm>> -> memref<20000xi32, #tpu.memory_space<hbm>>
    %dma_start3A_5 = arith.constant 0 : i32
    %dma_start3A_6 = tpu.memref_slice %arg3[%dma_start3A_5] : memref<320000xi32, #tpu.memory_space<hbm>> -> memref<20000xi32, #tpu.memory_space<hbm>>
    tpu.enqueue_dma source(%dma_start3A_6 : memref<20000xi32, #tpu.memory_space<hbm>>) target(%arg11 : memref<20000xi32, #tpu.memory_space<vmem>>) target_semaphore(%arg13 : memref<!tpu.dma_semaphore, #tpu.memory_space<semaphore_mem>>)
    %mul3A_7 = arith.constant 20000 : i32
    %mul3A_8 = arith.muli %add3A, %mul3A_7 : i32
    %add3A_9 = arith.constant 0 : i32
    %add3A_10 = arith.addi %mul3A_8, %add3A_9 : i32
    "tpu.region"() ({
      %run_scoped3A = tpu.sem_alloc : memref<!tpu.dma_semaphore, #tpu.memory_space<semaphore_mem>>
      %dma_start3A_36 = tpu.memref_slice %arg2[%add3A_10] : memref<640000xi32, #tpu.memory_space<hbm>> -> memref<10000xi32, #tpu.memory_space<hbm>>
      %dma_start3A_37 = tpu.memref_slice %arg2[%add3A_10] : memref<640000xi32, #tpu.memory_space<hbm>> -> memref<10000xi32, #tpu.memory_space<hbm>>
      tpu.enqueue_dma source(%dma_start3A_37 : memref<10000xi32, #tpu.memory_space<hbm>>) target(%arg5 : memref<10000xi32, #tpu.memory_space<vmem>>) target_semaphore(%run_scoped3A : memref<!tpu.dma_semaphore, #tpu.memory_space<semaphore_mem>>)
      %dma_wait3A = tpu.memref_slice %arg2[%add3A_10] : memref<640000xi32, #tpu.memory_space<hbm>> -> memref<10000xi32, #tpu.memory_space<hbm>>
      %dma_wait3A_38 = tpu.memref_slice %arg2[%add3A_10] : memref<640000xi32, #tpu.memory_space<hbm>> -> memref<10000xi32, #tpu.memory_space<hbm>>
      tpu.wait_dma2 semaphore(%run_scoped3A : memref<!tpu.dma_semaphore, #tpu.memory_space<semaphore_mem>>) src(%dma_wait3A_38 : memref<10000xi32, #tpu.memory_space<hbm>>) dst(%arg5 : memref<10000xi32, #tpu.memory_space<vmem>>)
      tpu.yield
    }) : () -> ()
    %add3A_11 = arith.constant 10000 : i32
    %add3A_12 = arith.addi %mul3A_8, %add3A_11 : i32
    "tpu.region"() ({
      %run_scoped3A = tpu.sem_alloc : memref<!tpu.dma_semaphore, #tpu.memory_space<semaphore_mem>>
      %dma_start3A_36 = tpu.memref_slice %arg2[%add3A_12] : memref<640000xi32, #tpu.memory_space<hbm>> -> memref<10000xi32, #tpu.memory_space<hbm>>
      %dma_start3A_37 = tpu.memref_slice %arg2[%add3A_12] : memref<640000xi32, #tpu.memory_space<hbm>> -> memref<10000xi32, #tpu.memory_space<hbm>>
      tpu.enqueue_dma source(%dma_start3A_37 : memref<10000xi32, #tpu.memory_space<hbm>>) target(%arg6 : memref<10000xi32, #tpu.memory_space<vmem>>) target_semaphore(%run_scoped3A : memref<!tpu.dma_semaphore, #tpu.memory_space<semaphore_mem>>)
      %dma_wait3A = tpu.memref_slice %arg2[%add3A_12] : memref<640000xi32, #tpu.memory_space<hbm>> -> memref<10000xi32, #tpu.memory_space<hbm>>
      %dma_wait3A_38 = tpu.memref_slice %arg2[%add3A_12] : memref<640000xi32, #tpu.memory_space<hbm>> -> memref<10000xi32, #tpu.memory_space<hbm>>
      tpu.wait_dma2 semaphore(%run_scoped3A : memref<!tpu.dma_semaphore, #tpu.memory_space<semaphore_mem>>) src(%dma_wait3A_38 : memref<10000xi32, #tpu.memory_space<hbm>>) dst(%arg6 : memref<10000xi32, #tpu.memory_space<vmem>>)
      tpu.yield
    }) : () -> ()
    %scan3A = arith.constant 0 : i32
    %scan3A_13 = arith.constant 0 : i32
    %scan3A_14 = arith.constant 625 : i32
    %scan3A_15 = arith.addi %scan3A_13, %scan3A_14 : i32
    %scan3A_16 = arith.constant 1 : i32
    %scan3A_17 = scf.for %scan3A_36 = %scan3A_13 to %scan3A_15 step %scan3A_16 iter_args(%scan3A_37 = %scan3A) -> (i32)  : i32 {
      %mul3A_38 = arith.constant 16 : i32
      %mul3A_39 = arith.muli %scan3A_36, %mul3A_38 : i32
      %swap3A = arith.index_cast %mul3A_39 : i32 to index
      %swap3A_40 = tpu.vector_load %arg7[%swap3A] {strides = array<i32>} : memref<10000xf32, #tpu.memory_space<vmem>>, vector<16xf32>,
      tpu.vector_store %arg7[%swap3A], %broadcast_in_dim3A_3 {strides = array<i32>} : memref<10000xf32, #tpu.memory_space<vmem>>, vector<16xf32>,
      %mul3A_41 = arith.constant 16 : i32
      %mul3A_42 = arith.muli %scan3A_36, %mul3A_41 : i32
      %swap3A_43 = arith.index_cast %mul3A_42 : i32 to index
      %swap3A_44 = tpu.vector_load %arg8[%swap3A_43] {strides = array<i32>} : memref<10000xf32, #tpu.memory_space<vmem>>, vector<16xf32>,
      tpu.vector_store %arg8[%swap3A_43], %broadcast_in_dim3A_3 {strides = array<i32>} : memref<10000xf32, #tpu.memory_space<vmem>>, vector<16xf32>,
      %mul3A_45 = arith.constant 16 : i32
      %mul3A_46 = arith.muli %scan3A_36, %mul3A_45 : i32
      %swap3A_47 = arith.index_cast %mul3A_46 : i32 to index
      %swap3A_48 = tpu.vector_load %arg9[%swap3A_47] {strides = array<i32>} : memref<10000xf32, #tpu.memory_space<vmem>>, vector<16xf32>,
      tpu.vector_store %arg9[%swap3A_47], %broadcast_in_dim3A_3 {strides = array<i32>} : memref<10000xf32, #tpu.memory_space<vmem>>, vector<16xf32>,
      %mul3A_49 = arith.constant 16 : i32
      %mul3A_50 = arith.muli %scan3A_36, %mul3A_49 : i32
      %swap3A_51 = arith.index_cast %mul3A_50 : i32 to index
      %swap3A_52 = tpu.vector_load %arg10[%swap3A_51] {strides = array<i32>} : memref<10000xf32, #tpu.memory_space<vmem>>, vector<16xf32>,
      tpu.vector_store %arg10[%swap3A_51], %broadcast_in_dim3A_3 {strides = array<i32>} : memref<10000xf32, #tpu.memory_space<vmem>>, vector<16xf32>,
      %scan3A_53 = arith.constant 0 : i32
      scf.yield %scan3A_53 : i32
    }
    %scan3A_18 = arith.constant 625 : i32
    %broadcast_in_dim3A_19 = arith.constant -65536 : i32
    %broadcast_in_dim3A_20 = vector.broadcast %broadcast_in_dim3A_19 : i32 to vector<16xi32>
    %scan3A_21 = arith.constant 0 : i32
    %scan3A_22 = arith.constant 0 : i32
    %scan3A_23 = arith.constant 8 : i32
    %scan3A_24 = arith.addi %scan3A_22, %scan3A_23 : i32
    %scan3A_25 = arith.constant 1 : i32
    %scan3A_26 = scf.for %scan3A_36 = %scan3A_22 to %scan3A_24 step %scan3A_25 iter_args(%scan3A_37 = %scan3A_21) -> (i32)  : i32 {
      %mul3A_38 = arith.constant 2 : i32
      %mul3A_39 = arith.muli %mul3A_38, %scan3A_36 : i32
      %mul3A_40 = arith.constant 20000 : i32
      %mul3A_41 = arith.muli %mul3A_39, %mul3A_40 : i32
      %add3A_42 = arith.constant 20000 : i32
      %add3A_43 = arith.addi %mul3A_41, %add3A_42 : i32
      %dma_start3A_44 = tpu.memref_slice %arg3[%add3A_43] : memref<320000xi32, #tpu.memory_space<hbm>> -> memref<20000xi32, #tpu.memory_space<hbm>>
      %dma_start3A_45 = tpu.memref_slice %arg3[%add3A_43] : memref<320000xi32, #tpu.memory_space<hbm>> -> memref<20000xi32, #tpu.memory_space<hbm>>
      tpu.enqueue_dma source(%dma_start3A_45 : memref<20000xi32, #tpu.memory_space<hbm>>) target(%arg12 : memref<20000xi32, #tpu.memory_space<vmem>>) target_semaphore(%arg14 : memref<!tpu.dma_semaphore, #tpu.memory_space<semaphore_mem>>)
      %dma_wait3A = tpu.memref_slice %arg3[%mul3A_41] : memref<320000xi32, #tpu.memory_space<hbm>> -> memref<20000xi32, #tpu.memory_space<hbm>>
      %dma_wait3A_46 = tpu.memref_slice %arg3[%mul3A_41] : memref<320000xi32, #tpu.memory_space<hbm>> -> memref<20000xi32, #tpu.memory_space<hbm>>
      tpu.wait_dma2 semaphore(%arg13 : memref<!tpu.dma_semaphore, #tpu.memory_space<semaphore_mem>>) src(%dma_wait3A_46 : memref<20000xi32, #tpu.memory_space<hbm>>) dst(%arg11 : memref<20000xi32, #tpu.memory_space<vmem>>)
      %parallel_loop3A = arith.constant 0 : i32
      %parallel_loop3A_47 = arith.constant 1250 : i32
      %parallel_loop3A_48 = arith.constant 1 : i32
      scf.for %parallel_loop3A_61 = %parallel_loop3A to %parallel_loop3A_47 step %parallel_loop3A_48  : i32 {
        %parallel_loop3A_62 = arith.constant 16 : i32
        %parallel_loop3A_63 = arith.muli %parallel_loop3A_61, %parallel_loop3A_62 : i32
        %parallel_loop3A_64 = arith.index_cast %parallel_loop3A_63 : i32 to index
        %parallel_loop3A_65 = tpu.vector_load %arg11[%parallel_loop3A_64] {strides = array<i32>} : memref<20000xi32, #tpu.memory_space<vmem>>, vector<16xi32>,
        %parallel_loop3A_66 = arith.constant 65535 : i32
        %parallel_loop3A_67 = vector.broadcast %parallel_loop3A_66 : i32 to vector<16xi32>
        %parallel_loop3A_68 = arith.andi %parallel_loop3A_65, %parallel_loop3A_67 : vector<16xi32>
        %parallel_loop3A_69 = arith.constant 16 : i32
        %parallel_loop3A_70 = vector.broadcast %parallel_loop3A_69 : i32 to vector<16xi32>
        %parallel_loop3A_71 = arith.shrui %parallel_loop3A_65, %parallel_loop3A_70 : vector<16xi32>
        %parallel_loop3A_72 = tpu.vector_load_idx %arg5[%parallel_loop3A_68] : memref<10000xi32, #tpu.memory_space<vmem>>[vector<16xi32>], vector<16xi32>,
        %parallel_loop3A_73 = arith.constant 16 : i32
        %parallel_loop3A_74 = vector.broadcast %parallel_loop3A_73 : i32 to vector<16xi32>
        %parallel_loop3A_75 = arith.shli %parallel_loop3A_72, %parallel_loop3A_74 : vector<16xi32>
        %parallel_loop3A_76 = vector.bitcast %parallel_loop3A_75 : vector<16xi32> to vector<16xf32>
        %parallel_loop3A_77 = arith.andi %parallel_loop3A_72, %broadcast_in_dim3A_20 : vector<16xi32>
        %parallel_loop3A_78 = vector.bitcast %parallel_loop3A_77 : vector<16xi32> to vector<16xf32>
        tpu.vector_store_idx %arg7[%parallel_loop3A_71], %parallel_loop3A_76 {add = true} : memref<10000xf32, #tpu.memory_space<vmem>>[vector<16xi32>], vector<16xf32>,
        tpu.vector_store_idx %arg8[%parallel_loop3A_71], %parallel_loop3A_78 {add = true} : memref<10000xf32, #tpu.memory_space<vmem>>[vector<16xi32>], vector<16xf32>,
        %parallel_loop3A_79 = tpu.vector_load_idx %arg6[%parallel_loop3A_68] : memref<10000xi32, #tpu.memory_space<vmem>>[vector<16xi32>], vector<16xi32>,
        %parallel_loop3A_80 = arith.constant 16 : i32
        %parallel_loop3A_81 = vector.broadcast %parallel_loop3A_80 : i32 to vector<16xi32>
        %parallel_loop3A_82 = arith.shli %parallel_loop3A_79, %parallel_loop3A_81 : vector<16xi32>
        %parallel_loop3A_83 = vector.bitcast %parallel_loop3A_82 : vector<16xi32> to vector<16xf32>
        %parallel_loop3A_84 = arith.andi %parallel_loop3A_79, %broadcast_in_dim3A_20 : vector<16xi32>
        %parallel_loop3A_85 = vector.bitcast %parallel_loop3A_84 : vector<16xi32> to vector<16xf32>
        tpu.vector_store_idx %arg9[%parallel_loop3A_71], %parallel_loop3A_83 {add = true} : memref<10000xf32, #tpu.memory_space<vmem>>[vector<16xi32>], vector<16xf32>,
        tpu.vector_store_idx %arg10[%parallel_loop3A_71], %parallel_loop3A_85 {add = true} : memref<10000xf32, #tpu.memory_space<vmem>>[vector<16xi32>], vector<16xf32>,
      } {sc.loop_unroll_factor = 4 : i64, sc.parallel_access}
      %add3A_49 = arith.constant 1 : i32
      %add3A_50 = arith.addi %scan3A_36, %add3A_49 : i32
      %lt3A = arith.constant 8 : i32
      %lt3A_51 = arith.cmpi slt, %add3A_50, %lt3A : i32
      %convert_element_type3A = arith.extui %lt3A_51 : i1 to i32
      %cond3A = arith.constant 0 : i32
      %cond3A_52 = arith.cmpi ne, %convert_element_type3A, %cond3A : i32
      scf.if %cond3A_52 {
        %add3A_61 = arith.constant 40000 : i32
        %add3A_62 = arith.addi %mul3A_41, %add3A_61 : i32
        %dma_start3A_63 = tpu.memref_slice %arg3[%add3A_62] : memref<320000xi32, #tpu.memory_space<hbm>> -> memref<20000xi32, #tpu.memory_space<hbm>>
        %dma_start3A_64 = tpu.memref_slice %arg3[%add3A_62] : memref<320000xi32, #tpu.memory_space<hbm>> -> memref<20000xi32, #tpu.memory_space<hbm>>
        tpu.enqueue_dma source(%dma_start3A_64 : memref<20000xi32, #tpu.memory_space<hbm>>) target(%arg11 : memref<20000xi32, #tpu.memory_space<vmem>>) target_semaphore(%arg13 : memref<!tpu.dma_semaphore, #tpu.memory_space<semaphore_mem>>)
      } else {
      }
      %add3A_53 = arith.constant 20000 : i32
      %add3A_54 = arith.addi %mul3A_41, %add3A_53 : i32
      %dma_wait3A_55 = tpu.memref_slice %arg3[%add3A_54] : memref<320000xi32, #tpu.memory_space<hbm>> -> memref<20000xi32, #tpu.memory_space<hbm>>
      %dma_wait3A_56 = tpu.memref_slice %arg3[%add3A_54] : memref<320000xi32, #tpu.memory_space<hbm>> -> memref<20000xi32, #tpu.memory_space<hbm>>
      tpu.wait_dma2 semaphore(%arg14 : memref<!tpu.dma_semaphore, #tpu.memory_space<semaphore_mem>>) src(%dma_wait3A_56 : memref<20000xi32, #tpu.memory_space<hbm>>) dst(%arg12 : memref<20000xi32, #tpu.memory_space<vmem>>)
      %parallel_loop3A_57 = arith.constant 0 : i32
      %parallel_loop3A_58 = arith.constant 1250 : i32
      %parallel_loop3A_59 = arith.constant 1 : i32
      scf.for %parallel_loop3A_61 = %parallel_loop3A_57 to %parallel_loop3A_58 step %parallel_loop3A_59  : i32 {
        %parallel_loop3A_62 = arith.constant 16 : i32
        %parallel_loop3A_63 = arith.muli %parallel_loop3A_61, %parallel_loop3A_62 : i32
        %parallel_loop3A_64 = arith.index_cast %parallel_loop3A_63 : i32 to index
        %parallel_loop3A_65 = tpu.vector_load %arg12[%parallel_loop3A_64] {strides = array<i32>} : memref<20000xi32, #tpu.memory_space<vmem>>, vector<16xi32>,
        %parallel_loop3A_66 = arith.constant 65535 : i32
        %parallel_loop3A_67 = vector.broadcast %parallel_loop3A_66 : i32 to vector<16xi32>
        %parallel_loop3A_68 = arith.andi %parallel_loop3A_65, %parallel_loop3A_67 : vector<16xi32>
        %parallel_loop3A_69 = arith.constant 16 : i32
        %parallel_loop3A_70 = vector.broadcast %parallel_loop3A_69 : i32 to vector<16xi32>
        %parallel_loop3A_71 = arith.shrui %parallel_loop3A_65, %parallel_loop3A_70 : vector<16xi32>
        %parallel_loop3A_72 = tpu.vector_load_idx %arg5[%parallel_loop3A_68] : memref<10000xi32, #tpu.memory_space<vmem>>[vector<16xi32>], vector<16xi32>,
        %parallel_loop3A_73 = arith.constant 16 : i32
        %parallel_loop3A_74 = vector.broadcast %parallel_loop3A_73 : i32 to vector<16xi32>
        %parallel_loop3A_75 = arith.shli %parallel_loop3A_72, %parallel_loop3A_74 : vector<16xi32>
        %parallel_loop3A_76 = vector.bitcast %parallel_loop3A_75 : vector<16xi32> to vector<16xf32>
        %parallel_loop3A_77 = arith.andi %parallel_loop3A_72, %broadcast_in_dim3A_20 : vector<16xi32>
        %parallel_loop3A_78 = vector.bitcast %parallel_loop3A_77 : vector<16xi32> to vector<16xf32>
        tpu.vector_store_idx %arg7[%parallel_loop3A_71], %parallel_loop3A_76 {add = true} : memref<10000xf32, #tpu.memory_space<vmem>>[vector<16xi32>], vector<16xf32>,
        tpu.vector_store_idx %arg8[%parallel_loop3A_71], %parallel_loop3A_78 {add = true} : memref<10000xf32, #tpu.memory_space<vmem>>[vector<16xi32>], vector<16xf32>,
        %parallel_loop3A_79 = tpu.vector_load_idx %arg6[%parallel_loop3A_68] : memref<10000xi32, #tpu.memory_space<vmem>>[vector<16xi32>], vector<16xi32>,
        %parallel_loop3A_80 = arith.constant 16 : i32
        %parallel_loop3A_81 = vector.broadcast %parallel_loop3A_80 : i32 to vector<16xi32>
        %parallel_loop3A_82 = arith.shli %parallel_loop3A_79, %parallel_loop3A_81 : vector<16xi32>
        %parallel_loop3A_83 = vector.bitcast %parallel_loop3A_82 : vector<16xi32> to vector<16xf32>
        %parallel_loop3A_84 = arith.andi %parallel_loop3A_79, %broadcast_in_dim3A_20 : vector<16xi32>
        %parallel_loop3A_85 = vector.bitcast %parallel_loop3A_84 : vector<16xi32> to vector<16xf32>
        tpu.vector_store_idx %arg9[%parallel_loop3A_71], %parallel_loop3A_83 {add = true} : memref<10000xf32, #tpu.memory_space<vmem>>[vector<16xi32>], vector<16xf32>,
        tpu.vector_store_idx %arg10[%parallel_loop3A_71], %parallel_loop3A_85 {add = true} : memref<10000xf32, #tpu.memory_space<vmem>>[vector<16xi32>], vector<16xf32>,
      } {sc.loop_unroll_factor = 4 : i64, sc.parallel_access}
      %scan3A_60 = arith.constant 0 : i32
      scf.yield %scan3A_60 : i32
    }
    %scan3A_27 = arith.constant 8 : i32
    %add3A_28 = arith.constant 0 : i32
    %add3A_29 = arith.addi %mul3A_2, %add3A_28 : i32
    "tpu.region"() ({
      %run_scoped3A = tpu.sem_alloc : memref<!tpu.dma_semaphore, #tpu.memory_space<semaphore_mem>>
      %dma_start3A_36 = tpu.memref_slice %arg4[%add3A_29] : memref<1280000xf32, #tpu.memory_space<hbm>> -> memref<10000xf32, #tpu.memory_space<hbm>>
      %dma_start3A_37 = tpu.memref_slice %arg4[%add3A_29] : memref<1280000xf32, #tpu.memory_space<hbm>> -> memref<10000xf32, #tpu.memory_space<hbm>>
      tpu.enqueue_dma source(%arg7 : memref<10000xf32, #tpu.memory_space<vmem>>) target(%dma_start3A_37 : memref<10000xf32, #tpu.memory_space<hbm>>) target_semaphore(%run_scoped3A : memref<!tpu.dma_semaphore, #tpu.memory_space<semaphore_mem>>)
      %dma_wait3A = tpu.memref_slice %arg4[%add3A_29] : memref<1280000xf32, #tpu.memory_space<hbm>> -> memref<10000xf32, #tpu.memory_space<hbm>>
      %dma_wait3A_38 = tpu.memref_slice %arg4[%add3A_29] : memref<1280000xf32, #tpu.memory_space<hbm>> -> memref<10000xf32, #tpu.memory_space<hbm>>
      tpu.wait_dma2 semaphore(%run_scoped3A : memref<!tpu.dma_semaphore, #tpu.memory_space<semaphore_mem>>) src(%arg7 : memref<10000xf32, #tpu.memory_space<vmem>>) dst(%dma_wait3A_38 : memref<10000xf32, #tpu.memory_space<hbm>>)
      tpu.yield
    }) : () -> ()
    %add3A_30 = arith.constant 10000 : i32
    %add3A_31 = arith.addi %mul3A_2, %add3A_30 : i32
    "tpu.region"() ({
      %run_scoped3A = tpu.sem_alloc : memref<!tpu.dma_semaphore, #tpu.memory_space<semaphore_mem>>
      %dma_start3A_36 = tpu.memref_slice %arg4[%add3A_31] : memref<1280000xf32, #tpu.memory_space<hbm>> -> memref<10000xf32, #tpu.memory_space<hbm>>
      %dma_start3A_37 = tpu.memref_slice %arg4[%add3A_31] : memref<1280000xf32, #tpu.memory_space<hbm>> -> memref<10000xf32, #tpu.memory_space<hbm>>
      tpu.enqueue_dma source(%arg8 : memref<10000xf32, #tpu.memory_space<vmem>>) target(%dma_start3A_37 : memref<10000xf32, #tpu.memory_space<hbm>>) target_semaphore(%run_scoped3A : memref<!tpu.dma_semaphore, #tpu.memory_space<semaphore_mem>>)
      %dma_wait3A = tpu.memref_slice %arg4[%add3A_31] : memref<1280000xf32, #tpu.memory_space<hbm>> -> memref<10000xf32, #tpu.memory_space<hbm>>
      %dma_wait3A_38 = tpu.memref_slice %arg4[%add3A_31] : memref<1280000xf32, #tpu.memory_space<hbm>> -> memref<10000xf32, #tpu.memory_space<hbm>>
      tpu.wait_dma2 semaphore(%run_scoped3A : memref<!tpu.dma_semaphore, #tpu.memory_space<semaphore_mem>>) src(%arg8 : memref<10000xf32, #tpu.memory_space<vmem>>) dst(%dma_wait3A_38 : memref<10000xf32, #tpu.memory_space<hbm>>)
      tpu.yield
    }) : () -> ()
    %add3A_32 = arith.constant 20000 : i32
    %add3A_33 = arith.addi %mul3A_2, %add3A_32 : i32
    "tpu.region"() ({
      %run_scoped3A = tpu.sem_alloc : memref<!tpu.dma_semaphore, #tpu.memory_space<semaphore_mem>>
      %dma_start3A_36 = tpu.memref_slice %arg4[%add3A_33] : memref<1280000xf32, #tpu.memory_space<hbm>> -> memref<10000xf32, #tpu.memory_space<hbm>>
      %dma_start3A_37 = tpu.memref_slice %arg4[%add3A_33] : memref<1280000xf32, #tpu.memory_space<hbm>> -> memref<10000xf32, #tpu.memory_space<hbm>>
      tpu.enqueue_dma source(%arg9 : memref<10000xf32, #tpu.memory_space<vmem>>) target(%dma_start3A_37 : memref<10000xf32, #tpu.memory_space<hbm>>) target_semaphore(%run_scoped3A : memref<!tpu.dma_semaphore, #tpu.memory_space<semaphore_mem>>)
      %dma_wait3A = tpu.memref_slice %arg4[%add3A_33] : memref<1280000xf32, #tpu.memory_space<hbm>> -> memref<10000xf32, #tpu.memory_space<hbm>>
      %dma_wait3A_38 = tpu.memref_slice %arg4[%add3A_33] : memref<1280000xf32, #tpu.memory_space<hbm>> -> memref<10000xf32, #tpu.memory_space<hbm>>
      tpu.wait_dma2 semaphore(%run_scoped3A : memref<!tpu.dma_semaphore, #tpu.memory_space<semaphore_mem>>) src(%arg9 : memref<10000xf32, #tpu.memory_space<vmem>>) dst(%dma_wait3A_38 : memref<10000xf32, #tpu.memory_space<hbm>>)
      tpu.yield
    }) : () -> ()
    %add3A_34 = arith.constant 30000 : i32
    %add3A_35 = arith.addi %mul3A_2, %add3A_34 : i32
    "tpu.region"() ({
      %run_scoped3A = tpu.sem_alloc : memref<!tpu.dma_semaphore, #tpu.memory_space<semaphore_mem>>
      %dma_start3A_36 = tpu.memref_slice %arg4[%add3A_35] : memref<1280000xf32, #tpu.memory_space<hbm>> -> memref<10000xf32, #tpu.memory_space<hbm>>
      %dma_start3A_37 = tpu.memref_slice %arg4[%add3A_35] : memref<1280000xf32, #tpu.memory_space<hbm>> -> memref<10000xf32, #tpu.memory_space<hbm>>
      tpu.enqueue_dma source(%arg10 : memref<10000xf32, #tpu.memory_space<vmem>>) target(%dma_start3A_37 : memref<10000xf32, #tpu.memory_space<hbm>>) target_semaphore(%run_scoped3A : memref<!tpu.dma_semaphore, #tpu.memory_space<semaphore_mem>>)
      %dma_wait3A = tpu.memref_slice %arg4[%add3A_35] : memref<1280000xf32, #tpu.memory_space<hbm>> -> memref<10000xf32, #tpu.memory_space<hbm>>
      %dma_wait3A_38 = tpu.memref_slice %arg4[%add3A_35] : memref<1280000xf32, #tpu.memory_space<hbm>> -> memref<10000xf32, #tpu.memory_space<hbm>>
      tpu.wait_dma2 semaphore(%run_scoped3A : memref<!tpu.dma_semaphore, #tpu.memory_space<semaphore_mem>>) src(%arg10 : memref<10000xf32, #tpu.memory_space<vmem>>) dst(%dma_wait3A_38 : memref<10000xf32, #tpu.memory_space<hbm>>)
      tpu.yield
    }) : () -> ()
    return
  }
}

#map = affine_map<(d0, d1) -> (0)>
#map1 = affine_map<(d0, d1) -> (0, 0)>
module attributes {stable_mosaic.version = 14 : i64} {
  func.func @_counts_body(%arg0: i32, %arg1: i32, %arg2: memref<320000xi32, #tpu.memory_space<hbm>>, %arg3: memref<320000xi32, #tpu.memory_space<hbm>>, %arg4: memref<2x20480xf32, #tpu.memory_space<hbm>>, %arg5: memref<320000xi32, #tpu.memory_space<hbm>>, %arg6: memref<20480xf32, #tpu.memory_space<vmem>>, %arg7: memref<10000xi32, #tpu.memory_space<vmem>>, %arg8: memref<10000xi32, #tpu.memory_space<vmem>>, %arg9: memref<10000xi32, #tpu.memory_space<vmem>>, %arg10: memref<16x20480xf32, #tpu.memory_space<vmem_shared>>, %arg11: memref<1280xf32, #tpu.memory_space<vmem>>, %arg12: memref<1280xf32, #tpu.memory_space<vmem>>) attributes {dimension_semantics = [#tpu.dimension_semantics<core_parallel>, #tpu.dimension_semantics<subcore_parallel>], iteration_bounds = array<i64: 2, 16>, scalar_prefetch = 0 : i64, scratch_operands = 7 : i64, tpu.core_type = #tpu.core_type<sc_vector_subcore>, window_params = [{transform_indices = #map}, {transform_indices = #map}, {transform_indices = #map1}, {transform_indices = #map}]} {
    %mul3A = arith.constant 2 : i32
    %mul3A_0 = arith.muli %arg1, %mul3A : i32
    %add3A = arith.addi %mul3A_0, %arg0 : i32
    %broadcast_in_dim3A = arith.constant 0.000000e+00 : f32
    %broadcast_in_dim3A_1 = vector.broadcast %broadcast_in_dim3A : f32 to vector<16xf32>
    %broadcast_in_dim3A_2 = arith.constant 1.000000e+00 : f32
    %broadcast_in_dim3A_3 = vector.broadcast %broadcast_in_dim3A_2 : f32 to vector<16xf32>
    %scan3A = arith.constant 0 : i32
    %scan3A_4 = arith.constant 0 : i32
    %scan3A_5 = arith.constant 1280 : i32
    %scan3A_6 = arith.addi %scan3A_4, %scan3A_5 : i32
    %scan3A_7 = arith.constant 1 : i32
    %scan3A_8 = scf.for %scan3A_150 = %scan3A_4 to %scan3A_6 step %scan3A_7 iter_args(%scan3A_151 = %scan3A) -> (i32)  : i32 {
      %mul3A_152 = arith.constant 16 : i32
      %mul3A_153 = arith.muli %scan3A_150, %mul3A_152 : i32
      %swap3A = arith.index_cast %mul3A_153 : i32 to index
      %swap3A_154 = tpu.vector_load %arg6[%swap3A] {strides = array<i32>} : memref<20480xf32, #tpu.memory_space<vmem>>, vector<16xf32>,
      tpu.vector_store %arg6[%swap3A], %broadcast_in_dim3A_1 {strides = array<i32>} : memref<20480xf32, #tpu.memory_space<vmem>>, vector<16xf32>,
      %scan3A_155 = arith.constant 0 : i32
      scf.yield %scan3A_155 : i32
    }
    %scan3A_9 = arith.constant 1280 : i32
    %mul3A_10 = arith.constant 10000 : i32
    %mul3A_11 = arith.muli %add3A, %mul3A_10 : i32
    "tpu.region"() ({
      %run_scoped3A_150 = tpu.sem_alloc : memref<!tpu.dma_semaphore, #tpu.memory_space<semaphore_mem>>
      %dma_start3A = tpu.memref_slice %arg2[%mul3A_11] : memref<320000xi32, #tpu.memory_space<hbm>> -> memref<10000xi32, #tpu.memory_space<hbm>>
      %dma_start3A_151 = tpu.memref_slice %arg2[%mul3A_11] : memref<320000xi32, #tpu.memory_space<hbm>> -> memref<10000xi32, #tpu.memory_space<hbm>>
      tpu.enqueue_dma source(%dma_start3A_151 : memref<10000xi32, #tpu.memory_space<hbm>>) target(%arg7 : memref<10000xi32, #tpu.memory_space<vmem>>) target_semaphore(%run_scoped3A_150 : memref<!tpu.dma_semaphore, #tpu.memory_space<semaphore_mem>>)
      %dma_wait3A = tpu.memref_slice %arg2[%mul3A_11] : memref<320000xi32, #tpu.memory_space<hbm>> -> memref<10000xi32, #tpu.memory_space<hbm>>
      %dma_wait3A_152 = tpu.memref_slice %arg2[%mul3A_11] : memref<320000xi32, #tpu.memory_space<hbm>> -> memref<10000xi32, #tpu.memory_space<hbm>>
      tpu.wait_dma2 semaphore(%run_scoped3A_150 : memref<!tpu.dma_semaphore, #tpu.memory_space<semaphore_mem>>) src(%dma_wait3A_152 : memref<10000xi32, #tpu.memory_space<hbm>>) dst(%arg7 : memref<10000xi32, #tpu.memory_space<vmem>>)
      tpu.yield
    }) : () -> ()
    "tpu.region"() ({
      %run_scoped3A_150 = tpu.sem_alloc : memref<!tpu.dma_semaphore, #tpu.memory_space<semaphore_mem>>
      %dma_start3A = tpu.memref_slice %arg3[%mul3A_11] : memref<320000xi32, #tpu.memory_space<hbm>> -> memref<10000xi32, #tpu.memory_space<hbm>>
      %dma_start3A_151 = tpu.memref_slice %arg3[%mul3A_11] : memref<320000xi32, #tpu.memory_space<hbm>> -> memref<10000xi32, #tpu.memory_space<hbm>>
      tpu.enqueue_dma source(%dma_start3A_151 : memref<10000xi32, #tpu.memory_space<hbm>>) target(%arg8 : memref<10000xi32, #tpu.memory_space<vmem>>) target_semaphore(%run_scoped3A_150 : memref<!tpu.dma_semaphore, #tpu.memory_space<semaphore_mem>>)
      %dma_wait3A = tpu.memref_slice %arg3[%mul3A_11] : memref<320000xi32, #tpu.memory_space<hbm>> -> memref<10000xi32, #tpu.memory_space<hbm>>
      %dma_wait3A_152 = tpu.memref_slice %arg3[%mul3A_11] : memref<320000xi32, #tpu.memory_space<hbm>> -> memref<10000xi32, #tpu.memory_space<hbm>>
      tpu.wait_dma2 semaphore(%run_scoped3A_150 : memref<!tpu.dma_semaphore, #tpu.memory_space<semaphore_mem>>) src(%dma_wait3A_152 : memref<10000xi32, #tpu.memory_space<hbm>>) dst(%arg8 : memref<10000xi32, #tpu.memory_space<vmem>>)
      tpu.yield
    }) : () -> ()
    %parallel_loop3A = arith.constant 0 : i32
    %parallel_loop3A_12 = arith.constant 625 : i32
    %parallel_loop3A_13 = arith.constant 1 : i32
    scf.for %parallel_loop3A_150 = %parallel_loop3A to %parallel_loop3A_12 step %parallel_loop3A_13  : i32 {
      %parallel_loop3A_151 = arith.constant 16 : i32
      %parallel_loop3A_152 = arith.muli %parallel_loop3A_150, %parallel_loop3A_151 : i32
      %parallel_loop3A_153 = arith.index_cast %parallel_loop3A_152 : i32 to index
      %parallel_loop3A_154 = tpu.vector_load %arg7[%parallel_loop3A_153] {strides = array<i32>} : memref<10000xi32, #tpu.memory_space<vmem>>, vector<16xi32>,
      %parallel_loop3A_155 = arith.constant 16 : i32
      %parallel_loop3A_156 = arith.muli %parallel_loop3A_150, %parallel_loop3A_155 : i32
      %parallel_loop3A_157 = arith.index_cast %parallel_loop3A_156 : i32 to index
      %parallel_loop3A_158 = tpu.vector_load %arg8[%parallel_loop3A_157] {strides = array<i32>} : memref<10000xi32, #tpu.memory_space<vmem>>, vector<16xi32>,
      tpu.vector_store_idx %arg6[%parallel_loop3A_154], %broadcast_in_dim3A_3 {add = true} : memref<20480xf32, #tpu.memory_space<vmem>>[vector<16xi32>], vector<16xf32>,
      %parallel_loop3A_159 = arith.constant 10240 : i32
      %parallel_loop3A_160 = vector.broadcast %parallel_loop3A_159 : i32 to vector<16xi32>
      %parallel_loop3A_161 = arith.addi %parallel_loop3A_158, %parallel_loop3A_160 : vector<16xi32>
      tpu.vector_store_idx %arg6[%parallel_loop3A_161], %broadcast_in_dim3A_3 {add = true} : memref<20480xf32, #tpu.memory_space<vmem>>[vector<16xi32>], vector<16xf32>,
      %parallel_loop3A_162 = arith.constant 16 : i32
      %parallel_loop3A_163 = vector.broadcast %parallel_loop3A_162 : i32 to vector<16xi32>
      %parallel_loop3A_164 = arith.shli %parallel_loop3A_158, %parallel_loop3A_163 : vector<16xi32>
      %parallel_loop3A_165 = arith.ori %parallel_loop3A_154, %parallel_loop3A_164 : vector<16xi32>
      %parallel_loop3A_166 = arith.constant 16 : i32
      %parallel_loop3A_167 = arith.muli %parallel_loop3A_150, %parallel_loop3A_166 : i32
      %parallel_loop3A_168 = arith.index_cast %parallel_loop3A_167 : i32 to index
      %parallel_loop3A_169 = tpu.vector_load %arg9[%parallel_loop3A_168] {strides = array<i32>} : memref<10000xi32, #tpu.memory_space<vmem>>, vector<16xi32>,
      tpu.vector_store %arg9[%parallel_loop3A_168], %parallel_loop3A_165 {strides = array<i32>} : memref<10000xi32, #tpu.memory_space<vmem>>, vector<16xi32>,
    } {sc.loop_unroll_factor = 4 : i64, sc.parallel_access}
    "tpu.region"() ({
      %run_scoped3A_150 = tpu.sem_alloc : memref<!tpu.dma_semaphore, #tpu.memory_space<semaphore_mem>>
      %dma_start3A = tpu.memref_slice %arg5[%mul3A_11] : memref<320000xi32, #tpu.memory_space<hbm>> -> memref<10000xi32, #tpu.memory_space<hbm>>
      %dma_start3A_151 = tpu.memref_slice %arg5[%mul3A_11] : memref<320000xi32, #tpu.memory_space<hbm>> -> memref<10000xi32, #tpu.memory_space<hbm>>
      tpu.enqueue_dma source(%arg9 : memref<10000xi32, #tpu.memory_space<vmem>>) target(%dma_start3A_151 : memref<10000xi32, #tpu.memory_space<hbm>>) target_semaphore(%run_scoped3A_150 : memref<!tpu.dma_semaphore, #tpu.memory_space<semaphore_mem>>)
      %dma_wait3A = tpu.memref_slice %arg5[%mul3A_11] : memref<320000xi32, #tpu.memory_space<hbm>> -> memref<10000xi32, #tpu.memory_space<hbm>>
      %dma_wait3A_152 = tpu.memref_slice %arg5[%mul3A_11] : memref<320000xi32, #tpu.memory_space<hbm>> -> memref<10000xi32, #tpu.memory_space<hbm>>
      tpu.wait_dma2 semaphore(%run_scoped3A_150 : memref<!tpu.dma_semaphore, #tpu.memory_space<semaphore_mem>>) src(%arg9 : memref<10000xi32, #tpu.memory_space<vmem>>) dst(%dma_wait3A_152 : memref<10000xi32, #tpu.memory_space<hbm>>)
      tpu.yield
    }) : () -> ()
    "tpu.region"() ({
      %run_scoped3A_150 = tpu.sem_alloc : memref<!tpu.dma_semaphore, #tpu.memory_space<semaphore_mem>>
      %dma_start3A = arith.constant 0 : i32
      %dma_start3A_151 = tpu.memref_slice %arg10[%arg1, %dma_start3A] : memref<16x20480xf32, #tpu.memory_space<vmem_shared>> -> memref<1x20480xf32, #tpu.memory_space<vmem_shared>>
      %dma_start3A_152 = tpu.memref_squeeze %dma_start3A_151 : memref<1x20480xf32, #tpu.memory_space<vmem_shared>> -> memref<20480xf32, #tpu.memory_space<vmem_shared>>
      %dma_start3A_153 = arith.constant 0 : i32
      %dma_start3A_154 = tpu.memref_slice %arg10[%arg1, %dma_start3A_153] : memref<16x20480xf32, #tpu.memory_space<vmem_shared>> -> memref<1x20480xf32, #tpu.memory_space<vmem_shared>>
      %dma_start3A_155 = tpu.memref_squeeze %dma_start3A_154 : memref<1x20480xf32, #tpu.memory_space<vmem_shared>> -> memref<20480xf32, #tpu.memory_space<vmem_shared>>
      tpu.enqueue_dma source(%arg6 : memref<20480xf32, #tpu.memory_space<vmem>>) target(%dma_start3A_155 : memref<20480xf32, #tpu.memory_space<vmem_shared>>) target_semaphore(%run_scoped3A_150 : memref<!tpu.dma_semaphore, #tpu.memory_space<semaphore_mem>>)
      %dma_wait3A = arith.constant 0 : i32
      %dma_wait3A_156 = tpu.memref_slice %arg10[%arg1, %dma_wait3A] : memref<16x20480xf32, #tpu.memory_space<vmem_shared>> -> memref<1x20480xf32, #tpu.memory_space<vmem_shared>>
      %dma_wait3A_157 = tpu.memref_squeeze %dma_wait3A_156 : memref<1x20480xf32, #tpu.memory_space<vmem_shared>> -> memref<20480xf32, #tpu.memory_space<vmem_shared>>
      %dma_wait3A_158 = arith.constant 0 : i32
      %dma_wait3A_159 = tpu.memref_slice %arg10[%arg1, %dma_wait3A_158] : memref<16x20480xf32, #tpu.memory_space<vmem_shared>> -> memref<1x20480xf32, #tpu.memory_space<vmem_shared>>
      %dma_wait3A_160 = tpu.memref_squeeze %dma_wait3A_159 : memref<1x20480xf32, #tpu.memory_space<vmem_shared>> -> memref<20480xf32, #tpu.memory_space<vmem_shared>>
      tpu.wait_dma2 semaphore(%run_scoped3A_150 : memref<!tpu.dma_semaphore, #tpu.memory_space<semaphore_mem>>) src(%arg6 : memref<20480xf32, #tpu.memory_space<vmem>>) dst(%dma_wait3A_160 : memref<20480xf32, #tpu.memory_space<vmem_shared>>)
      tpu.yield
    }) : () -> ()
    %barrier3A = arith.constant 0 : index
    tpu.barrier barrier_id(%barrier3A)
    %mul3A_14 = arith.constant 1280 : i32
    %mul3A_15 = arith.muli %arg1, %mul3A_14 : i32
    %scan3A_16 = arith.constant 0 : i32
    %scan3A_17 = arith.constant 0 : i32
    %scan3A_18 = arith.constant 80 : i32
    %scan3A_19 = arith.addi %scan3A_17, %scan3A_18 : i32
    %scan3A_20 = arith.constant 1 : i32
    %scan3A_21 = scf.for %scan3A_150 = %scan3A_17 to %scan3A_19 step %scan3A_20 iter_args(%scan3A_151 = %scan3A_16) -> (i32)  : i32 {
      %mul3A_152 = arith.constant 16 : i32
      %mul3A_153 = arith.muli %scan3A_150, %mul3A_152 : i32
      %swap3A = arith.index_cast %mul3A_153 : i32 to index
      %swap3A_154 = tpu.vector_load %arg12[%swap3A] {strides = array<i32>} : memref<1280xf32, #tpu.memory_space<vmem>>, vector<16xf32>,
      tpu.vector_store %arg12[%swap3A], %broadcast_in_dim3A_1 {strides = array<i32>} : memref<1280xf32, #tpu.memory_space<vmem>>, vector<16xf32>,
      %scan3A_155 = arith.constant 0 : i32
      scf.yield %scan3A_155 : i32
    }
    %scan3A_22 = arith.constant 80 : i32
    %run_scoped3A = arith.constant 0 : i32
    "tpu.region"() ({
      %run_scoped3A_150 = tpu.sem_alloc : memref<!tpu.dma_semaphore, #tpu.memory_space<semaphore_mem>>
      %dma_start3A = tpu.memref_slice %arg10[%run_scoped3A, %mul3A_15] : memref<16x20480xf32, #tpu.memory_space<vmem_shared>> -> memref<1x1280xf32, #tpu.memory_space<vmem_shared>>
      %dma_start3A_151 = tpu.memref_squeeze %dma_start3A : memref<1x1280xf32, #tpu.memory_space<vmem_shared>> -> memref<1280xf32, #tpu.memory_space<vmem_shared>>
      %dma_start3A_152 = tpu.memref_slice %arg10[%run_scoped3A, %mul3A_15] : memref<16x20480xf32, #tpu.memory_space<vmem_shared>> -> memref<1x1280xf32, #tpu.memory_space<vmem_shared>>
      %dma_start3A_153 = tpu.memref_squeeze %dma_start3A_152 : memref<1x1280xf32, #tpu.memory_space<vmem_shared>> -> memref<1280xf32, #tpu.memory_space<vmem_shared>>
      tpu.enqueue_dma source(%dma_start3A_153 : memref<1280xf32, #tpu.memory_space<vmem_shared>>) target(%arg11 : memref<1280xf32, #tpu.memory_space<vmem>>) target_semaphore(%run_scoped3A_150 : memref<!tpu.dma_semaphore, #tpu.memory_space<semaphore_mem>>)
      %dma_wait3A = tpu.memref_slice %arg10[%run_scoped3A, %mul3A_15] : memref<16x20480xf32, #tpu.memory_space<vmem_shared>> -> memref<1x1280xf32, #tpu.memory_space<vmem_shared>>
      %dma_wait3A_154 = tpu.memref_squeeze %dma_wait3A : memref<1x1280xf32, #tpu.memory_space<vmem_shared>> -> memref<1280xf32, #tpu.memory_space<vmem_shared>>
      %dma_wait3A_155 = tpu.memref_slice %arg10[%run_scoped3A, %mul3A_15] : memref<16x20480xf32, #tpu.memory_space<vmem_shared>> -> memref<1x1280xf32, #tpu.memory_space<vmem_shared>>
      %dma_wait3A_156 = tpu.memref_squeeze %dma_wait3A_155 : memref<1x1280xf32, #tpu.memory_space<vmem_shared>> -> memref<1280xf32, #tpu.memory_space<vmem_shared>>
      tpu.wait_dma2 semaphore(%run_scoped3A_150 : memref<!tpu.dma_semaphore, #tpu.memory_space<semaphore_mem>>) src(%dma_wait3A_156 : memref<1280xf32, #tpu.memory_space<vmem_shared>>) dst(%arg11 : memref<1280xf32, #tpu.memory_space<vmem>>)
      tpu.yield
    }) : () -> ()
    %scan3A_23 = arith.constant 0 : i32
    %scan3A_24 = arith.constant 0 : i32
    %scan3A_25 = arith.constant 80 : i32
    %scan3A_26 = arith.addi %scan3A_24, %scan3A_25 : i32
    %scan3A_27 = arith.constant 1 : i32
    %scan3A_28 = scf.for %scan3A_150 = %scan3A_24 to %scan3A_26 step %scan3A_27 iter_args(%scan3A_151 = %scan3A_23) -> (i32)  : i32 {
      %mul3A_152 = arith.constant 16 : i32
      %mul3A_153 = arith.muli %scan3A_150, %mul3A_152 : i32
      %get3A = arith.index_cast %mul3A_153 : i32 to index
      %get3A_154 = tpu.vector_load %arg12[%get3A] {strides = array<i32>} : memref<1280xf32, #tpu.memory_space<vmem>>, vector<16xf32>,
      %mul3A_155 = arith.constant 16 : i32
      %mul3A_156 = arith.muli %scan3A_150, %mul3A_155 : i32
      %get3A_157 = arith.index_cast %mul3A_156 : i32 to index
      %get3A_158 = tpu.vector_load %arg11[%get3A_157] {strides = array<i32>} : memref<1280xf32, #tpu.memory_space<vmem>>, vector<16xf32>,
      %add3A_159 = arith.addf %get3A_154, %get3A_158 : vector<16xf32>
      %mul3A_160 = arith.constant 16 : i32
      %mul3A_161 = arith.muli %scan3A_150, %mul3A_160 : i32
      %swap3A = arith.index_cast %mul3A_161 : i32 to index
      %swap3A_162 = tpu.vector_load %arg12[%swap3A] {strides = array<i32>} : memref<1280xf32, #tpu.memory_space<vmem>>, vector<16xf32>,
      tpu.vector_store %arg12[%swap3A], %add3A_159 {strides = array<i32>} : memref<1280xf32, #tpu.memory_space<vmem>>, vector<16xf32>,
      %scan3A_163 = arith.constant 0 : i32
      scf.yield %scan3A_163 : i32
    }
    %scan3A_29 = arith.constant 80 : i32
    %run_scoped3A_30 = arith.constant 1 : i32
    "tpu.region"() ({
      %run_scoped3A_150 = tpu.sem_alloc : memref<!tpu.dma_semaphore, #tpu.memory_space<semaphore_mem>>
      %dma_start3A = tpu.memref_slice %arg10[%run_scoped3A_30, %mul3A_15] : memref<16x20480xf32, #tpu.memory_space<vmem_shared>> -> memref<1x1280xf32, #tpu.memory_space<vmem_shared>>
      %dma_start3A_151 = tpu.memref_squeeze %dma_start3A : memref<1x1280xf32, #tpu.memory_space<vmem_shared>> -> memref<1280xf32, #tpu.memory_space<vmem_shared>>
      %dma_start3A_152 = tpu.memref_slice %arg10[%run_scoped3A_30, %mul3A_15] : memref<16x20480xf32, #tpu.memory_space<vmem_shared>> -> memref<1x1280xf32, #tpu.memory_space<vmem_shared>>
      %dma_start3A_153 = tpu.memref_squeeze %dma_start3A_152 : memref<1x1280xf32, #tpu.memory_space<vmem_shared>> -> memref<1280xf32, #tpu.memory_space<vmem_shared>>
      tpu.enqueue_dma source(%dma_start3A_153 : memref<1280xf32, #tpu.memory_space<vmem_shared>>) target(%arg11 : memref<1280xf32, #tpu.memory_space<vmem>>) target_semaphore(%run_scoped3A_150 : memref<!tpu.dma_semaphore, #tpu.memory_space<semaphore_mem>>)
      %dma_wait3A = tpu.memref_slice %arg10[%run_scoped3A_30, %mul3A_15] : memref<16x20480xf32, #tpu.memory_space<vmem_shared>> -> memref<1x1280xf32, #tpu.memory_space<vmem_shared>>
      %dma_wait3A_154 = tpu.memref_squeeze %dma_wait3A : memref<1x1280xf32, #tpu.memory_space<vmem_shared>> -> memref<1280xf32, #tpu.memory_space<vmem_shared>>
      %dma_wait3A_155 = tpu.memref_slice %arg10[%run_scoped3A_30, %mul3A_15] : memref<16x20480xf32, #tpu.memory_space<vmem_shared>> -> memref<1x1280xf32, #tpu.memory_space<vmem_shared>>
      %dma_wait3A_156 = tpu.memref_squeeze %dma_wait3A_155 : memref<1x1280xf32, #tpu.memory_space<vmem_shared>> -> memref<1280xf32, #tpu.memory_space<vmem_shared>>
      tpu.wait_dma2 semaphore(%run_scoped3A_150 : memref<!tpu.dma_semaphore, #tpu.memory_space<semaphore_mem>>) src(%dma_wait3A_156 : memref<1280xf32, #tpu.memory_space<vmem_shared>>) dst(%arg11 : memref<1280xf32, #tpu.memory_space<vmem>>)
      tpu.yield
    }) : () -> ()
    %scan3A_31 = arith.constant 0 : i32
    %scan3A_32 = arith.constant 0 : i32
    %scan3A_33 = arith.constant 80 : i32
    %scan3A_34 = arith.addi %scan3A_32, %scan3A_33 : i32
    %scan3A_35 = arith.constant 1 : i32
    %scan3A_36 = scf.for %scan3A_150 = %scan3A_32 to %scan3A_34 step %scan3A_35 iter_args(%scan3A_151 = %scan3A_31) -> (i32)  : i32 {
      %mul3A_152 = arith.constant 16 : i32
      %mul3A_153 = arith.muli %scan3A_150, %mul3A_152 : i32
      %get3A = arith.index_cast %mul3A_153 : i32 to index
      %get3A_154 = tpu.vector_load %arg12[%get3A] {strides = array<i32>} : memref<1280xf32, #tpu.memory_space<vmem>>, vector<16xf32>,
      %mul3A_155 = arith.constant 16 : i32
      %mul3A_156 = arith.muli %scan3A_150, %mul3A_155 : i32
      %get3A_157 = arith.index_cast %mul3A_156 : i32 to index
      %get3A_158 = tpu.vector_load %arg11[%get3A_157] {strides = array<i32>} : memref<1280xf32, #tpu.memory_space<vmem>>, vector<16xf32>,
      %add3A_159 = arith.addf %get3A_154, %get3A_158 : vector<16xf32>
      %mul3A_160 = arith.constant 16 : i32
      %mul3A_161 = arith.muli %scan3A_150, %mul3A_160 : i32
      %swap3A = arith.index_cast %mul3A_161 : i32 to index
      %swap3A_162 = tpu.vector_load %arg12[%swap3A] {strides = array<i32>} : memref<1280xf32, #tpu.memory_space<vmem>>, vector<16xf32>,
      tpu.vector_store %arg12[%swap3A], %add3A_159 {strides = array<i32>} : memref<1280xf32, #tpu.memory_space<vmem>>, vector<16xf32>,
      %scan3A_163 = arith.constant 0 : i32
      scf.yield %scan3A_163 : i32
    }
    %scan3A_37 = arith.constant 80 : i32
    %run_scoped3A_38 = arith.constant 2 : i32
    "tpu.region"() ({
      %run_scoped3A_150 = tpu.sem_alloc : memref<!tpu.dma_semaphore, #tpu.memory_space<semaphore_mem>>
      %dma_start3A = tpu.memref_slice %arg10[%run_scoped3A_38, %mul3A_15] : memref<16x20480xf32, #tpu.memory_space<vmem_shared>> -> memref<1x1280xf32, #tpu.memory_space<vmem_shared>>
      %dma_start3A_151 = tpu.memref_squeeze %dma_start3A : memref<1x1280xf32, #tpu.memory_space<vmem_shared>> -> memref<1280xf32, #tpu.memory_space<vmem_shared>>
      %dma_start3A_152 = tpu.memref_slice %arg10[%run_scoped3A_38, %mul3A_15] : memref<16x20480xf32, #tpu.memory_space<vmem_shared>> -> memref<1x1280xf32, #tpu.memory_space<vmem_shared>>
      %dma_start3A_153 = tpu.memref_squeeze %dma_start3A_152 : memref<1x1280xf32, #tpu.memory_space<vmem_shared>> -> memref<1280xf32, #tpu.memory_space<vmem_shared>>
      tpu.enqueue_dma source(%dma_start3A_153 : memref<1280xf32, #tpu.memory_space<vmem_shared>>) target(%arg11 : memref<1280xf32, #tpu.memory_space<vmem>>) target_semaphore(%run_scoped3A_150 : memref<!tpu.dma_semaphore, #tpu.memory_space<semaphore_mem>>)
      %dma_wait3A = tpu.memref_slice %arg10[%run_scoped3A_38, %mul3A_15] : memref<16x20480xf32, #tpu.memory_space<vmem_shared>> -> memref<1x1280xf32, #tpu.memory_space<vmem_shared>>
      %dma_wait3A_154 = tpu.memref_squeeze %dma_wait3A : memref<1x1280xf32, #tpu.memory_space<vmem_shared>> -> memref<1280xf32, #tpu.memory_space<vmem_shared>>
      %dma_wait3A_155 = tpu.memref_slice %arg10[%run_scoped3A_38, %mul3A_15] : memref<16x20480xf32, #tpu.memory_space<vmem_shared>> -> memref<1x1280xf32, #tpu.memory_space<vmem_shared>>
      %dma_wait3A_156 = tpu.memref_squeeze %dma_wait3A_155 : memref<1x1280xf32, #tpu.memory_space<vmem_shared>> -> memref<1280xf32, #tpu.memory_space<vmem_shared>>
      tpu.wait_dma2 semaphore(%run_scoped3A_150 : memref<!tpu.dma_semaphore, #tpu.memory_space<semaphore_mem>>) src(%dma_wait3A_156 : memref<1280xf32, #tpu.memory_space<vmem_shared>>) dst(%arg11 : memref<1280xf32, #tpu.memory_space<vmem>>)
      tpu.yield
    }) : () -> ()
    %scan3A_39 = arith.constant 0 : i32
    %scan3A_40 = arith.constant 0 : i32
    %scan3A_41 = arith.constant 80 : i32
    %scan3A_42 = arith.addi %scan3A_40, %scan3A_41 : i32
    %scan3A_43 = arith.constant 1 : i32
    %scan3A_44 = scf.for %scan3A_150 = %scan3A_40 to %scan3A_42 step %scan3A_43 iter_args(%scan3A_151 = %scan3A_39) -> (i32)  : i32 {
      %mul3A_152 = arith.constant 16 : i32
      %mul3A_153 = arith.muli %scan3A_150, %mul3A_152 : i32
      %get3A = arith.index_cast %mul3A_153 : i32 to index
      %get3A_154 = tpu.vector_load %arg12[%get3A] {strides = array<i32>} : memref<1280xf32, #tpu.memory_space<vmem>>, vector<16xf32>,
      %mul3A_155 = arith.constant 16 : i32
      %mul3A_156 = arith.muli %scan3A_150, %mul3A_155 : i32
      %get3A_157 = arith.index_cast %mul3A_156 : i32 to index
      %get3A_158 = tpu.vector_load %arg11[%get3A_157] {strides = array<i32>} : memref<1280xf32, #tpu.memory_space<vmem>>, vector<16xf32>,
      %add3A_159 = arith.addf %get3A_154, %get3A_158 : vector<16xf32>
      %mul3A_160 = arith.constant 16 : i32
      %mul3A_161 = arith.muli %scan3A_150, %mul3A_160 : i32
      %swap3A = arith.index_cast %mul3A_161 : i32 to index
      %swap3A_162 = tpu.vector_load %arg12[%swap3A] {strides = array<i32>} : memref<1280xf32, #tpu.memory_space<vmem>>, vector<16xf32>,
      tpu.vector_store %arg12[%swap3A], %add3A_159 {strides = array<i32>} : memref<1280xf32, #tpu.memory_space<vmem>>, vector<16xf32>,
      %scan3A_163 = arith.constant 0 : i32
      scf.yield %scan3A_163 : i32
    }
    %scan3A_45 = arith.constant 80 : i32
    %run_scoped3A_46 = arith.constant 3 : i32
    "tpu.region"() ({
      %run_scoped3A_150 = tpu.sem_alloc : memref<!tpu.dma_semaphore, #tpu.memory_space<semaphore_mem>>
      %dma_start3A = tpu.memref_slice %arg10[%run_scoped3A_46, %mul3A_15] : memref<16x20480xf32, #tpu.memory_space<vmem_shared>> -> memref<1x1280xf32, #tpu.memory_space<vmem_shared>>
      %dma_start3A_151 = tpu.memref_squeeze %dma_start3A : memref<1x1280xf32, #tpu.memory_space<vmem_shared>> -> memref<1280xf32, #tpu.memory_space<vmem_shared>>
      %dma_start3A_152 = tpu.memref_slice %arg10[%run_scoped3A_46, %mul3A_15] : memref<16x20480xf32, #tpu.memory_space<vmem_shared>> -> memref<1x1280xf32, #tpu.memory_space<vmem_shared>>
      %dma_start3A_153 = tpu.memref_squeeze %dma_start3A_152 : memref<1x1280xf32, #tpu.memory_space<vmem_shared>> -> memref<1280xf32, #tpu.memory_space<vmem_shared>>
      tpu.enqueue_dma source(%dma_start3A_153 : memref<1280xf32, #tpu.memory_space<vmem_shared>>) target(%arg11 : memref<1280xf32, #tpu.memory_space<vmem>>) target_semaphore(%run_scoped3A_150 : memref<!tpu.dma_semaphore, #tpu.memory_space<semaphore_mem>>)
      %dma_wait3A = tpu.memref_slice %arg10[%run_scoped3A_46, %mul3A_15] : memref<16x20480xf32, #tpu.memory_space<vmem_shared>> -> memref<1x1280xf32, #tpu.memory_space<vmem_shared>>
      %dma_wait3A_154 = tpu.memref_squeeze %dma_wait3A : memref<1x1280xf32, #tpu.memory_space<vmem_shared>> -> memref<1280xf32, #tpu.memory_space<vmem_shared>>
      %dma_wait3A_155 = tpu.memref_slice %arg10[%run_scoped3A_46, %mul3A_15] : memref<16x20480xf32, #tpu.memory_space<vmem_shared>> -> memref<1x1280xf32, #tpu.memory_space<vmem_shared>>
      %dma_wait3A_156 = tpu.memref_squeeze %dma_wait3A_155 : memref<1x1280xf32, #tpu.memory_space<vmem_shared>> -> memref<1280xf32, #tpu.memory_space<vmem_shared>>
      tpu.wait_dma2 semaphore(%run_scoped3A_150 : memref<!tpu.dma_semaphore, #tpu.memory_space<semaphore_mem>>) src(%dma_wait3A_156 : memref<1280xf32, #tpu.memory_space<vmem_shared>>) dst(%arg11 : memref<1280xf32, #tpu.memory_space<vmem>>)
      tpu.yield
    }) : () -> ()
    %scan3A_47 = arith.constant 0 : i32
    %scan3A_48 = arith.constant 0 : i32
    %scan3A_49 = arith.constant 80 : i32
    %scan3A_50 = arith.addi %scan3A_48, %scan3A_49 : i32
    %scan3A_51 = arith.constant 1 : i32
    %scan3A_52 = scf.for %scan3A_150 = %scan3A_48 to %scan3A_50 step %scan3A_51 iter_args(%scan3A_151 = %scan3A_47) -> (i32)  : i32 {
      %mul3A_152 = arith.constant 16 : i32
      %mul3A_153 = arith.muli %scan3A_150, %mul3A_152 : i32
      %get3A = arith.index_cast %mul3A_153 : i32 to index
      %get3A_154 = tpu.vector_load %arg12[%get3A] {strides = array<i32>} : memref<1280xf32, #tpu.memory_space<vmem>>, vector<16xf32>,
      %mul3A_155 = arith.constant 16 : i32
      %mul3A_156 = arith.muli %scan3A_150, %mul3A_155 : i32
      %get3A_157 = arith.index_cast %mul3A_156 : i32 to index
      %get3A_158 = tpu.vector_load %arg11[%get3A_157] {strides = array<i32>} : memref<1280xf32, #tpu.memory_space<vmem>>, vector<16xf32>,
      %add3A_159 = arith.addf %get3A_154, %get3A_158 : vector<16xf32>
      %mul3A_160 = arith.constant 16 : i32
      %mul3A_161 = arith.muli %scan3A_150, %mul3A_160 : i32
      %swap3A = arith.index_cast %mul3A_161 : i32 to index
      %swap3A_162 = tpu.vector_load %arg12[%swap3A] {strides = array<i32>} : memref<1280xf32, #tpu.memory_space<vmem>>, vector<16xf32>,
      tpu.vector_store %arg12[%swap3A], %add3A_159 {strides = array<i32>} : memref<1280xf32, #tpu.memory_space<vmem>>, vector<16xf32>,
      %scan3A_163 = arith.constant 0 : i32
      scf.yield %scan3A_163 : i32
    }
    %scan3A_53 = arith.constant 80 : i32
    %run_scoped3A_54 = arith.constant 4 : i32
    "tpu.region"() ({
      %run_scoped3A_150 = tpu.sem_alloc : memref<!tpu.dma_semaphore, #tpu.memory_space<semaphore_mem>>
      %dma_start3A = tpu.memref_slice %arg10[%run_scoped3A_54, %mul3A_15] : memref<16x20480xf32, #tpu.memory_space<vmem_shared>> -> memref<1x1280xf32, #tpu.memory_space<vmem_shared>>
      %dma_start3A_151 = tpu.memref_squeeze %dma_start3A : memref<1x1280xf32, #tpu.memory_space<vmem_shared>> -> memref<1280xf32, #tpu.memory_space<vmem_shared>>
      %dma_start3A_152 = tpu.memref_slice %arg10[%run_scoped3A_54, %mul3A_15] : memref<16x20480xf32, #tpu.memory_space<vmem_shared>> -> memref<1x1280xf32, #tpu.memory_space<vmem_shared>>
      %dma_start3A_153 = tpu.memref_squeeze %dma_start3A_152 : memref<1x1280xf32, #tpu.memory_space<vmem_shared>> -> memref<1280xf32, #tpu.memory_space<vmem_shared>>
      tpu.enqueue_dma source(%dma_start3A_153 : memref<1280xf32, #tpu.memory_space<vmem_shared>>) target(%arg11 : memref<1280xf32, #tpu.memory_space<vmem>>) target_semaphore(%run_scoped3A_150 : memref<!tpu.dma_semaphore, #tpu.memory_space<semaphore_mem>>)
      %dma_wait3A = tpu.memref_slice %arg10[%run_scoped3A_54, %mul3A_15] : memref<16x20480xf32, #tpu.memory_space<vmem_shared>> -> memref<1x1280xf32, #tpu.memory_space<vmem_shared>>
      %dma_wait3A_154 = tpu.memref_squeeze %dma_wait3A : memref<1x1280xf32, #tpu.memory_space<vmem_shared>> -> memref<1280xf32, #tpu.memory_space<vmem_shared>>
      %dma_wait3A_155 = tpu.memref_slice %arg10[%run_scoped3A_54, %mul3A_15] : memref<16x20480xf32, #tpu.memory_space<vmem_shared>> -> memref<1x1280xf32, #tpu.memory_space<vmem_shared>>
      %dma_wait3A_156 = tpu.memref_squeeze %dma_wait3A_155 : memref<1x1280xf32, #tpu.memory_space<vmem_shared>> -> memref<1280xf32, #tpu.memory_space<vmem_shared>>
      tpu.wait_dma2 semaphore(%run_scoped3A_150 : memref<!tpu.dma_semaphore, #tpu.memory_space<semaphore_mem>>) src(%dma_wait3A_156 : memref<1280xf32, #tpu.memory_space<vmem_shared>>) dst(%arg11 : memref<1280xf32, #tpu.memory_space<vmem>>)
      tpu.yield
    }) : () -> ()
    %scan3A_55 = arith.constant 0 : i32
    %scan3A_56 = arith.constant 0 : i32
    %scan3A_57 = arith.constant 80 : i32
    %scan3A_58 = arith.addi %scan3A_56, %scan3A_57 : i32
    %scan3A_59 = arith.constant 1 : i32
    %scan3A_60 = scf.for %scan3A_150 = %scan3A_56 to %scan3A_58 step %scan3A_59 iter_args(%scan3A_151 = %scan3A_55) -> (i32)  : i32 {
      %mul3A_152 = arith.constant 16 : i32
      %mul3A_153 = arith.muli %scan3A_150, %mul3A_152 : i32
      %get3A = arith.index_cast %mul3A_153 : i32 to index
      %get3A_154 = tpu.vector_load %arg12[%get3A] {strides = array<i32>} : memref<1280xf32, #tpu.memory_space<vmem>>, vector<16xf32>,
      %mul3A_155 = arith.constant 16 : i32
      %mul3A_156 = arith.muli %scan3A_150, %mul3A_155 : i32
      %get3A_157 = arith.index_cast %mul3A_156 : i32 to index
      %get3A_158 = tpu.vector_load %arg11[%get3A_157] {strides = array<i32>} : memref<1280xf32, #tpu.memory_space<vmem>>, vector<16xf32>,
      %add3A_159 = arith.addf %get3A_154, %get3A_158 : vector<16xf32>
      %mul3A_160 = arith.constant 16 : i32
      %mul3A_161 = arith.muli %scan3A_150, %mul3A_160 : i32
      %swap3A = arith.index_cast %mul3A_161 : i32 to index
      %swap3A_162 = tpu.vector_load %arg12[%swap3A] {strides = array<i32>} : memref<1280xf32, #tpu.memory_space<vmem>>, vector<16xf32>,
      tpu.vector_store %arg12[%swap3A], %add3A_159 {strides = array<i32>} : memref<1280xf32, #tpu.memory_space<vmem>>, vector<16xf32>,
      %scan3A_163 = arith.constant 0 : i32
      scf.yield %scan3A_163 : i32
    }
    %scan3A_61 = arith.constant 80 : i32
    %run_scoped3A_62 = arith.constant 5 : i32
    "tpu.region"() ({
      %run_scoped3A_150 = tpu.sem_alloc : memref<!tpu.dma_semaphore, #tpu.memory_space<semaphore_mem>>
      %dma_start3A = tpu.memref_slice %arg10[%run_scoped3A_62, %mul3A_15] : memref<16x20480xf32, #tpu.memory_space<vmem_shared>> -> memref<1x1280xf32, #tpu.memory_space<vmem_shared>>
      %dma_start3A_151 = tpu.memref_squeeze %dma_start3A : memref<1x1280xf32, #tpu.memory_space<vmem_shared>> -> memref<1280xf32, #tpu.memory_space<vmem_shared>>
      %dma_start3A_152 = tpu.memref_slice %arg10[%run_scoped3A_62, %mul3A_15] : memref<16x20480xf32, #tpu.memory_space<vmem_shared>> -> memref<1x1280xf32, #tpu.memory_space<vmem_shared>>
      %dma_start3A_153 = tpu.memref_squeeze %dma_start3A_152 : memref<1x1280xf32, #tpu.memory_space<vmem_shared>> -> memref<1280xf32, #tpu.memory_space<vmem_shared>>
      tpu.enqueue_dma source(%dma_start3A_153 : memref<1280xf32, #tpu.memory_space<vmem_shared>>) target(%arg11 : memref<1280xf32, #tpu.memory_space<vmem>>) target_semaphore(%run_scoped3A_150 : memref<!tpu.dma_semaphore, #tpu.memory_space<semaphore_mem>>)
      %dma_wait3A = tpu.memref_slice %arg10[%run_scoped3A_62, %mul3A_15] : memref<16x20480xf32, #tpu.memory_space<vmem_shared>> -> memref<1x1280xf32, #tpu.memory_space<vmem_shared>>
      %dma_wait3A_154 = tpu.memref_squeeze %dma_wait3A : memref<1x1280xf32, #tpu.memory_space<vmem_shared>> -> memref<1280xf32, #tpu.memory_space<vmem_shared>>
      %dma_wait3A_155 = tpu.memref_slice %arg10[%run_scoped3A_62, %mul3A_15] : memref<16x20480xf32, #tpu.memory_space<vmem_shared>> -> memref<1x1280xf32, #tpu.memory_space<vmem_shared>>
      %dma_wait3A_156 = tpu.memref_squeeze %dma_wait3A_155 : memref<1x1280xf32, #tpu.memory_space<vmem_shared>> -> memref<1280xf32, #tpu.memory_space<vmem_shared>>
      tpu.wait_dma2 semaphore(%run_scoped3A_150 : memref<!tpu.dma_semaphore, #tpu.memory_space<semaphore_mem>>) src(%dma_wait3A_156 : memref<1280xf32, #tpu.memory_space<vmem_shared>>) dst(%arg11 : memref<1280xf32, #tpu.memory_space<vmem>>)
      tpu.yield
    }) : () -> ()
    %scan3A_63 = arith.constant 0 : i32
    %scan3A_64 = arith.constant 0 : i32
    %scan3A_65 = arith.constant 80 : i32
    %scan3A_66 = arith.addi %scan3A_64, %scan3A_65 : i32
    %scan3A_67 = arith.constant 1 : i32
    %scan3A_68 = scf.for %scan3A_150 = %scan3A_64 to %scan3A_66 step %scan3A_67 iter_args(%scan3A_151 = %scan3A_63) -> (i32)  : i32 {
      %mul3A_152 = arith.constant 16 : i32
      %mul3A_153 = arith.muli %scan3A_150, %mul3A_152 : i32
      %get3A = arith.index_cast %mul3A_153 : i32 to index
      %get3A_154 = tpu.vector_load %arg12[%get3A] {strides = array<i32>} : memref<1280xf32, #tpu.memory_space<vmem>>, vector<16xf32>,
      %mul3A_155 = arith.constant 16 : i32
      %mul3A_156 = arith.muli %scan3A_150, %mul3A_155 : i32
      %get3A_157 = arith.index_cast %mul3A_156 : i32 to index
      %get3A_158 = tpu.vector_load %arg11[%get3A_157] {strides = array<i32>} : memref<1280xf32, #tpu.memory_space<vmem>>, vector<16xf32>,
      %add3A_159 = arith.addf %get3A_154, %get3A_158 : vector<16xf32>
      %mul3A_160 = arith.constant 16 : i32
      %mul3A_161 = arith.muli %scan3A_150, %mul3A_160 : i32
      %swap3A = arith.index_cast %mul3A_161 : i32 to index
      %swap3A_162 = tpu.vector_load %arg12[%swap3A] {strides = array<i32>} : memref<1280xf32, #tpu.memory_space<vmem>>, vector<16xf32>,
      tpu.vector_store %arg12[%swap3A], %add3A_159 {strides = array<i32>} : memref<1280xf32, #tpu.memory_space<vmem>>, vector<16xf32>,
      %scan3A_163 = arith.constant 0 : i32
      scf.yield %scan3A_163 : i32
    }
    %scan3A_69 = arith.constant 80 : i32
    %run_scoped3A_70 = arith.constant 6 : i32
    "tpu.region"() ({
      %run_scoped3A_150 = tpu.sem_alloc : memref<!tpu.dma_semaphore, #tpu.memory_space<semaphore_mem>>
      %dma_start3A = tpu.memref_slice %arg10[%run_scoped3A_70, %mul3A_15] : memref<16x20480xf32, #tpu.memory_space<vmem_shared>> -> memref<1x1280xf32, #tpu.memory_space<vmem_shared>>
      %dma_start3A_151 = tpu.memref_squeeze %dma_start3A : memref<1x1280xf32, #tpu.memory_space<vmem_shared>> -> memref<1280xf32, #tpu.memory_space<vmem_shared>>
      %dma_start3A_152 = tpu.memref_slice %arg10[%run_scoped3A_70, %mul3A_15] : memref<16x20480xf32, #tpu.memory_space<vmem_shared>> -> memref<1x1280xf32, #tpu.memory_space<vmem_shared>>
      %dma_start3A_153 = tpu.memref_squeeze %dma_start3A_152 : memref<1x1280xf32, #tpu.memory_space<vmem_shared>> -> memref<1280xf32, #tpu.memory_space<vmem_shared>>
      tpu.enqueue_dma source(%dma_start3A_153 : memref<1280xf32, #tpu.memory_space<vmem_shared>>) target(%arg11 : memref<1280xf32, #tpu.memory_space<vmem>>) target_semaphore(%run_scoped3A_150 : memref<!tpu.dma_semaphore, #tpu.memory_space<semaphore_mem>>)
      %dma_wait3A = tpu.memref_slice %arg10[%run_scoped3A_70, %mul3A_15] : memref<16x20480xf32, #tpu.memory_space<vmem_shared>> -> memref<1x1280xf32, #tpu.memory_space<vmem_shared>>
      %dma_wait3A_154 = tpu.memref_squeeze %dma_wait3A : memref<1x1280xf32, #tpu.memory_space<vmem_shared>> -> memref<1280xf32, #tpu.memory_space<vmem_shared>>
      %dma_wait3A_155 = tpu.memref_slice %arg10[%run_scoped3A_70, %mul3A_15] : memref<16x20480xf32, #tpu.memory_space<vmem_shared>> -> memref<1x1280xf32, #tpu.memory_space<vmem_shared>>
      %dma_wait3A_156 = tpu.memref_squeeze %dma_wait3A_155 : memref<1x1280xf32, #tpu.memory_space<vmem_shared>> -> memref<1280xf32, #tpu.memory_space<vmem_shared>>
      tpu.wait_dma2 semaphore(%run_scoped3A_150 : memref<!tpu.dma_semaphore, #tpu.memory_space<semaphore_mem>>) src(%dma_wait3A_156 : memref<1280xf32, #tpu.memory_space<vmem_shared>>) dst(%arg11 : memref<1280xf32, #tpu.memory_space<vmem>>)
      tpu.yield
    }) : () -> ()
    %scan3A_71 = arith.constant 0 : i32
    %scan3A_72 = arith.constant 0 : i32
    %scan3A_73 = arith.constant 80 : i32
    %scan3A_74 = arith.addi %scan3A_72, %scan3A_73 : i32
    %scan3A_75 = arith.constant 1 : i32
    %scan3A_76 = scf.for %scan3A_150 = %scan3A_72 to %scan3A_74 step %scan3A_75 iter_args(%scan3A_151 = %scan3A_71) -> (i32)  : i32 {
      %mul3A_152 = arith.constant 16 : i32
      %mul3A_153 = arith.muli %scan3A_150, %mul3A_152 : i32
      %get3A = arith.index_cast %mul3A_153 : i32 to index
      %get3A_154 = tpu.vector_load %arg12[%get3A] {strides = array<i32>} : memref<1280xf32, #tpu.memory_space<vmem>>, vector<16xf32>,
      %mul3A_155 = arith.constant 16 : i32
      %mul3A_156 = arith.muli %scan3A_150, %mul3A_155 : i32
      %get3A_157 = arith.index_cast %mul3A_156 : i32 to index
      %get3A_158 = tpu.vector_load %arg11[%get3A_157] {strides = array<i32>} : memref<1280xf32, #tpu.memory_space<vmem>>, vector<16xf32>,
      %add3A_159 = arith.addf %get3A_154, %get3A_158 : vector<16xf32>
      %mul3A_160 = arith.constant 16 : i32
      %mul3A_161 = arith.muli %scan3A_150, %mul3A_160 : i32
      %swap3A = arith.index_cast %mul3A_161 : i32 to index
      %swap3A_162 = tpu.vector_load %arg12[%swap3A] {strides = array<i32>} : memref<1280xf32, #tpu.memory_space<vmem>>, vector<16xf32>,
      tpu.vector_store %arg12[%swap3A], %add3A_159 {strides = array<i32>} : memref<1280xf32, #tpu.memory_space<vmem>>, vector<16xf32>,
      %scan3A_163 = arith.constant 0 : i32
      scf.yield %scan3A_163 : i32
    }
    %scan3A_77 = arith.constant 80 : i32
    %run_scoped3A_78 = arith.constant 7 : i32
    "tpu.region"() ({
      %run_scoped3A_150 = tpu.sem_alloc : memref<!tpu.dma_semaphore, #tpu.memory_space<semaphore_mem>>
      %dma_start3A = tpu.memref_slice %arg10[%run_scoped3A_78, %mul3A_15] : memref<16x20480xf32, #tpu.memory_space<vmem_shared>> -> memref<1x1280xf32, #tpu.memory_space<vmem_shared>>
      %dma_start3A_151 = tpu.memref_squeeze %dma_start3A : memref<1x1280xf32, #tpu.memory_space<vmem_shared>> -> memref<1280xf32, #tpu.memory_space<vmem_shared>>
      %dma_start3A_152 = tpu.memref_slice %arg10[%run_scoped3A_78, %mul3A_15] : memref<16x20480xf32, #tpu.memory_space<vmem_shared>> -> memref<1x1280xf32, #tpu.memory_space<vmem_shared>>
      %dma_start3A_153 = tpu.memref_squeeze %dma_start3A_152 : memref<1x1280xf32, #tpu.memory_space<vmem_shared>> -> memref<1280xf32, #tpu.memory_space<vmem_shared>>
      tpu.enqueue_dma source(%dma_start3A_153 : memref<1280xf32, #tpu.memory_space<vmem_shared>>) target(%arg11 : memref<1280xf32, #tpu.memory_space<vmem>>) target_semaphore(%run_scoped3A_150 : memref<!tpu.dma_semaphore, #tpu.memory_space<semaphore_mem>>)
      %dma_wait3A = tpu.memref_slice %arg10[%run_scoped3A_78, %mul3A_15] : memref<16x20480xf32, #tpu.memory_space<vmem_shared>> -> memref<1x1280xf32, #tpu.memory_space<vmem_shared>>
      %dma_wait3A_154 = tpu.memref_squeeze %dma_wait3A : memref<1x1280xf32, #tpu.memory_space<vmem_shared>> -> memref<1280xf32, #tpu.memory_space<vmem_shared>>
      %dma_wait3A_155 = tpu.memref_slice %arg10[%run_scoped3A_78, %mul3A_15] : memref<16x20480xf32, #tpu.memory_space<vmem_shared>> -> memref<1x1280xf32, #tpu.memory_space<vmem_shared>>
      %dma_wait3A_156 = tpu.memref_squeeze %dma_wait3A_155 : memref<1x1280xf32, #tpu.memory_space<vmem_shared>> -> memref<1280xf32, #tpu.memory_space<vmem_shared>>
      tpu.wait_dma2 semaphore(%run_scoped3A_150 : memref<!tpu.dma_semaphore, #tpu.memory_space<semaphore_mem>>) src(%dma_wait3A_156 : memref<1280xf32, #tpu.memory_space<vmem_shared>>) dst(%arg11 : memref<1280xf32, #tpu.memory_space<vmem>>)
      tpu.yield
    }) : () -> ()
    %scan3A_79 = arith.constant 0 : i32
    %scan3A_80 = arith.constant 0 : i32
    %scan3A_81 = arith.constant 80 : i32
    %scan3A_82 = arith.addi %scan3A_80, %scan3A_81 : i32
    %scan3A_83 = arith.constant 1 : i32
    %scan3A_84 = scf.for %scan3A_150 = %scan3A_80 to %scan3A_82 step %scan3A_83 iter_args(%scan3A_151 = %scan3A_79) -> (i32)  : i32 {
      %mul3A_152 = arith.constant 16 : i32
      %mul3A_153 = arith.muli %scan3A_150, %mul3A_152 : i32
      %get3A = arith.index_cast %mul3A_153 : i32 to index
      %get3A_154 = tpu.vector_load %arg12[%get3A] {strides = array<i32>} : memref<1280xf32, #tpu.memory_space<vmem>>, vector<16xf32>,
      %mul3A_155 = arith.constant 16 : i32
      %mul3A_156 = arith.muli %scan3A_150, %mul3A_155 : i32
      %get3A_157 = arith.index_cast %mul3A_156 : i32 to index
      %get3A_158 = tpu.vector_load %arg11[%get3A_157] {strides = array<i32>} : memref<1280xf32, #tpu.memory_space<vmem>>, vector<16xf32>,
      %add3A_159 = arith.addf %get3A_154, %get3A_158 : vector<16xf32>
      %mul3A_160 = arith.constant 16 : i32
      %mul3A_161 = arith.muli %scan3A_150, %mul3A_160 : i32
      %swap3A = arith.index_cast %mul3A_161 : i32 to index
      %swap3A_162 = tpu.vector_load %arg12[%swap3A] {strides = array<i32>} : memref<1280xf32, #tpu.memory_space<vmem>>, vector<16xf32>,
      tpu.vector_store %arg12[%swap3A], %add3A_159 {strides = array<i32>} : memref<1280xf32, #tpu.memory_space<vmem>>, vector<16xf32>,
      %scan3A_163 = arith.constant 0 : i32
      scf.yield %scan3A_163 : i32
    }
    %scan3A_85 = arith.constant 80 : i32
    %run_scoped3A_86 = arith.constant 8 : i32
    "tpu.region"() ({
      %run_scoped3A_150 = tpu.sem_alloc : memref<!tpu.dma_semaphore, #tpu.memory_space<semaphore_mem>>
      %dma_start3A = tpu.memref_slice %arg10[%run_scoped3A_86, %mul3A_15] : memref<16x20480xf32, #tpu.memory_space<vmem_shared>> -> memref<1x1280xf32, #tpu.memory_space<vmem_shared>>
      %dma_start3A_151 = tpu.memref_squeeze %dma_start3A : memref<1x1280xf32, #tpu.memory_space<vmem_shared>> -> memref<1280xf32, #tpu.memory_space<vmem_shared>>
      %dma_start3A_152 = tpu.memref_slice %arg10[%run_scoped3A_86, %mul3A_15] : memref<16x20480xf32, #tpu.memory_space<vmem_shared>> -> memref<1x1280xf32, #tpu.memory_space<vmem_shared>>
      %dma_start3A_153 = tpu.memref_squeeze %dma_start3A_152 : memref<1x1280xf32, #tpu.memory_space<vmem_shared>> -> memref<1280xf32, #tpu.memory_space<vmem_shared>>
      tpu.enqueue_dma source(%dma_start3A_153 : memref<1280xf32, #tpu.memory_space<vmem_shared>>) target(%arg11 : memref<1280xf32, #tpu.memory_space<vmem>>) target_semaphore(%run_scoped3A_150 : memref<!tpu.dma_semaphore, #tpu.memory_space<semaphore_mem>>)
      %dma_wait3A = tpu.memref_slice %arg10[%run_scoped3A_86, %mul3A_15] : memref<16x20480xf32, #tpu.memory_space<vmem_shared>> -> memref<1x1280xf32, #tpu.memory_space<vmem_shared>>
      %dma_wait3A_154 = tpu.memref_squeeze %dma_wait3A : memref<1x1280xf32, #tpu.memory_space<vmem_shared>> -> memref<1280xf32, #tpu.memory_space<vmem_shared>>
      %dma_wait3A_155 = tpu.memref_slice %arg10[%run_scoped3A_86, %mul3A_15] : memref<16x20480xf32, #tpu.memory_space<vmem_shared>> -> memref<1x1280xf32, #tpu.memory_space<vmem_shared>>
      %dma_wait3A_156 = tpu.memref_squeeze %dma_wait3A_155 : memref<1x1280xf32, #tpu.memory_space<vmem_shared>> -> memref<1280xf32, #tpu.memory_space<vmem_shared>>
      tpu.wait_dma2 semaphore(%run_scoped3A_150 : memref<!tpu.dma_semaphore, #tpu.memory_space<semaphore_mem>>) src(%dma_wait3A_156 : memref<1280xf32, #tpu.memory_space<vmem_shared>>) dst(%arg11 : memref<1280xf32, #tpu.memory_space<vmem>>)
      tpu.yield
    }) : () -> ()
    %scan3A_87 = arith.constant 0 : i32
    %scan3A_88 = arith.constant 0 : i32
    %scan3A_89 = arith.constant 80 : i32
    %scan3A_90 = arith.addi %scan3A_88, %scan3A_89 : i32
    %scan3A_91 = arith.constant 1 : i32
    %scan3A_92 = scf.for %scan3A_150 = %scan3A_88 to %scan3A_90 step %scan3A_91 iter_args(%scan3A_151 = %scan3A_87) -> (i32)  : i32 {
      %mul3A_152 = arith.constant 16 : i32
      %mul3A_153 = arith.muli %scan3A_150, %mul3A_152 : i32
      %get3A = arith.index_cast %mul3A_153 : i32 to index
      %get3A_154 = tpu.vector_load %arg12[%get3A] {strides = array<i32>} : memref<1280xf32, #tpu.memory_space<vmem>>, vector<16xf32>,
      %mul3A_155 = arith.constant 16 : i32
      %mul3A_156 = arith.muli %scan3A_150, %mul3A_155 : i32
      %get3A_157 = arith.index_cast %mul3A_156 : i32 to index
      %get3A_158 = tpu.vector_load %arg11[%get3A_157] {strides = array<i32>} : memref<1280xf32, #tpu.memory_space<vmem>>, vector<16xf32>,
      %add3A_159 = arith.addf %get3A_154, %get3A_158 : vector<16xf32>
      %mul3A_160 = arith.constant 16 : i32
      %mul3A_161 = arith.muli %scan3A_150, %mul3A_160 : i32
      %swap3A = arith.index_cast %mul3A_161 : i32 to index
      %swap3A_162 = tpu.vector_load %arg12[%swap3A] {strides = array<i32>} : memref<1280xf32, #tpu.memory_space<vmem>>, vector<16xf32>,
      tpu.vector_store %arg12[%swap3A], %add3A_159 {strides = array<i32>} : memref<1280xf32, #tpu.memory_space<vmem>>, vector<16xf32>,
      %scan3A_163 = arith.constant 0 : i32
      scf.yield %scan3A_163 : i32
    }
    %scan3A_93 = arith.constant 80 : i32
    %run_scoped3A_94 = arith.constant 9 : i32
    "tpu.region"() ({
      %run_scoped3A_150 = tpu.sem_alloc : memref<!tpu.dma_semaphore, #tpu.memory_space<semaphore_mem>>
      %dma_start3A = tpu.memref_slice %arg10[%run_scoped3A_94, %mul3A_15] : memref<16x20480xf32, #tpu.memory_space<vmem_shared>> -> memref<1x1280xf32, #tpu.memory_space<vmem_shared>>
      %dma_start3A_151 = tpu.memref_squeeze %dma_start3A : memref<1x1280xf32, #tpu.memory_space<vmem_shared>> -> memref<1280xf32, #tpu.memory_space<vmem_shared>>
      %dma_start3A_152 = tpu.memref_slice %arg10[%run_scoped3A_94, %mul3A_15] : memref<16x20480xf32, #tpu.memory_space<vmem_shared>> -> memref<1x1280xf32, #tpu.memory_space<vmem_shared>>
      %dma_start3A_153 = tpu.memref_squeeze %dma_start3A_152 : memref<1x1280xf32, #tpu.memory_space<vmem_shared>> -> memref<1280xf32, #tpu.memory_space<vmem_shared>>
      tpu.enqueue_dma source(%dma_start3A_153 : memref<1280xf32, #tpu.memory_space<vmem_shared>>) target(%arg11 : memref<1280xf32, #tpu.memory_space<vmem>>) target_semaphore(%run_scoped3A_150 : memref<!tpu.dma_semaphore, #tpu.memory_space<semaphore_mem>>)
      %dma_wait3A = tpu.memref_slice %arg10[%run_scoped3A_94, %mul3A_15] : memref<16x20480xf32, #tpu.memory_space<vmem_shared>> -> memref<1x1280xf32, #tpu.memory_space<vmem_shared>>
      %dma_wait3A_154 = tpu.memref_squeeze %dma_wait3A : memref<1x1280xf32, #tpu.memory_space<vmem_shared>> -> memref<1280xf32, #tpu.memory_space<vmem_shared>>
      %dma_wait3A_155 = tpu.memref_slice %arg10[%run_scoped3A_94, %mul3A_15] : memref<16x20480xf32, #tpu.memory_space<vmem_shared>> -> memref<1x1280xf32, #tpu.memory_space<vmem_shared>>
      %dma_wait3A_156 = tpu.memref_squeeze %dma_wait3A_155 : memref<1x1280xf32, #tpu.memory_space<vmem_shared>> -> memref<1280xf32, #tpu.memory_space<vmem_shared>>
      tpu.wait_dma2 semaphore(%run_scoped3A_150 : memref<!tpu.dma_semaphore, #tpu.memory_space<semaphore_mem>>) src(%dma_wait3A_156 : memref<1280xf32, #tpu.memory_space<vmem_shared>>) dst(%arg11 : memref<1280xf32, #tpu.memory_space<vmem>>)
      tpu.yield
    }) : () -> ()
    %scan3A_95 = arith.constant 0 : i32
    %scan3A_96 = arith.constant 0 : i32
    %scan3A_97 = arith.constant 80 : i32
    %scan3A_98 = arith.addi %scan3A_96, %scan3A_97 : i32
    %scan3A_99 = arith.constant 1 : i32
    %scan3A_100 = scf.for %scan3A_150 = %scan3A_96 to %scan3A_98 step %scan3A_99 iter_args(%scan3A_151 = %scan3A_95) -> (i32)  : i32 {
      %mul3A_152 = arith.constant 16 : i32
      %mul3A_153 = arith.muli %scan3A_150, %mul3A_152 : i32
      %get3A = arith.index_cast %mul3A_153 : i32 to index
      %get3A_154 = tpu.vector_load %arg12[%get3A] {strides = array<i32>} : memref<1280xf32, #tpu.memory_space<vmem>>, vector<16xf32>,
      %mul3A_155 = arith.constant 16 : i32
      %mul3A_156 = arith.muli %scan3A_150, %mul3A_155 : i32
      %get3A_157 = arith.index_cast %mul3A_156 : i32 to index
      %get3A_158 = tpu.vector_load %arg11[%get3A_157] {strides = array<i32>} : memref<1280xf32, #tpu.memory_space<vmem>>, vector<16xf32>,
      %add3A_159 = arith.addf %get3A_154, %get3A_158 : vector<16xf32>
      %mul3A_160 = arith.constant 16 : i32
      %mul3A_161 = arith.muli %scan3A_150, %mul3A_160 : i32
      %swap3A = arith.index_cast %mul3A_161 : i32 to index
      %swap3A_162 = tpu.vector_load %arg12[%swap3A] {strides = array<i32>} : memref<1280xf32, #tpu.memory_space<vmem>>, vector<16xf32>,
      tpu.vector_store %arg12[%swap3A], %add3A_159 {strides = array<i32>} : memref<1280xf32, #tpu.memory_space<vmem>>, vector<16xf32>,
      %scan3A_163 = arith.constant 0 : i32
      scf.yield %scan3A_163 : i32
    }
    %scan3A_101 = arith.constant 80 : i32
    %run_scoped3A_102 = arith.constant 10 : i32
    "tpu.region"() ({
      %run_scoped3A_150 = tpu.sem_alloc : memref<!tpu.dma_semaphore, #tpu.memory_space<semaphore_mem>>
      %dma_start3A = tpu.memref_slice %arg10[%run_scoped3A_102, %mul3A_15] : memref<16x20480xf32, #tpu.memory_space<vmem_shared>> -> memref<1x1280xf32, #tpu.memory_space<vmem_shared>>
      %dma_start3A_151 = tpu.memref_squeeze %dma_start3A : memref<1x1280xf32, #tpu.memory_space<vmem_shared>> -> memref<1280xf32, #tpu.memory_space<vmem_shared>>
      %dma_start3A_152 = tpu.memref_slice %arg10[%run_scoped3A_102, %mul3A_15] : memref<16x20480xf32, #tpu.memory_space<vmem_shared>> -> memref<1x1280xf32, #tpu.memory_space<vmem_shared>>
      %dma_start3A_153 = tpu.memref_squeeze %dma_start3A_152 : memref<1x1280xf32, #tpu.memory_space<vmem_shared>> -> memref<1280xf32, #tpu.memory_space<vmem_shared>>
      tpu.enqueue_dma source(%dma_start3A_153 : memref<1280xf32, #tpu.memory_space<vmem_shared>>) target(%arg11 : memref<1280xf32, #tpu.memory_space<vmem>>) target_semaphore(%run_scoped3A_150 : memref<!tpu.dma_semaphore, #tpu.memory_space<semaphore_mem>>)
      %dma_wait3A = tpu.memref_slice %arg10[%run_scoped3A_102, %mul3A_15] : memref<16x20480xf32, #tpu.memory_space<vmem_shared>> -> memref<1x1280xf32, #tpu.memory_space<vmem_shared>>
      %dma_wait3A_154 = tpu.memref_squeeze %dma_wait3A : memref<1x1280xf32, #tpu.memory_space<vmem_shared>> -> memref<1280xf32, #tpu.memory_space<vmem_shared>>
      %dma_wait3A_155 = tpu.memref_slice %arg10[%run_scoped3A_102, %mul3A_15] : memref<16x20480xf32, #tpu.memory_space<vmem_shared>> -> memref<1x1280xf32, #tpu.memory_space<vmem_shared>>
      %dma_wait3A_156 = tpu.memref_squeeze %dma_wait3A_155 : memref<1x1280xf32, #tpu.memory_space<vmem_shared>> -> memref<1280xf32, #tpu.memory_space<vmem_shared>>
      tpu.wait_dma2 semaphore(%run_scoped3A_150 : memref<!tpu.dma_semaphore, #tpu.memory_space<semaphore_mem>>) src(%dma_wait3A_156 : memref<1280xf32, #tpu.memory_space<vmem_shared>>) dst(%arg11 : memref<1280xf32, #tpu.memory_space<vmem>>)
      tpu.yield
    }) : () -> ()
    %scan3A_103 = arith.constant 0 : i32
    %scan3A_104 = arith.constant 0 : i32
    %scan3A_105 = arith.constant 80 : i32
    %scan3A_106 = arith.addi %scan3A_104, %scan3A_105 : i32
    %scan3A_107 = arith.constant 1 : i32
    %scan3A_108 = scf.for %scan3A_150 = %scan3A_104 to %scan3A_106 step %scan3A_107 iter_args(%scan3A_151 = %scan3A_103) -> (i32)  : i32 {
      %mul3A_152 = arith.constant 16 : i32
      %mul3A_153 = arith.muli %scan3A_150, %mul3A_152 : i32
      %get3A = arith.index_cast %mul3A_153 : i32 to index
      %get3A_154 = tpu.vector_load %arg12[%get3A] {strides = array<i32>} : memref<1280xf32, #tpu.memory_space<vmem>>, vector<16xf32>,
      %mul3A_155 = arith.constant 16 : i32
      %mul3A_156 = arith.muli %scan3A_150, %mul3A_155 : i32
      %get3A_157 = arith.index_cast %mul3A_156 : i32 to index
      %get3A_158 = tpu.vector_load %arg11[%get3A_157] {strides = array<i32>} : memref<1280xf32, #tpu.memory_space<vmem>>, vector<16xf32>,
      %add3A_159 = arith.addf %get3A_154, %get3A_158 : vector<16xf32>
      %mul3A_160 = arith.constant 16 : i32
      %mul3A_161 = arith.muli %scan3A_150, %mul3A_160 : i32
      %swap3A = arith.index_cast %mul3A_161 : i32 to index
      %swap3A_162 = tpu.vector_load %arg12[%swap3A] {strides = array<i32>} : memref<1280xf32, #tpu.memory_space<vmem>>, vector<16xf32>,
      tpu.vector_store %arg12[%swap3A], %add3A_159 {strides = array<i32>} : memref<1280xf32, #tpu.memory_space<vmem>>, vector<16xf32>,
      %scan3A_163 = arith.constant 0 : i32
      scf.yield %scan3A_163 : i32
    }
    %scan3A_109 = arith.constant 80 : i32
    %run_scoped3A_110 = arith.constant 11 : i32
    "tpu.region"() ({
      %run_scoped3A_150 = tpu.sem_alloc : memref<!tpu.dma_semaphore, #tpu.memory_space<semaphore_mem>>
      %dma_start3A = tpu.memref_slice %arg10[%run_scoped3A_110, %mul3A_15] : memref<16x20480xf32, #tpu.memory_space<vmem_shared>> -> memref<1x1280xf32, #tpu.memory_space<vmem_shared>>
      %dma_start3A_151 = tpu.memref_squeeze %dma_start3A : memref<1x1280xf32, #tpu.memory_space<vmem_shared>> -> memref<1280xf32, #tpu.memory_space<vmem_shared>>
      %dma_start3A_152 = tpu.memref_slice %arg10[%run_scoped3A_110, %mul3A_15] : memref<16x20480xf32, #tpu.memory_space<vmem_shared>> -> memref<1x1280xf32, #tpu.memory_space<vmem_shared>>
      %dma_start3A_153 = tpu.memref_squeeze %dma_start3A_152 : memref<1x1280xf32, #tpu.memory_space<vmem_shared>> -> memref<1280xf32, #tpu.memory_space<vmem_shared>>
      tpu.enqueue_dma source(%dma_start3A_153 : memref<1280xf32, #tpu.memory_space<vmem_shared>>) target(%arg11 : memref<1280xf32, #tpu.memory_space<vmem>>) target_semaphore(%run_scoped3A_150 : memref<!tpu.dma_semaphore, #tpu.memory_space<semaphore_mem>>)
      %dma_wait3A = tpu.memref_slice %arg10[%run_scoped3A_110, %mul3A_15] : memref<16x20480xf32, #tpu.memory_space<vmem_shared>> -> memref<1x1280xf32, #tpu.memory_space<vmem_shared>>
      %dma_wait3A_154 = tpu.memref_squeeze %dma_wait3A : memref<1x1280xf32, #tpu.memory_space<vmem_shared>> -> memref<1280xf32, #tpu.memory_space<vmem_shared>>
      %dma_wait3A_155 = tpu.memref_slice %arg10[%run_scoped3A_110, %mul3A_15] : memref<16x20480xf32, #tpu.memory_space<vmem_shared>> -> memref<1x1280xf32, #tpu.memory_space<vmem_shared>>
      %dma_wait3A_156 = tpu.memref_squeeze %dma_wait3A_155 : memref<1x1280xf32, #tpu.memory_space<vmem_shared>> -> memref<1280xf32, #tpu.memory_space<vmem_shared>>
      tpu.wait_dma2 semaphore(%run_scoped3A_150 : memref<!tpu.dma_semaphore, #tpu.memory_space<semaphore_mem>>) src(%dma_wait3A_156 : memref<1280xf32, #tpu.memory_space<vmem_shared>>) dst(%arg11 : memref<1280xf32, #tpu.memory_space<vmem>>)
      tpu.yield
    }) : () -> ()
    %scan3A_111 = arith.constant 0 : i32
    %scan3A_112 = arith.constant 0 : i32
    %scan3A_113 = arith.constant 80 : i32
    %scan3A_114 = arith.addi %scan3A_112, %scan3A_113 : i32
    %scan3A_115 = arith.constant 1 : i32
    %scan3A_116 = scf.for %scan3A_150 = %scan3A_112 to %scan3A_114 step %scan3A_115 iter_args(%scan3A_151 = %scan3A_111) -> (i32)  : i32 {
      %mul3A_152 = arith.constant 16 : i32
      %mul3A_153 = arith.muli %scan3A_150, %mul3A_152 : i32
      %get3A = arith.index_cast %mul3A_153 : i32 to index
      %get3A_154 = tpu.vector_load %arg12[%get3A] {strides = array<i32>} : memref<1280xf32, #tpu.memory_space<vmem>>, vector<16xf32>,
      %mul3A_155 = arith.constant 16 : i32
      %mul3A_156 = arith.muli %scan3A_150, %mul3A_155 : i32
      %get3A_157 = arith.index_cast %mul3A_156 : i32 to index
      %get3A_158 = tpu.vector_load %arg11[%get3A_157] {strides = array<i32>} : memref<1280xf32, #tpu.memory_space<vmem>>, vector<16xf32>,
      %add3A_159 = arith.addf %get3A_154, %get3A_158 : vector<16xf32>
      %mul3A_160 = arith.constant 16 : i32
      %mul3A_161 = arith.muli %scan3A_150, %mul3A_160 : i32
      %swap3A = arith.index_cast %mul3A_161 : i32 to index
      %swap3A_162 = tpu.vector_load %arg12[%swap3A] {strides = array<i32>} : memref<1280xf32, #tpu.memory_space<vmem>>, vector<16xf32>,
      tpu.vector_store %arg12[%swap3A], %add3A_159 {strides = array<i32>} : memref<1280xf32, #tpu.memory_space<vmem>>, vector<16xf32>,
      %scan3A_163 = arith.constant 0 : i32
      scf.yield %scan3A_163 : i32
    }
    %scan3A_117 = arith.constant 80 : i32
    %run_scoped3A_118 = arith.constant 12 : i32
    "tpu.region"() ({
      %run_scoped3A_150 = tpu.sem_alloc : memref<!tpu.dma_semaphore, #tpu.memory_space<semaphore_mem>>
      %dma_start3A = tpu.memref_slice %arg10[%run_scoped3A_118, %mul3A_15] : memref<16x20480xf32, #tpu.memory_space<vmem_shared>> -> memref<1x1280xf32, #tpu.memory_space<vmem_shared>>
      %dma_start3A_151 = tpu.memref_squeeze %dma_start3A : memref<1x1280xf32, #tpu.memory_space<vmem_shared>> -> memref<1280xf32, #tpu.memory_space<vmem_shared>>
      %dma_start3A_152 = tpu.memref_slice %arg10[%run_scoped3A_118, %mul3A_15] : memref<16x20480xf32, #tpu.memory_space<vmem_shared>> -> memref<1x1280xf32, #tpu.memory_space<vmem_shared>>
      %dma_start3A_153 = tpu.memref_squeeze %dma_start3A_152 : memref<1x1280xf32, #tpu.memory_space<vmem_shared>> -> memref<1280xf32, #tpu.memory_space<vmem_shared>>
      tpu.enqueue_dma source(%dma_start3A_153 : memref<1280xf32, #tpu.memory_space<vmem_shared>>) target(%arg11 : memref<1280xf32, #tpu.memory_space<vmem>>) target_semaphore(%run_scoped3A_150 : memref<!tpu.dma_semaphore, #tpu.memory_space<semaphore_mem>>)
      %dma_wait3A = tpu.memref_slice %arg10[%run_scoped3A_118, %mul3A_15] : memref<16x20480xf32, #tpu.memory_space<vmem_shared>> -> memref<1x1280xf32, #tpu.memory_space<vmem_shared>>
      %dma_wait3A_154 = tpu.memref_squeeze %dma_wait3A : memref<1x1280xf32, #tpu.memory_space<vmem_shared>> -> memref<1280xf32, #tpu.memory_space<vmem_shared>>
      %dma_wait3A_155 = tpu.memref_slice %arg10[%run_scoped3A_118, %mul3A_15] : memref<16x20480xf32, #tpu.memory_space<vmem_shared>> -> memref<1x1280xf32, #tpu.memory_space<vmem_shared>>
      %dma_wait3A_156 = tpu.memref_squeeze %dma_wait3A_155 : memref<1x1280xf32, #tpu.memory_space<vmem_shared>> -> memref<1280xf32, #tpu.memory_space<vmem_shared>>
      tpu.wait_dma2 semaphore(%run_scoped3A_150 : memref<!tpu.dma_semaphore, #tpu.memory_space<semaphore_mem>>) src(%dma_wait3A_156 : memref<1280xf32, #tpu.memory_space<vmem_shared>>) dst(%arg11 : memref<1280xf32, #tpu.memory_space<vmem>>)
      tpu.yield
    }) : () -> ()
    %scan3A_119 = arith.constant 0 : i32
    %scan3A_120 = arith.constant 0 : i32
    %scan3A_121 = arith.constant 80 : i32
    %scan3A_122 = arith.addi %scan3A_120, %scan3A_121 : i32
    %scan3A_123 = arith.constant 1 : i32
    %scan3A_124 = scf.for %scan3A_150 = %scan3A_120 to %scan3A_122 step %scan3A_123 iter_args(%scan3A_151 = %scan3A_119) -> (i32)  : i32 {
      %mul3A_152 = arith.constant 16 : i32
      %mul3A_153 = arith.muli %scan3A_150, %mul3A_152 : i32
      %get3A = arith.index_cast %mul3A_153 : i32 to index
      %get3A_154 = tpu.vector_load %arg12[%get3A] {strides = array<i32>} : memref<1280xf32, #tpu.memory_space<vmem>>, vector<16xf32>,
      %mul3A_155 = arith.constant 16 : i32
      %mul3A_156 = arith.muli %scan3A_150, %mul3A_155 : i32
      %get3A_157 = arith.index_cast %mul3A_156 : i32 to index
      %get3A_158 = tpu.vector_load %arg11[%get3A_157] {strides = array<i32>} : memref<1280xf32, #tpu.memory_space<vmem>>, vector<16xf32>,
      %add3A_159 = arith.addf %get3A_154, %get3A_158 : vector<16xf32>
      %mul3A_160 = arith.constant 16 : i32
      %mul3A_161 = arith.muli %scan3A_150, %mul3A_160 : i32
      %swap3A = arith.index_cast %mul3A_161 : i32 to index
      %swap3A_162 = tpu.vector_load %arg12[%swap3A] {strides = array<i32>} : memref<1280xf32, #tpu.memory_space<vmem>>, vector<16xf32>,
      tpu.vector_store %arg12[%swap3A], %add3A_159 {strides = array<i32>} : memref<1280xf32, #tpu.memory_space<vmem>>, vector<16xf32>,
      %scan3A_163 = arith.constant 0 : i32
      scf.yield %scan3A_163 : i32
    }
    %scan3A_125 = arith.constant 80 : i32
    %run_scoped3A_126 = arith.constant 13 : i32
    "tpu.region"() ({
      %run_scoped3A_150 = tpu.sem_alloc : memref<!tpu.dma_semaphore, #tpu.memory_space<semaphore_mem>>
      %dma_start3A = tpu.memref_slice %arg10[%run_scoped3A_126, %mul3A_15] : memref<16x20480xf32, #tpu.memory_space<vmem_shared>> -> memref<1x1280xf32, #tpu.memory_space<vmem_shared>>
      %dma_start3A_151 = tpu.memref_squeeze %dma_start3A : memref<1x1280xf32, #tpu.memory_space<vmem_shared>> -> memref<1280xf32, #tpu.memory_space<vmem_shared>>
      %dma_start3A_152 = tpu.memref_slice %arg10[%run_scoped3A_126, %mul3A_15] : memref<16x20480xf32, #tpu.memory_space<vmem_shared>> -> memref<1x1280xf32, #tpu.memory_space<vmem_shared>>
      %dma_start3A_153 = tpu.memref_squeeze %dma_start3A_152 : memref<1x1280xf32, #tpu.memory_space<vmem_shared>> -> memref<1280xf32, #tpu.memory_space<vmem_shared>>
      tpu.enqueue_dma source(%dma_start3A_153 : memref<1280xf32, #tpu.memory_space<vmem_shared>>) target(%arg11 : memref<1280xf32, #tpu.memory_space<vmem>>) target_semaphore(%run_scoped3A_150 : memref<!tpu.dma_semaphore, #tpu.memory_space<semaphore_mem>>)
      %dma_wait3A = tpu.memref_slice %arg10[%run_scoped3A_126, %mul3A_15] : memref<16x20480xf32, #tpu.memory_space<vmem_shared>> -> memref<1x1280xf32, #tpu.memory_space<vmem_shared>>
      %dma_wait3A_154 = tpu.memref_squeeze %dma_wait3A : memref<1x1280xf32, #tpu.memory_space<vmem_shared>> -> memref<1280xf32, #tpu.memory_space<vmem_shared>>
      %dma_wait3A_155 = tpu.memref_slice %arg10[%run_scoped3A_126, %mul3A_15] : memref<16x20480xf32, #tpu.memory_space<vmem_shared>> -> memref<1x1280xf32, #tpu.memory_space<vmem_shared>>
      %dma_wait3A_156 = tpu.memref_squeeze %dma_wait3A_155 : memref<1x1280xf32, #tpu.memory_space<vmem_shared>> -> memref<1280xf32, #tpu.memory_space<vmem_shared>>
      tpu.wait_dma2 semaphore(%run_scoped3A_150 : memref<!tpu.dma_semaphore, #tpu.memory_space<semaphore_mem>>) src(%dma_wait3A_156 : memref<1280xf32, #tpu.memory_space<vmem_shared>>) dst(%arg11 : memref<1280xf32, #tpu.memory_space<vmem>>)
      tpu.yield
    }) : () -> ()
    %scan3A_127 = arith.constant 0 : i32
    %scan3A_128 = arith.constant 0 : i32
    %scan3A_129 = arith.constant 80 : i32
    %scan3A_130 = arith.addi %scan3A_128, %scan3A_129 : i32
    %scan3A_131 = arith.constant 1 : i32
    %scan3A_132 = scf.for %scan3A_150 = %scan3A_128 to %scan3A_130 step %scan3A_131 iter_args(%scan3A_151 = %scan3A_127) -> (i32)  : i32 {
      %mul3A_152 = arith.constant 16 : i32
      %mul3A_153 = arith.muli %scan3A_150, %mul3A_152 : i32
      %get3A = arith.index_cast %mul3A_153 : i32 to index
      %get3A_154 = tpu.vector_load %arg12[%get3A] {strides = array<i32>} : memref<1280xf32, #tpu.memory_space<vmem>>, vector<16xf32>,
      %mul3A_155 = arith.constant 16 : i32
      %mul3A_156 = arith.muli %scan3A_150, %mul3A_155 : i32
      %get3A_157 = arith.index_cast %mul3A_156 : i32 to index
      %get3A_158 = tpu.vector_load %arg11[%get3A_157] {strides = array<i32>} : memref<1280xf32, #tpu.memory_space<vmem>>, vector<16xf32>,
      %add3A_159 = arith.addf %get3A_154, %get3A_158 : vector<16xf32>
      %mul3A_160 = arith.constant 16 : i32
      %mul3A_161 = arith.muli %scan3A_150, %mul3A_160 : i32
      %swap3A = arith.index_cast %mul3A_161 : i32 to index
      %swap3A_162 = tpu.vector_load %arg12[%swap3A] {strides = array<i32>} : memref<1280xf32, #tpu.memory_space<vmem>>, vector<16xf32>,
      tpu.vector_store %arg12[%swap3A], %add3A_159 {strides = array<i32>} : memref<1280xf32, #tpu.memory_space<vmem>>, vector<16xf32>,
      %scan3A_163 = arith.constant 0 : i32
      scf.yield %scan3A_163 : i32
    }
    %scan3A_133 = arith.constant 80 : i32
    %run_scoped3A_134 = arith.constant 14 : i32
    "tpu.region"() ({
      %run_scoped3A_150 = tpu.sem_alloc : memref<!tpu.dma_semaphore, #tpu.memory_space<semaphore_mem>>
      %dma_start3A = tpu.memref_slice %arg10[%run_scoped3A_134, %mul3A_15] : memref<16x20480xf32, #tpu.memory_space<vmem_shared>> -> memref<1x1280xf32, #tpu.memory_space<vmem_shared>>
      %dma_start3A_151 = tpu.memref_squeeze %dma_start3A : memref<1x1280xf32, #tpu.memory_space<vmem_shared>> -> memref<1280xf32, #tpu.memory_space<vmem_shared>>
      %dma_start3A_152 = tpu.memref_slice %arg10[%run_scoped3A_134, %mul3A_15] : memref<16x20480xf32, #tpu.memory_space<vmem_shared>> -> memref<1x1280xf32, #tpu.memory_space<vmem_shared>>
      %dma_start3A_153 = tpu.memref_squeeze %dma_start3A_152 : memref<1x1280xf32, #tpu.memory_space<vmem_shared>> -> memref<1280xf32, #tpu.memory_space<vmem_shared>>
      tpu.enqueue_dma source(%dma_start3A_153 : memref<1280xf32, #tpu.memory_space<vmem_shared>>) target(%arg11 : memref<1280xf32, #tpu.memory_space<vmem>>) target_semaphore(%run_scoped3A_150 : memref<!tpu.dma_semaphore, #tpu.memory_space<semaphore_mem>>)
      %dma_wait3A = tpu.memref_slice %arg10[%run_scoped3A_134, %mul3A_15] : memref<16x20480xf32, #tpu.memory_space<vmem_shared>> -> memref<1x1280xf32, #tpu.memory_space<vmem_shared>>
      %dma_wait3A_154 = tpu.memref_squeeze %dma_wait3A : memref<1x1280xf32, #tpu.memory_space<vmem_shared>> -> memref<1280xf32, #tpu.memory_space<vmem_shared>>
      %dma_wait3A_155 = tpu.memref_slice %arg10[%run_scoped3A_134, %mul3A_15] : memref<16x20480xf32, #tpu.memory_space<vmem_shared>> -> memref<1x1280xf32, #tpu.memory_space<vmem_shared>>
      %dma_wait3A_156 = tpu.memref_squeeze %dma_wait3A_155 : memref<1x1280xf32, #tpu.memory_space<vmem_shared>> -> memref<1280xf32, #tpu.memory_space<vmem_shared>>
      tpu.wait_dma2 semaphore(%run_scoped3A_150 : memref<!tpu.dma_semaphore, #tpu.memory_space<semaphore_mem>>) src(%dma_wait3A_156 : memref<1280xf32, #tpu.memory_space<vmem_shared>>) dst(%arg11 : memref<1280xf32, #tpu.memory_space<vmem>>)
      tpu.yield
    }) : () -> ()
    %scan3A_135 = arith.constant 0 : i32
    %scan3A_136 = arith.constant 0 : i32
    %scan3A_137 = arith.constant 80 : i32
    %scan3A_138 = arith.addi %scan3A_136, %scan3A_137 : i32
    %scan3A_139 = arith.constant 1 : i32
    %scan3A_140 = scf.for %scan3A_150 = %scan3A_136 to %scan3A_138 step %scan3A_139 iter_args(%scan3A_151 = %scan3A_135) -> (i32)  : i32 {
      %mul3A_152 = arith.constant 16 : i32
      %mul3A_153 = arith.muli %scan3A_150, %mul3A_152 : i32
      %get3A = arith.index_cast %mul3A_153 : i32 to index
      %get3A_154 = tpu.vector_load %arg12[%get3A] {strides = array<i32>} : memref<1280xf32, #tpu.memory_space<vmem>>, vector<16xf32>,
      %mul3A_155 = arith.constant 16 : i32
      %mul3A_156 = arith.muli %scan3A_150, %mul3A_155 : i32
      %get3A_157 = arith.index_cast %mul3A_156 : i32 to index
      %get3A_158 = tpu.vector_load %arg11[%get3A_157] {strides = array<i32>} : memref<1280xf32, #tpu.memory_space<vmem>>, vector<16xf32>,
      %add3A_159 = arith.addf %get3A_154, %get3A_158 : vector<16xf32>
      %mul3A_160 = arith.constant 16 : i32
      %mul3A_161 = arith.muli %scan3A_150, %mul3A_160 : i32
      %swap3A = arith.index_cast %mul3A_161 : i32 to index
      %swap3A_162 = tpu.vector_load %arg12[%swap3A] {strides = array<i32>} : memref<1280xf32, #tpu.memory_space<vmem>>, vector<16xf32>,
      tpu.vector_store %arg12[%swap3A], %add3A_159 {strides = array<i32>} : memref<1280xf32, #tpu.memory_space<vmem>>, vector<16xf32>,
      %scan3A_163 = arith.constant 0 : i32
      scf.yield %scan3A_163 : i32
    }
    %scan3A_141 = arith.constant 80 : i32
    %run_scoped3A_142 = arith.constant 15 : i32
    "tpu.region"() ({
      %run_scoped3A_150 = tpu.sem_alloc : memref<!tpu.dma_semaphore, #tpu.memory_space<semaphore_mem>>
      %dma_start3A = tpu.memref_slice %arg10[%run_scoped3A_142, %mul3A_15] : memref<16x20480xf32, #tpu.memory_space<vmem_shared>> -> memref<1x1280xf32, #tpu.memory_space<vmem_shared>>
      %dma_start3A_151 = tpu.memref_squeeze %dma_start3A : memref<1x1280xf32, #tpu.memory_space<vmem_shared>> -> memref<1280xf32, #tpu.memory_space<vmem_shared>>
      %dma_start3A_152 = tpu.memref_slice %arg10[%run_scoped3A_142, %mul3A_15] : memref<16x20480xf32, #tpu.memory_space<vmem_shared>> -> memref<1x1280xf32, #tpu.memory_space<vmem_shared>>
      %dma_start3A_153 = tpu.memref_squeeze %dma_start3A_152 : memref<1x1280xf32, #tpu.memory_space<vmem_shared>> -> memref<1280xf32, #tpu.memory_space<vmem_shared>>
      tpu.enqueue_dma source(%dma_start3A_153 : memref<1280xf32, #tpu.memory_space<vmem_shared>>) target(%arg11 : memref<1280xf32, #tpu.memory_space<vmem>>) target_semaphore(%run_scoped3A_150 : memref<!tpu.dma_semaphore, #tpu.memory_space<semaphore_mem>>)
      %dma_wait3A = tpu.memref_slice %arg10[%run_scoped3A_142, %mul3A_15] : memref<16x20480xf32, #tpu.memory_space<vmem_shared>> -> memref<1x1280xf32, #tpu.memory_space<vmem_shared>>
      %dma_wait3A_154 = tpu.memref_squeeze %dma_wait3A : memref<1x1280xf32, #tpu.memory_space<vmem_shared>> -> memref<1280xf32, #tpu.memory_space<vmem_shared>>
      %dma_wait3A_155 = tpu.memref_slice %arg10[%run_scoped3A_142, %mul3A_15] : memref<16x20480xf32, #tpu.memory_space<vmem_shared>> -> memref<1x1280xf32, #tpu.memory_space<vmem_shared>>
      %dma_wait3A_156 = tpu.memref_squeeze %dma_wait3A_155 : memref<1x1280xf32, #tpu.memory_space<vmem_shared>> -> memref<1280xf32, #tpu.memory_space<vmem_shared>>
      tpu.wait_dma2 semaphore(%run_scoped3A_150 : memref<!tpu.dma_semaphore, #tpu.memory_space<semaphore_mem>>) src(%dma_wait3A_156 : memref<1280xf32, #tpu.memory_space<vmem_shared>>) dst(%arg11 : memref<1280xf32, #tpu.memory_space<vmem>>)
      tpu.yield
    }) : () -> ()
    %scan3A_143 = arith.constant 0 : i32
    %scan3A_144 = arith.constant 0 : i32
    %scan3A_145 = arith.constant 80 : i32
    %scan3A_146 = arith.addi %scan3A_144, %scan3A_145 : i32
    %scan3A_147 = arith.constant 1 : i32
    %scan3A_148 = scf.for %scan3A_150 = %scan3A_144 to %scan3A_146 step %scan3A_147 iter_args(%scan3A_151 = %scan3A_143) -> (i32)  : i32 {
      %mul3A_152 = arith.constant 16 : i32
      %mul3A_153 = arith.muli %scan3A_150, %mul3A_152 : i32
      %get3A = arith.index_cast %mul3A_153 : i32 to index
      %get3A_154 = tpu.vector_load %arg12[%get3A] {strides = array<i32>} : memref<1280xf32, #tpu.memory_space<vmem>>, vector<16xf32>,
      %mul3A_155 = arith.constant 16 : i32
      %mul3A_156 = arith.muli %scan3A_150, %mul3A_155 : i32
      %get3A_157 = arith.index_cast %mul3A_156 : i32 to index
      %get3A_158 = tpu.vector_load %arg11[%get3A_157] {strides = array<i32>} : memref<1280xf32, #tpu.memory_space<vmem>>, vector<16xf32>,
      %add3A_159 = arith.addf %get3A_154, %get3A_158 : vector<16xf32>
      %mul3A_160 = arith.constant 16 : i32
      %mul3A_161 = arith.muli %scan3A_150, %mul3A_160 : i32
      %swap3A = arith.index_cast %mul3A_161 : i32 to index
      %swap3A_162 = tpu.vector_load %arg12[%swap3A] {strides = array<i32>} : memref<1280xf32, #tpu.memory_space<vmem>>, vector<16xf32>,
      tpu.vector_store %arg12[%swap3A], %add3A_159 {strides = array<i32>} : memref<1280xf32, #tpu.memory_space<vmem>>, vector<16xf32>,
      %scan3A_163 = arith.constant 0 : i32
      scf.yield %scan3A_163 : i32
    }
    %scan3A_149 = arith.constant 80 : i32
    "tpu.region"() ({
      %run_scoped3A_150 = tpu.sem_alloc : memref<!tpu.dma_semaphore, #tpu.memory_space<semaphore_mem>>
      %dma_start3A = tpu.memref_slice %arg4[%arg0, %mul3A_15] : memref<2x20480xf32, #tpu.memory_space<hbm>> -> memref<1x1280xf32, #tpu.memory_space<hbm>>
      %dma_start3A_151 = tpu.memref_squeeze %dma_start3A : memref<1x1280xf32, #tpu.memory_space<hbm>> -> memref<1280xf32, #tpu.memory_space<hbm>>
      %dma_start3A_152 = tpu.memref_slice %arg4[%arg0, %mul3A_15] : memref<2x20480xf32, #tpu.memory_space<hbm>> -> memref<1x1280xf32, #tpu.memory_space<hbm>>
      %dma_start3A_153 = tpu.memref_squeeze %dma_start3A_152 : memref<1x1280xf32, #tpu.memory_space<hbm>> -> memref<1280xf32, #tpu.memory_space<hbm>>
      tpu.enqueue_dma source(%arg12 : memref<1280xf32, #tpu.memory_space<vmem>>) target(%dma_start3A_153 : memref<1280xf32, #tpu.memory_space<hbm>>) target_semaphore(%run_scoped3A_150 : memref<!tpu.dma_semaphore, #tpu.memory_space<semaphore_mem>>)
      %dma_wait3A = tpu.memref_slice %arg4[%arg0, %mul3A_15] : memref<2x20480xf32, #tpu.memory_space<hbm>> -> memref<1x1280xf32, #tpu.memory_space<hbm>>
      %dma_wait3A_154 = tpu.memref_squeeze %dma_wait3A : memref<1x1280xf32, #tpu.memory_space<hbm>> -> memref<1280xf32, #tpu.memory_space<hbm>>
      %dma_wait3A_155 = tpu.memref_slice %arg4[%arg0, %mul3A_15] : memref<2x20480xf32, #tpu.memory_space<hbm>> -> memref<1x1280xf32, #tpu.memory_space<hbm>>
      %dma_wait3A_156 = tpu.memref_squeeze %dma_wait3A_155 : memref<1x1280xf32, #tpu.memory_space<hbm>> -> memref<1280xf32, #tpu.memory_space<hbm>>
      tpu.wait_dma2 semaphore(%run_scoped3A_150 : memref<!tpu.dma_semaphore, #tpu.memory_space<semaphore_mem>>) src(%arg12 : memref<1280xf32, #tpu.memory_space<vmem>>) dst(%dma_wait3A_156 : memref<1280xf32, #tpu.memory_space<hbm>>)
      tpu.yield
    }) : () -> ()
    return
  }
}

#map = affine_map<(d0, d1) -> (0)>
module attributes {stable_mosaic.version = 14 : i64} {
  func.func @_agg_body(%arg0: i32, %arg1: i32, %arg2: memref<640000xi32, #tpu.memory_space<hbm>>, %arg3: memref<320000xi32, #tpu.memory_space<hbm>>, %arg4: memref<1280000xf32, #tpu.memory_space<hbm>>, %arg5: memref<10000xi32, #tpu.memory_space<vmem>>, %arg6: memref<10000xi32, #tpu.memory_space<vmem>>, %arg7: memref<10000xf32, #tpu.memory_space<vmem>>, %arg8: memref<10000xf32, #tpu.memory_space<vmem>>, %arg9: memref<10000xf32, #tpu.memory_space<vmem>>, %arg10: memref<10000xf32, #tpu.memory_space<vmem>>, %arg11: memref<20000xi32, #tpu.memory_space<vmem>>, %arg12: memref<20000xi32, #tpu.memory_space<vmem>>, %arg13: memref<!tpu.dma_semaphore, #tpu.memory_space<semaphore_mem>>, %arg14: memref<!tpu.dma_semaphore, #tpu.memory_space<semaphore_mem>>) attributes {dimension_semantics = [#tpu.dimension_semantics<core_parallel>, #tpu.dimension_semantics<subcore_parallel>], iteration_bounds = array<i64: 2, 16>, scalar_prefetch = 0 : i64, scratch_operands = 10 : i64, tpu.core_type = #tpu.core_type<sc_vector_subcore>, window_params = [{transform_indices = #map}, {transform_indices = #map}, {transform_indices = #map}]} {
    %mul3A = arith.constant 2 : i32
    %mul3A_0 = arith.muli %arg1, %mul3A : i32
    %add3A = arith.addi %mul3A_0, %arg0 : i32
    %mul3A_1 = arith.constant 40000 : i32
    %mul3A_2 = arith.muli %add3A, %mul3A_1 : i32
    %broadcast_in_dim3A = arith.constant 0.000000e+00 : f32
    %broadcast_in_dim3A_3 = vector.broadcast %broadcast_in_dim3A : f32 to vector<16xf32>
    %dma_start3A = arith.constant 0 : i32
    %dma_start3A_4 = tpu.memref_slice %arg3[%dma_start3A] : memref<320000xi32, #tpu.memory_space<hbm>> -> memref<20000xi32, #tpu.memory_space<hbm>>
    %dma_start3A_5 = arith.constant 0 : i32
    %dma_start3A_6 = tpu.memref_slice %arg3[%dma_start3A_5] : memref<320000xi32, #tpu.memory_space<hbm>> -> memref<20000xi32, #tpu.memory_space<hbm>>
    tpu.enqueue_dma source(%dma_start3A_6 : memref<20000xi32, #tpu.memory_space<hbm>>) target(%arg11 : memref<20000xi32, #tpu.memory_space<vmem>>) target_semaphore(%arg13 : memref<!tpu.dma_semaphore, #tpu.memory_space<semaphore_mem>>)
    %mul3A_7 = arith.constant 20000 : i32
    %mul3A_8 = arith.muli %add3A, %mul3A_7 : i32
    %add3A_9 = arith.constant 0 : i32
    %add3A_10 = arith.addi %mul3A_8, %add3A_9 : i32
    "tpu.region"() ({
      %run_scoped3A = tpu.sem_alloc : memref<!tpu.dma_semaphore, #tpu.memory_space<semaphore_mem>>
      %dma_start3A_36 = tpu.memref_slice %arg2[%add3A_10] : memref<640000xi32, #tpu.memory_space<hbm>> -> memref<10000xi32, #tpu.memory_space<hbm>>
      %dma_start3A_37 = tpu.memref_slice %arg2[%add3A_10] : memref<640000xi32, #tpu.memory_space<hbm>> -> memref<10000xi32, #tpu.memory_space<hbm>>
      tpu.enqueue_dma source(%dma_start3A_37 : memref<10000xi32, #tpu.memory_space<hbm>>) target(%arg5 : memref<10000xi32, #tpu.memory_space<vmem>>) target_semaphore(%run_scoped3A : memref<!tpu.dma_semaphore, #tpu.memory_space<semaphore_mem>>)
      %dma_wait3A = tpu.memref_slice %arg2[%add3A_10] : memref<640000xi32, #tpu.memory_space<hbm>> -> memref<10000xi32, #tpu.memory_space<hbm>>
      %dma_wait3A_38 = tpu.memref_slice %arg2[%add3A_10] : memref<640000xi32, #tpu.memory_space<hbm>> -> memref<10000xi32, #tpu.memory_space<hbm>>
      tpu.wait_dma2 semaphore(%run_scoped3A : memref<!tpu.dma_semaphore, #tpu.memory_space<semaphore_mem>>) src(%dma_wait3A_38 : memref<10000xi32, #tpu.memory_space<hbm>>) dst(%arg5 : memref<10000xi32, #tpu.memory_space<vmem>>)
      tpu.yield
    }) : () -> ()
    %add3A_11 = arith.constant 10000 : i32
    %add3A_12 = arith.addi %mul3A_8, %add3A_11 : i32
    "tpu.region"() ({
      %run_scoped3A = tpu.sem_alloc : memref<!tpu.dma_semaphore, #tpu.memory_space<semaphore_mem>>
      %dma_start3A_36 = tpu.memref_slice %arg2[%add3A_12] : memref<640000xi32, #tpu.memory_space<hbm>> -> memref<10000xi32, #tpu.memory_space<hbm>>
      %dma_start3A_37 = tpu.memref_slice %arg2[%add3A_12] : memref<640000xi32, #tpu.memory_space<hbm>> -> memref<10000xi32, #tpu.memory_space<hbm>>
      tpu.enqueue_dma source(%dma_start3A_37 : memref<10000xi32, #tpu.memory_space<hbm>>) target(%arg6 : memref<10000xi32, #tpu.memory_space<vmem>>) target_semaphore(%run_scoped3A : memref<!tpu.dma_semaphore, #tpu.memory_space<semaphore_mem>>)
      %dma_wait3A = tpu.memref_slice %arg2[%add3A_12] : memref<640000xi32, #tpu.memory_space<hbm>> -> memref<10000xi32, #tpu.memory_space<hbm>>
      %dma_wait3A_38 = tpu.memref_slice %arg2[%add3A_12] : memref<640000xi32, #tpu.memory_space<hbm>> -> memref<10000xi32, #tpu.memory_space<hbm>>
      tpu.wait_dma2 semaphore(%run_scoped3A : memref<!tpu.dma_semaphore, #tpu.memory_space<semaphore_mem>>) src(%dma_wait3A_38 : memref<10000xi32, #tpu.memory_space<hbm>>) dst(%arg6 : memref<10000xi32, #tpu.memory_space<vmem>>)
      tpu.yield
    }) : () -> ()
    %scan3A = arith.constant 0 : i32
    %scan3A_13 = arith.constant 0 : i32
    %scan3A_14 = arith.constant 625 : i32
    %scan3A_15 = arith.addi %scan3A_13, %scan3A_14 : i32
    %scan3A_16 = arith.constant 1 : i32
    %scan3A_17 = scf.for %scan3A_36 = %scan3A_13 to %scan3A_15 step %scan3A_16 iter_args(%scan3A_37 = %scan3A) -> (i32)  : i32 {
      %mul3A_38 = arith.constant 16 : i32
      %mul3A_39 = arith.muli %scan3A_36, %mul3A_38 : i32
      %swap3A = arith.index_cast %mul3A_39 : i32 to index
      %swap3A_40 = tpu.vector_load %arg7[%swap3A] {strides = array<i32>} : memref<10000xf32, #tpu.memory_space<vmem>>, vector<16xf32>,
      tpu.vector_store %arg7[%swap3A], %broadcast_in_dim3A_3 {strides = array<i32>} : memref<10000xf32, #tpu.memory_space<vmem>>, vector<16xf32>,
      %mul3A_41 = arith.constant 16 : i32
      %mul3A_42 = arith.muli %scan3A_36, %mul3A_41 : i32
      %swap3A_43 = arith.index_cast %mul3A_42 : i32 to index
      %swap3A_44 = tpu.vector_load %arg8[%swap3A_43] {strides = array<i32>} : memref<10000xf32, #tpu.memory_space<vmem>>, vector<16xf32>,
      tpu.vector_store %arg8[%swap3A_43], %broadcast_in_dim3A_3 {strides = array<i32>} : memref<10000xf32, #tpu.memory_space<vmem>>, vector<16xf32>,
      %mul3A_45 = arith.constant 16 : i32
      %mul3A_46 = arith.muli %scan3A_36, %mul3A_45 : i32
      %swap3A_47 = arith.index_cast %mul3A_46 : i32 to index
      %swap3A_48 = tpu.vector_load %arg9[%swap3A_47] {strides = array<i32>} : memref<10000xf32, #tpu.memory_space<vmem>>, vector<16xf32>,
      tpu.vector_store %arg9[%swap3A_47], %broadcast_in_dim3A_3 {strides = array<i32>} : memref<10000xf32, #tpu.memory_space<vmem>>, vector<16xf32>,
      %mul3A_49 = arith.constant 16 : i32
      %mul3A_50 = arith.muli %scan3A_36, %mul3A_49 : i32
      %swap3A_51 = arith.index_cast %mul3A_50 : i32 to index
      %swap3A_52 = tpu.vector_load %arg10[%swap3A_51] {strides = array<i32>} : memref<10000xf32, #tpu.memory_space<vmem>>, vector<16xf32>,
      tpu.vector_store %arg10[%swap3A_51], %broadcast_in_dim3A_3 {strides = array<i32>} : memref<10000xf32, #tpu.memory_space<vmem>>, vector<16xf32>,
      %scan3A_53 = arith.constant 0 : i32
      scf.yield %scan3A_53 : i32
    }
    %scan3A_18 = arith.constant 625 : i32
    %broadcast_in_dim3A_19 = arith.constant -65536 : i32
    %broadcast_in_dim3A_20 = vector.broadcast %broadcast_in_dim3A_19 : i32 to vector<16xi32>
    %scan3A_21 = arith.constant 0 : i32
    %scan3A_22 = arith.constant 0 : i32
    %scan3A_23 = arith.constant 8 : i32
    %scan3A_24 = arith.addi %scan3A_22, %scan3A_23 : i32
    %scan3A_25 = arith.constant 1 : i32
    %scan3A_26 = scf.for %scan3A_36 = %scan3A_22 to %scan3A_24 step %scan3A_25 iter_args(%scan3A_37 = %scan3A_21) -> (i32)  : i32 {
      %mul3A_38 = arith.constant 2 : i32
      %mul3A_39 = arith.muli %mul3A_38, %scan3A_36 : i32
      %mul3A_40 = arith.constant 20000 : i32
      %mul3A_41 = arith.muli %mul3A_39, %mul3A_40 : i32
      %add3A_42 = arith.constant 20000 : i32
      %add3A_43 = arith.addi %mul3A_41, %add3A_42 : i32
      %dma_start3A_44 = tpu.memref_slice %arg3[%add3A_43] : memref<320000xi32, #tpu.memory_space<hbm>> -> memref<20000xi32, #tpu.memory_space<hbm>>
      %dma_start3A_45 = tpu.memref_slice %arg3[%add3A_43] : memref<320000xi32, #tpu.memory_space<hbm>> -> memref<20000xi32, #tpu.memory_space<hbm>>
      tpu.enqueue_dma source(%dma_start3A_45 : memref<20000xi32, #tpu.memory_space<hbm>>) target(%arg12 : memref<20000xi32, #tpu.memory_space<vmem>>) target_semaphore(%arg14 : memref<!tpu.dma_semaphore, #tpu.memory_space<semaphore_mem>>)
      %dma_wait3A = tpu.memref_slice %arg3[%mul3A_41] : memref<320000xi32, #tpu.memory_space<hbm>> -> memref<20000xi32, #tpu.memory_space<hbm>>
      %dma_wait3A_46 = tpu.memref_slice %arg3[%mul3A_41] : memref<320000xi32, #tpu.memory_space<hbm>> -> memref<20000xi32, #tpu.memory_space<hbm>>
      tpu.wait_dma2 semaphore(%arg13 : memref<!tpu.dma_semaphore, #tpu.memory_space<semaphore_mem>>) src(%dma_wait3A_46 : memref<20000xi32, #tpu.memory_space<hbm>>) dst(%arg11 : memref<20000xi32, #tpu.memory_space<vmem>>)
      %parallel_loop3A = arith.constant 0 : i32
      %parallel_loop3A_47 = arith.constant 1250 : i32
      %parallel_loop3A_48 = arith.constant 1 : i32
      scf.for %parallel_loop3A_61 = %parallel_loop3A to %parallel_loop3A_47 step %parallel_loop3A_48  : i32 {
        %parallel_loop3A_62 = arith.constant 16 : i32
        %parallel_loop3A_63 = arith.muli %parallel_loop3A_61, %parallel_loop3A_62 : i32
        %parallel_loop3A_64 = arith.index_cast %parallel_loop3A_63 : i32 to index
        %parallel_loop3A_65 = tpu.vector_load %arg11[%parallel_loop3A_64] {strides = array<i32>} : memref<20000xi32, #tpu.memory_space<vmem>>, vector<16xi32>,
        %parallel_loop3A_66 = arith.constant 65535 : i32
        %parallel_loop3A_67 = vector.broadcast %parallel_loop3A_66 : i32 to vector<16xi32>
        %parallel_loop3A_68 = arith.andi %parallel_loop3A_65, %parallel_loop3A_67 : vector<16xi32>
        %parallel_loop3A_69 = arith.constant 16 : i32
        %parallel_loop3A_70 = vector.broadcast %parallel_loop3A_69 : i32 to vector<16xi32>
        %parallel_loop3A_71 = arith.shrui %parallel_loop3A_65, %parallel_loop3A_70 : vector<16xi32>
        %parallel_loop3A_72 = tpu.vector_load_idx %arg5[%parallel_loop3A_68] : memref<10000xi32, #tpu.memory_space<vmem>>[vector<16xi32>], vector<16xi32>,
        %parallel_loop3A_73 = arith.constant 16 : i32
        %parallel_loop3A_74 = vector.broadcast %parallel_loop3A_73 : i32 to vector<16xi32>
        %parallel_loop3A_75 = arith.shli %parallel_loop3A_72, %parallel_loop3A_74 : vector<16xi32>
        %parallel_loop3A_76 = vector.bitcast %parallel_loop3A_75 : vector<16xi32> to vector<16xf32>
        %parallel_loop3A_77 = arith.andi %parallel_loop3A_72, %broadcast_in_dim3A_20 : vector<16xi32>
        %parallel_loop3A_78 = vector.bitcast %parallel_loop3A_77 : vector<16xi32> to vector<16xf32>
        tpu.vector_store_idx %arg7[%parallel_loop3A_71], %parallel_loop3A_76 {add = true} : memref<10000xf32, #tpu.memory_space<vmem>>[vector<16xi32>], vector<16xf32>,
        tpu.vector_store_idx %arg8[%parallel_loop3A_71], %parallel_loop3A_78 {add = true} : memref<10000xf32, #tpu.memory_space<vmem>>[vector<16xi32>], vector<16xf32>,
        %parallel_loop3A_79 = tpu.vector_load_idx %arg6[%parallel_loop3A_68] : memref<10000xi32, #tpu.memory_space<vmem>>[vector<16xi32>], vector<16xi32>,
        %parallel_loop3A_80 = arith.constant 16 : i32
        %parallel_loop3A_81 = vector.broadcast %parallel_loop3A_80 : i32 to vector<16xi32>
        %parallel_loop3A_82 = arith.shli %parallel_loop3A_79, %parallel_loop3A_81 : vector<16xi32>
        %parallel_loop3A_83 = vector.bitcast %parallel_loop3A_82 : vector<16xi32> to vector<16xf32>
        %parallel_loop3A_84 = arith.andi %parallel_loop3A_79, %broadcast_in_dim3A_20 : vector<16xi32>
        %parallel_loop3A_85 = vector.bitcast %parallel_loop3A_84 : vector<16xi32> to vector<16xf32>
        tpu.vector_store_idx %arg9[%parallel_loop3A_71], %parallel_loop3A_83 {add = true} : memref<10000xf32, #tpu.memory_space<vmem>>[vector<16xi32>], vector<16xf32>,
        tpu.vector_store_idx %arg10[%parallel_loop3A_71], %parallel_loop3A_85 {add = true} : memref<10000xf32, #tpu.memory_space<vmem>>[vector<16xi32>], vector<16xf32>,
      } {sc.loop_unroll_factor = 4 : i64, sc.parallel_access}
      %add3A_49 = arith.constant 1 : i32
      %add3A_50 = arith.addi %scan3A_36, %add3A_49 : i32
      %lt3A = arith.constant 8 : i32
      %lt3A_51 = arith.cmpi slt, %add3A_50, %lt3A : i32
      %convert_element_type3A = arith.extui %lt3A_51 : i1 to i32
      %cond3A = arith.constant 0 : i32
      %cond3A_52 = arith.cmpi ne, %convert_element_type3A, %cond3A : i32
      scf.if %cond3A_52 {
        %add3A_61 = arith.constant 40000 : i32
        %add3A_62 = arith.addi %mul3A_41, %add3A_61 : i32
        %dma_start3A_63 = tpu.memref_slice %arg3[%add3A_62] : memref<320000xi32, #tpu.memory_space<hbm>> -> memref<20000xi32, #tpu.memory_space<hbm>>
        %dma_start3A_64 = tpu.memref_slice %arg3[%add3A_62] : memref<320000xi32, #tpu.memory_space<hbm>> -> memref<20000xi32, #tpu.memory_space<hbm>>
        tpu.enqueue_dma source(%dma_start3A_64 : memref<20000xi32, #tpu.memory_space<hbm>>) target(%arg11 : memref<20000xi32, #tpu.memory_space<vmem>>) target_semaphore(%arg13 : memref<!tpu.dma_semaphore, #tpu.memory_space<semaphore_mem>>)
      } else {
      }
      %add3A_53 = arith.constant 20000 : i32
      %add3A_54 = arith.addi %mul3A_41, %add3A_53 : i32
      %dma_wait3A_55 = tpu.memref_slice %arg3[%add3A_54] : memref<320000xi32, #tpu.memory_space<hbm>> -> memref<20000xi32, #tpu.memory_space<hbm>>
      %dma_wait3A_56 = tpu.memref_slice %arg3[%add3A_54] : memref<320000xi32, #tpu.memory_space<hbm>> -> memref<20000xi32, #tpu.memory_space<hbm>>
      tpu.wait_dma2 semaphore(%arg14 : memref<!tpu.dma_semaphore, #tpu.memory_space<semaphore_mem>>) src(%dma_wait3A_56 : memref<20000xi32, #tpu.memory_space<hbm>>) dst(%arg12 : memref<20000xi32, #tpu.memory_space<vmem>>)
      %parallel_loop3A_57 = arith.constant 0 : i32
      %parallel_loop3A_58 = arith.constant 1250 : i32
      %parallel_loop3A_59 = arith.constant 1 : i32
      scf.for %parallel_loop3A_61 = %parallel_loop3A_57 to %parallel_loop3A_58 step %parallel_loop3A_59  : i32 {
        %parallel_loop3A_62 = arith.constant 16 : i32
        %parallel_loop3A_63 = arith.muli %parallel_loop3A_61, %parallel_loop3A_62 : i32
        %parallel_loop3A_64 = arith.index_cast %parallel_loop3A_63 : i32 to index
        %parallel_loop3A_65 = tpu.vector_load %arg12[%parallel_loop3A_64] {strides = array<i32>} : memref<20000xi32, #tpu.memory_space<vmem>>, vector<16xi32>,
        %parallel_loop3A_66 = arith.constant 65535 : i32
        %parallel_loop3A_67 = vector.broadcast %parallel_loop3A_66 : i32 to vector<16xi32>
        %parallel_loop3A_68 = arith.andi %parallel_loop3A_65, %parallel_loop3A_67 : vector<16xi32>
        %parallel_loop3A_69 = arith.constant 16 : i32
        %parallel_loop3A_70 = vector.broadcast %parallel_loop3A_69 : i32 to vector<16xi32>
        %parallel_loop3A_71 = arith.shrui %parallel_loop3A_65, %parallel_loop3A_70 : vector<16xi32>
        %parallel_loop3A_72 = tpu.vector_load_idx %arg5[%parallel_loop3A_68] : memref<10000xi32, #tpu.memory_space<vmem>>[vector<16xi32>], vector<16xi32>,
        %parallel_loop3A_73 = arith.constant 16 : i32
        %parallel_loop3A_74 = vector.broadcast %parallel_loop3A_73 : i32 to vector<16xi32>
        %parallel_loop3A_75 = arith.shli %parallel_loop3A_72, %parallel_loop3A_74 : vector<16xi32>
        %parallel_loop3A_76 = vector.bitcast %parallel_loop3A_75 : vector<16xi32> to vector<16xf32>
        %parallel_loop3A_77 = arith.andi %parallel_loop3A_72, %broadcast_in_dim3A_20 : vector<16xi32>
        %parallel_loop3A_78 = vector.bitcast %parallel_loop3A_77 : vector<16xi32> to vector<16xf32>
        tpu.vector_store_idx %arg7[%parallel_loop3A_71], %parallel_loop3A_76 {add = true} : memref<10000xf32, #tpu.memory_space<vmem>>[vector<16xi32>], vector<16xf32>,
        tpu.vector_store_idx %arg8[%parallel_loop3A_71], %parallel_loop3A_78 {add = true} : memref<10000xf32, #tpu.memory_space<vmem>>[vector<16xi32>], vector<16xf32>,
        %parallel_loop3A_79 = tpu.vector_load_idx %arg6[%parallel_loop3A_68] : memref<10000xi32, #tpu.memory_space<vmem>>[vector<16xi32>], vector<16xi32>,
        %parallel_loop3A_80 = arith.constant 16 : i32
        %parallel_loop3A_81 = vector.broadcast %parallel_loop3A_80 : i32 to vector<16xi32>
        %parallel_loop3A_82 = arith.shli %parallel_loop3A_79, %parallel_loop3A_81 : vector<16xi32>
        %parallel_loop3A_83 = vector.bitcast %parallel_loop3A_82 : vector<16xi32> to vector<16xf32>
        %parallel_loop3A_84 = arith.andi %parallel_loop3A_79, %broadcast_in_dim3A_20 : vector<16xi32>
        %parallel_loop3A_85 = vector.bitcast %parallel_loop3A_84 : vector<16xi32> to vector<16xf32>
        tpu.vector_store_idx %arg9[%parallel_loop3A_71], %parallel_loop3A_83 {add = true} : memref<10000xf32, #tpu.memory_space<vmem>>[vector<16xi32>], vector<16xf32>,
        tpu.vector_store_idx %arg10[%parallel_loop3A_71], %parallel_loop3A_85 {add = true} : memref<10000xf32, #tpu.memory_space<vmem>>[vector<16xi32>], vector<16xf32>,
      } {sc.loop_unroll_factor = 4 : i64, sc.parallel_access}
      %scan3A_60 = arith.constant 0 : i32
      scf.yield %scan3A_60 : i32
    }
    %scan3A_27 = arith.constant 8 : i32
    %add3A_28 = arith.constant 0 : i32
    %add3A_29 = arith.addi %mul3A_2, %add3A_28 : i32
    "tpu.region"() ({
      %run_scoped3A = tpu.sem_alloc : memref<!tpu.dma_semaphore, #tpu.memory_space<semaphore_mem>>
      %dma_start3A_36 = tpu.memref_slice %arg4[%add3A_29] : memref<1280000xf32, #tpu.memory_space<hbm>> -> memref<10000xf32, #tpu.memory_space<hbm>>
      %dma_start3A_37 = tpu.memref_slice %arg4[%add3A_29] : memref<1280000xf32, #tpu.memory_space<hbm>> -> memref<10000xf32, #tpu.memory_space<hbm>>
      tpu.enqueue_dma source(%arg7 : memref<10000xf32, #tpu.memory_space<vmem>>) target(%dma_start3A_37 : memref<10000xf32, #tpu.memory_space<hbm>>) target_semaphore(%run_scoped3A : memref<!tpu.dma_semaphore, #tpu.memory_space<semaphore_mem>>)
      %dma_wait3A = tpu.memref_slice %arg4[%add3A_29] : memref<1280000xf32, #tpu.memory_space<hbm>> -> memref<10000xf32, #tpu.memory_space<hbm>>
      %dma_wait3A_38 = tpu.memref_slice %arg4[%add3A_29] : memref<1280000xf32, #tpu.memory_space<hbm>> -> memref<10000xf32, #tpu.memory_space<hbm>>
      tpu.wait_dma2 semaphore(%run_scoped3A : memref<!tpu.dma_semaphore, #tpu.memory_space<semaphore_mem>>) src(%arg7 : memref<10000xf32, #tpu.memory_space<vmem>>) dst(%dma_wait3A_38 : memref<10000xf32, #tpu.memory_space<hbm>>)
      tpu.yield
    }) : () -> ()
    %add3A_30 = arith.constant 10000 : i32
    %add3A_31 = arith.addi %mul3A_2, %add3A_30 : i32
    "tpu.region"() ({
      %run_scoped3A = tpu.sem_alloc : memref<!tpu.dma_semaphore, #tpu.memory_space<semaphore_mem>>
      %dma_start3A_36 = tpu.memref_slice %arg4[%add3A_31] : memref<1280000xf32, #tpu.memory_space<hbm>> -> memref<10000xf32, #tpu.memory_space<hbm>>
      %dma_start3A_37 = tpu.memref_slice %arg4[%add3A_31] : memref<1280000xf32, #tpu.memory_space<hbm>> -> memref<10000xf32, #tpu.memory_space<hbm>>
      tpu.enqueue_dma source(%arg8 : memref<10000xf32, #tpu.memory_space<vmem>>) target(%dma_start3A_37 : memref<10000xf32, #tpu.memory_space<hbm>>) target_semaphore(%run_scoped3A : memref<!tpu.dma_semaphore, #tpu.memory_space<semaphore_mem>>)
      %dma_wait3A = tpu.memref_slice %arg4[%add3A_31] : memref<1280000xf32, #tpu.memory_space<hbm>> -> memref<10000xf32, #tpu.memory_space<hbm>>
      %dma_wait3A_38 = tpu.memref_slice %arg4[%add3A_31] : memref<1280000xf32, #tpu.memory_space<hbm>> -> memref<10000xf32, #tpu.memory_space<hbm>>
      tpu.wait_dma2 semaphore(%run_scoped3A : memref<!tpu.dma_semaphore, #tpu.memory_space<semaphore_mem>>) src(%arg8 : memref<10000xf32, #tpu.memory_space<vmem>>) dst(%dma_wait3A_38 : memref<10000xf32, #tpu.memory_space<hbm>>)
      tpu.yield
    }) : () -> ()
    %add3A_32 = arith.constant 20000 : i32
    %add3A_33 = arith.addi %mul3A_2, %add3A_32 : i32
    "tpu.region"() ({
      %run_scoped3A = tpu.sem_alloc : memref<!tpu.dma_semaphore, #tpu.memory_space<semaphore_mem>>
      %dma_start3A_36 = tpu.memref_slice %arg4[%add3A_33] : memref<1280000xf32, #tpu.memory_space<hbm>> -> memref<10000xf32, #tpu.memory_space<hbm>>
      %dma_start3A_37 = tpu.memref_slice %arg4[%add3A_33] : memref<1280000xf32, #tpu.memory_space<hbm>> -> memref<10000xf32, #tpu.memory_space<hbm>>
      tpu.enqueue_dma source(%arg9 : memref<10000xf32, #tpu.memory_space<vmem>>) target(%dma_start3A_37 : memref<10000xf32, #tpu.memory_space<hbm>>) target_semaphore(%run_scoped3A : memref<!tpu.dma_semaphore, #tpu.memory_space<semaphore_mem>>)
      %dma_wait3A = tpu.memref_slice %arg4[%add3A_33] : memref<1280000xf32, #tpu.memory_space<hbm>> -> memref<10000xf32, #tpu.memory_space<hbm>>
      %dma_wait3A_38 = tpu.memref_slice %arg4[%add3A_33] : memref<1280000xf32, #tpu.memory_space<hbm>> -> memref<10000xf32, #tpu.memory_space<hbm>>
      tpu.wait_dma2 semaphore(%run_scoped3A : memref<!tpu.dma_semaphore, #tpu.memory_space<semaphore_mem>>) src(%arg9 : memref<10000xf32, #tpu.memory_space<vmem>>) dst(%dma_wait3A_38 : memref<10000xf32, #tpu.memory_space<hbm>>)
      tpu.yield
    }) : () -> ()
    %add3A_34 = arith.constant 30000 : i32
    %add3A_35 = arith.addi %mul3A_2, %add3A_34 : i32
    "tpu.region"() ({
      %run_scoped3A = tpu.sem_alloc : memref<!tpu.dma_semaphore, #tpu.memory_space<semaphore_mem>>
      %dma_start3A_36 = tpu.memref_slice %arg4[%add3A_35] : memref<1280000xf32, #tpu.memory_space<hbm>> -> memref<10000xf32, #tpu.memory_space<hbm>>
      %dma_start3A_37 = tpu.memref_slice %arg4[%add3A_35] : memref<1280000xf32, #tpu.memory_space<hbm>> -> memref<10000xf32, #tpu.memory_space<hbm>>
      tpu.enqueue_dma source(%arg10 : memref<10000xf32, #tpu.memory_space<vmem>>) target(%dma_start3A_37 : memref<10000xf32, #tpu.memory_space<hbm>>) target_semaphore(%run_scoped3A : memref<!tpu.dma_semaphore, #tpu.memory_space<semaphore_mem>>)
      %dma_wait3A = tpu.memref_slice %arg4[%add3A_35] : memref<1280000xf32, #tpu.memory_space<hbm>> -> memref<10000xf32, #tpu.memory_space<hbm>>
      %dma_wait3A_38 = tpu.memref_slice %arg4[%add3A_35] : memref<1280000xf32, #tpu.memory_space<hbm>> -> memref<10000xf32, #tpu.memory_space<hbm>>
      tpu.wait_dma2 semaphore(%run_scoped3A : memref<!tpu.dma_semaphore, #tpu.memory_space<semaphore_mem>>) src(%arg10 : memref<10000xf32, #tpu.memory_space<vmem>>) dst(%dma_wait3A_38 : memref<10000xf32, #tpu.memory_space<hbm>>)
      tpu.yield
    }) : () -> ()
    return
  }
}

module attributes {stable_mosaic.version = 14 : i64} {
  func.func @_prep_body(%arg0: memref<10000x128xf32, #tpu.memory_space<vmem>>, %arg1: memref<2x10000xf32, #tpu.memory_space<vmem>>, %arg2: memref<2x10000xf32, #tpu.memory_space<vmem>>, %arg3: memref<64x10000xi32, #tpu.memory_space<vmem>>, %arg4: memref<1x10000xf32, #tpu.memory_space<vmem>>, %arg5: memref<1x10000xf32, #tpu.memory_space<vmem>>) attributes {dimension_semantics = [], scalar_prefetch = 0 : i64, scratch_operands = 0 : i64, tpu.core_type = #tpu.core_type<tc>} {
    %get3A = arith.constant 0 : index
    %get3A_0 = arith.constant 0 : index
    %get3A_1 = vector.load %arg1[%get3A, %get3A_0] : memref<2x10000xf32, #tpu.memory_space<vmem>>, vector<2x10000xf32>
    %get3A_2 = arith.constant 0 : index
    %get3A_3 = arith.constant 0 : index
    %get3A_4 = vector.load %arg2[%get3A_2, %get3A_3] : memref<2x10000xf32, #tpu.memory_space<vmem>>, vector<2x10000xf32>
    %slice3A = vector.extract_strided_slice %get3A_1 {offsets = [0, 0], sizes = [1, 10000], strides = [1, 1]} : vector<2x10000xf32> to vector<1x10000xf32>
    %slice3A_5 = vector.extract_strided_slice %get3A_1 {offsets = [1, 0], sizes = [1, 10000], strides = [1, 1]} : vector<2x10000xf32> to vector<1x10000xf32>
    %add3A = arith.addf %slice3A, %slice3A_5 : vector<1x10000xf32>
    %max3A = arith.constant 1.000000e+00 : f32
    %max3A_6 = vector.broadcast %max3A : f32 to vector<1x10000xf32>
    %max3A_7 = arith.maximumf %add3A, %max3A_6 : vector<1x10000xf32>
    %rsqrt3A = math.rsqrt %max3A_7 : vector<1x10000xf32>
    %slice3A_8 = vector.extract_strided_slice %get3A_4 {offsets = [0, 0], sizes = [1, 10000], strides = [1, 1]} : vector<2x10000xf32> to vector<1x10000xf32>
    %slice3A_9 = vector.extract_strided_slice %get3A_4 {offsets = [1, 0], sizes = [1, 10000], strides = [1, 1]} : vector<2x10000xf32> to vector<1x10000xf32>
    %add3A_10 = arith.addf %slice3A_8, %slice3A_9 : vector<1x10000xf32>
    %max3A_11 = arith.constant 1.000000e+00 : f32
    %max3A_12 = vector.broadcast %max3A_11 : f32 to vector<1x10000xf32>
    %max3A_13 = arith.maximumf %add3A_10, %max3A_12 : vector<1x10000xf32>
    %rsqrt3A_14 = math.rsqrt %max3A_13 : vector<1x10000xf32>
    %swap3A = arith.constant 0 : index
    %swap3A_15 = arith.constant 0 : index
    %swap3A_16 = vector.load %arg4[%swap3A, %swap3A_15] : memref<1x10000xf32, #tpu.memory_space<vmem>>, vector<1x10000xf32>
    tpu.vector_store %arg4[%swap3A, %swap3A_15], %rsqrt3A {strides = array<i32>} : memref<1x10000xf32, #tpu.memory_space<vmem>>, vector<1x10000xf32>,
    %swap3A_17 = arith.constant 0 : index
    %swap3A_18 = arith.constant 0 : index
    %swap3A_19 = vector.load %arg5[%swap3A_17, %swap3A_18] : memref<1x10000xf32, #tpu.memory_space<vmem>>, vector<1x10000xf32>
    tpu.vector_store %arg5[%swap3A_17, %swap3A_18], %rsqrt3A_14 {strides = array<i32>} : memref<1x10000xf32, #tpu.memory_space<vmem>>, vector<1x10000xf32>,
    %iota3A = tpu.iota {dimensions = array<i32: 0>} : vector<64x128xi32>
    %iota3A_20 = tpu.iota {dimensions = array<i32: 1>} : vector<64x128xi32>
    %mul3A = arith.constant 2 : i32
    %mul3A_21 = vector.broadcast %mul3A : i32 to vector<64x128xi32>
    %mul3A_22 = arith.muli %mul3A_21, %iota3A : vector<64x128xi32>
    %eq3A = arith.cmpi eq, %iota3A_20, %mul3A_22 : vector<64x128xi32>
    %convert_element_type3A = arith.extui %eq3A : vector<64x128xi1> to vector<64x128xi32>
    %convert_element_type3A_23 = arith.sitofp %convert_element_type3A : vector<64x128xi32> to vector<64x128xf32>
    %mul3A_24 = arith.constant 2 : i32
    %mul3A_25 = vector.broadcast %mul3A_24 : i32 to vector<64x128xi32>
    %mul3A_26 = arith.muli %mul3A_25, %iota3A : vector<64x128xi32>
    %add3A_27 = arith.constant 1 : i32
    %add3A_28 = vector.broadcast %add3A_27 : i32 to vector<64x128xi32>
    %add3A_29 = arith.addi %mul3A_26, %add3A_28 : vector<64x128xi32>
    %eq3A_30 = arith.cmpi eq, %iota3A_20, %add3A_29 : vector<64x128xi32>
    %convert_element_type3A_31 = arith.extui %eq3A_30 : vector<64x128xi1> to vector<64x128xi32>
    %convert_element_type3A_32 = arith.sitofp %convert_element_type3A_31 : vector<64x128xi32> to vector<64x128xf32>
    %get3A_33 = arith.constant 0 : index
    %get3A_34 = arith.constant 0 : index
    %get3A_35 = vector.load %arg0[%get3A_33, %get3A_34] : memref<10000x128xf32, #tpu.memory_space<vmem>>, vector<10000x128xf32>
    %dot_general3A = arith.constant dense<0.000000e+00> : vector<64x10000xf32>
    %dot_general3A_36 = tpu.matmul %convert_element_type3A_23, %get3A_35, %dot_general3A {dimension_numbers = #tpu.dot_dimension_numbers<[1], [1], [0], [0], [0, 0, 1, 0], [], []>, transpose_lhs_hint = false} : vector<64x128xf32>, vector<10000x128xf32>, vector<64x10000xf32> -> vector<64x10000xf32>
    %mul3A_37 = vector.broadcast %rsqrt3A : vector<1x10000xf32> to vector<64x10000xf32>
    %mul3A_38 = arith.mulf %dot_general3A_36, %mul3A_37 : vector<64x10000xf32>
    %dot_general3A_39 = arith.constant dense<0.000000e+00> : vector<64x10000xf32>
    %dot_general3A_40 = tpu.matmul %convert_element_type3A_32, %get3A_35, %dot_general3A_39 {dimension_numbers = #tpu.dot_dimension_numbers<[1], [1], [0], [0], [0, 0, 1, 0], [], []>, transpose_lhs_hint = false} : vector<64x128xf32>, vector<10000x128xf32>, vector<64x10000xf32> -> vector<64x10000xf32>
    %mul3A_41 = vector.broadcast %rsqrt3A : vector<1x10000xf32> to vector<64x10000xf32>
    %mul3A_42 = arith.mulf %dot_general3A_40, %mul3A_41 : vector<64x10000xf32>
    %convert_element_type3A_43 = arith.truncf %mul3A_38 : vector<64x10000xf32> to vector<64x10000xbf16>
    %bitcast_convert_type3A = tpu.bitcast %convert_element_type3A_43 : vector<64x10000xbf16> -> vector<64x10000xi16>
    %convert_element_type3A_44 = arith.truncf %mul3A_42 : vector<64x10000xf32> to vector<64x10000xbf16>
    %bitcast_convert_type3A_45 = tpu.bitcast %convert_element_type3A_44 : vector<64x10000xbf16> -> vector<64x10000xi16>
    %convert_element_type3A_46 = arith.extui %bitcast_convert_type3A : vector<64x10000xi16> to vector<64x10000xi32>
    %convert_element_type3A_47 = arith.extui %bitcast_convert_type3A_45 : vector<64x10000xi16> to vector<64x10000xi32>
    %shift_left3A = arith.constant 16 : i32
    %shift_left3A_48 = vector.broadcast %shift_left3A : i32 to vector<64x10000xi32>
    %shift_left3A_49 = arith.shli %convert_element_type3A_47, %shift_left3A_48 : vector<64x10000xi32>
    %or3A = arith.ori %convert_element_type3A_46, %shift_left3A_49 : vector<64x10000xi32>
    %bitcast_convert_type3A_50 = tpu.bitcast %or3A : vector<64x10000xi32> -> vector<64x10000xi32>
    %swap3A_51 = arith.constant 0 : index
    %swap3A_52 = arith.constant 0 : index
    %swap3A_53 = vector.load %arg3[%swap3A_51, %swap3A_52] : memref<64x10000xi32, #tpu.memory_space<vmem>>, vector<64x10000xi32>
    tpu.vector_store %arg3[%swap3A_51, %swap3A_52], %bitcast_convert_type3A_50 {strides = array<i32>} : memref<64x10000xi32, #tpu.memory_space<vmem>>, vector<64x10000xi32>,
    return
  }
}

module attributes {stable_mosaic.version = 14 : i64} {
  func.func @_mid_body(%arg0: memref<128x10000xf32, #tpu.memory_space<vmem>>, %arg1: memref<128x64xf32, #tpu.memory_space<vmem>>, %arg2: memref<128x64xf32, #tpu.memory_space<vmem>>, %arg3: memref<64x1xf32, #tpu.memory_space<vmem>>, %arg4: memref<64x1xf32, #tpu.memory_space<vmem>>, %arg5: memref<1x10000xf32, #tpu.memory_space<vmem>>, %arg6: memref<1x10000xf32, #tpu.memory_space<vmem>>, %arg7: memref<64x10000xi32, #tpu.memory_space<vmem>>) attributes {dimension_semantics = [], scalar_prefetch = 0 : i64, scratch_operands = 0 : i64, tpu.core_type = #tpu.core_type<tc>} {
    %get3A = arith.constant 0 : index
    %get3A_0 = arith.constant 0 : index
    %get3A_1 = vector.load %arg0[%get3A, %get3A_0] : memref<128x10000xf32, #tpu.memory_space<vmem>>, vector<128x10000xf32>
    %get3A_2 = arith.constant 0 : index
    %get3A_3 = arith.constant 0 : index
    %get3A_4 = vector.load %arg5[%get3A_2, %get3A_3] : memref<1x10000xf32, #tpu.memory_space<vmem>>, vector<1x10000xf32>
    %mul3A = vector.broadcast %get3A_4 : vector<1x10000xf32> to vector<128x10000xf32>
    %mul3A_5 = arith.mulf %get3A_1, %mul3A : vector<128x10000xf32>
    %get3A_6 = arith.constant 0 : index
    %get3A_7 = arith.constant 0 : index
    %get3A_8 = vector.load %arg6[%get3A_6, %get3A_7] : memref<1x10000xf32, #tpu.memory_space<vmem>>, vector<1x10000xf32>
    %get3A_9 = arith.constant 0 : index
    %get3A_10 = arith.constant 0 : index
    %get3A_11 = vector.load %arg1[%get3A_9, %get3A_10] : memref<128x64xf32, #tpu.memory_space<vmem>>, vector<128x64xf32>
    %dot_general3A = arith.constant dense<0.000000e+00> : vector<64x10000xf32>
    %dot_general3A_12 = tpu.matmul %get3A_11, %mul3A_5, %dot_general3A {dimension_numbers = #tpu.dot_dimension_numbers<[0], [0], [1], [1], [0, 1, 1, 1], [], []>, transpose_lhs_hint = false} : vector<128x64xf32>, vector<128x10000xf32>, vector<64x10000xf32> -> vector<64x10000xf32>
    %get3A_13 = arith.constant 0 : index
    %get3A_14 = arith.constant 0 : index
    %get3A_15 = vector.load %arg3[%get3A_13, %get3A_14] : memref<64x1xf32, #tpu.memory_space<vmem>>, vector<64x1xf32>
    %add3A = vector.broadcast %get3A_15 : vector<64x1xf32> to vector<64x10000xf32>
    %add3A_16 = arith.addf %dot_general3A_12, %add3A : vector<64x10000xf32>
    %get3A_17 = arith.constant 0 : index
    %get3A_18 = arith.constant 0 : index
    %get3A_19 = vector.load %arg2[%get3A_17, %get3A_18] : memref<128x64xf32, #tpu.memory_space<vmem>>, vector<128x64xf32>
    %dot_general3A_20 = arith.constant dense<0.000000e+00> : vector<64x10000xf32>
    %dot_general3A_21 = tpu.matmul %get3A_19, %mul3A_5, %dot_general3A_20 {dimension_numbers = #tpu.dot_dimension_numbers<[0], [0], [1], [1], [0, 1, 1, 1], [], []>, transpose_lhs_hint = false} : vector<128x64xf32>, vector<128x10000xf32>, vector<64x10000xf32> -> vector<64x10000xf32>
    %get3A_22 = arith.constant 0 : index
    %get3A_23 = arith.constant 0 : index
    %get3A_24 = vector.load %arg4[%get3A_22, %get3A_23] : memref<64x1xf32, #tpu.memory_space<vmem>>, vector<64x1xf32>
    %add3A_25 = vector.broadcast %get3A_24 : vector<64x1xf32> to vector<64x10000xf32>
    %add3A_26 = arith.addf %dot_general3A_21, %add3A_25 : vector<64x10000xf32>
    %max3A = arith.constant 0.000000e+00 : f32
    %max3A_27 = vector.broadcast %max3A : f32 to vector<64x10000xf32>
    %max3A_28 = arith.maximumf %add3A_16, %max3A_27 : vector<64x10000xf32>
    %mul3A_29 = vector.broadcast %get3A_8 : vector<1x10000xf32> to vector<64x10000xf32>
    %mul3A_30 = arith.mulf %max3A_28, %mul3A_29 : vector<64x10000xf32>
    %max3A_31 = arith.constant 0.000000e+00 : f32
    %max3A_32 = vector.broadcast %max3A_31 : f32 to vector<64x10000xf32>
    %max3A_33 = arith.maximumf %add3A_26, %max3A_32 : vector<64x10000xf32>
    %mul3A_34 = vector.broadcast %get3A_8 : vector<1x10000xf32> to vector<64x10000xf32>
    %mul3A_35 = arith.mulf %max3A_33, %mul3A_34 : vector<64x10000xf32>
    %convert_element_type3A = arith.truncf %mul3A_30 : vector<64x10000xf32> to vector<64x10000xbf16>
    %bitcast_convert_type3A = tpu.bitcast %convert_element_type3A : vector<64x10000xbf16> -> vector<64x10000xi16>
    %convert_element_type3A_36 = arith.truncf %mul3A_35 : vector<64x10000xf32> to vector<64x10000xbf16>
    %bitcast_convert_type3A_37 = tpu.bitcast %convert_element_type3A_36 : vector<64x10000xbf16> -> vector<64x10000xi16>
    %convert_element_type3A_38 = arith.extui %bitcast_convert_type3A : vector<64x10000xi16> to vector<64x10000xi32>
    %convert_element_type3A_39 = arith.extui %bitcast_convert_type3A_37 : vector<64x10000xi16> to vector<64x10000xi32>
    %shift_left3A = arith.constant 16 : i32
    %shift_left3A_40 = vector.broadcast %shift_left3A : i32 to vector<64x10000xi32>
    %shift_left3A_41 = arith.shli %convert_element_type3A_39, %shift_left3A_40 : vector<64x10000xi32>
    %or3A = arith.ori %convert_element_type3A_38, %shift_left3A_41 : vector<64x10000xi32>
    %bitcast_convert_type3A_42 = tpu.bitcast %or3A : vector<64x10000xi32> -> vector<64x10000xi32>
    %swap3A = arith.constant 0 : index
    %swap3A_43 = arith.constant 0 : index
    %swap3A_44 = vector.load %arg7[%swap3A, %swap3A_43] : memref<64x10000xi32, #tpu.memory_space<vmem>>, vector<64x10000xi32>
    tpu.vector_store %arg7[%swap3A, %swap3A_43], %bitcast_convert_type3A_42 {strides = array<i32>} : memref<64x10000xi32, #tpu.memory_space<vmem>>, vector<64x10000xi32>,
    return
  }
}

module attributes {stable_mosaic.version = 14 : i64} {
  func.func @_head_body(%arg0: memref<128x10000xf32, #tpu.memory_space<vmem>>, %arg1: memref<128x128xf32, #tpu.memory_space<vmem>>, %arg2: memref<1x128xf32, #tpu.memory_space<vmem>>, %arg3: memref<128x16xf32, #tpu.memory_space<vmem>>, %arg4: memref<1x16xf32, #tpu.memory_space<vmem>>, %arg5: memref<1x10000xf32, #tpu.memory_space<vmem>>, %arg6: memref<10000x16xf32, #tpu.memory_space<vmem>>) attributes {dimension_semantics = [], scalar_prefetch = 0 : i64, scratch_operands = 0 : i64, tpu.core_type = #tpu.core_type<tc>} {
    %get3A = arith.constant 0 : index
    %get3A_0 = arith.constant 0 : index
    %get3A_1 = vector.load %arg0[%get3A, %get3A_0] : memref<128x10000xf32, #tpu.memory_space<vmem>>, vector<128x10000xf32>
    %get3A_2 = arith.constant 0 : index
    %get3A_3 = arith.constant 0 : index
    %get3A_4 = vector.load %arg5[%get3A_2, %get3A_3] : memref<1x10000xf32, #tpu.memory_space<vmem>>, vector<1x10000xf32>
    %mul3A = vector.broadcast %get3A_4 : vector<1x10000xf32> to vector<128x10000xf32>
    %mul3A_5 = arith.mulf %get3A_1, %mul3A : vector<128x10000xf32>
    %get3A_6 = arith.constant 0 : index
    %get3A_7 = arith.constant 0 : index
    %get3A_8 = vector.load %arg1[%get3A_6, %get3A_7] : memref<128x128xf32, #tpu.memory_space<vmem>>, vector<128x128xf32>
    %dot_general3A = arith.constant dense<0.000000e+00> : vector<10000x128xf32>
    %dot_general3A_9 = tpu.matmul %mul3A_5, %get3A_8, %dot_general3A {dimension_numbers = #tpu.dot_dimension_numbers<[0], [0], [1], [1], [0, 1, 1, 1], [], []>, transpose_lhs_hint = false} : vector<128x10000xf32>, vector<128x128xf32>, vector<10000x128xf32> -> vector<10000x128xf32>
    %get3A_10 = arith.constant 0 : index
    %get3A_11 = arith.constant 0 : index
    %get3A_12 = vector.load %arg2[%get3A_10, %get3A_11] : memref<1x128xf32, #tpu.memory_space<vmem>>, vector<1x128xf32>
    %add3A = vector.broadcast %get3A_12 : vector<1x128xf32> to vector<10000x128xf32>
    %add3A_13 = arith.addf %dot_general3A_9, %add3A : vector<10000x128xf32>
    %get3A_14 = arith.constant 0 : index
    %get3A_15 = arith.constant 0 : index
    %get3A_16 = vector.load %arg3[%get3A_14, %get3A_15] : memref<128x16xf32, #tpu.memory_space<vmem>>, vector<128x16xf32>
    %dot_general3A_17 = arith.constant dense<0.000000e+00> : vector<10000x16xf32>
    %dot_general3A_18 = tpu.matmul %add3A_13, %get3A_16, %dot_general3A_17 {dimension_numbers = #tpu.dot_dimension_numbers<[1], [0], [0], [1], [0, 0, 1, 1], [], []>, transpose_lhs_hint = false} : vector<10000x128xf32>, vector<128x16xf32>, vector<10000x16xf32> -> vector<10000x16xf32>
    %get3A_19 = arith.constant 0 : index
    %get3A_20 = arith.constant 0 : index
    %get3A_21 = vector.load %arg4[%get3A_19, %get3A_20] : memref<1x16xf32, #tpu.memory_space<vmem>>, vector<1x16xf32>
    %add3A_22 = vector.broadcast %get3A_21 : vector<1x16xf32> to vector<10000x16xf32>
    %add3A_23 = arith.addf %dot_general3A_18, %add3A_22 : vector<10000x16xf32>
    %swap3A = arith.constant 0 : index
    %swap3A_24 = arith.constant 0 : index
    %swap3A_25 = vector.load %arg6[%swap3A, %swap3A_24] : memref<10000x16xf32, #tpu.memory_space<vmem>>, vector<10000x16xf32>
    tpu.vector_store %arg6[%swap3A, %swap3A_24], %add3A_23 {strides = array<i32>} : memref<10000x16xf32, #tpu.memory_space<vmem>>, vector<10000x16xf32>,
    return
  }
}

</mosaic_0001>

<sc_bundles>
// kernel: kernel.11.cloned.1.call-start
scs
__scs_entry_jumppad:
0x0: {  	(pc) =	sbr.rel $0x88, $3  }
0x1: {  	(tag) =	ssettag $0x0;
	lr =	simm.s32 $0x1  }
0x2: {  	[smem:$0x3F99] =	sst lr;
	_ =	strace $0xD0000000  }
0x3: {  	_ = 	snop  }
0x4: {  	_ = 	snop  }
0x5: {  	_ = 	snop  }
0x6: {  	_ = 	snop  }
0x7: {  	_ = 	snop  }
__scs_overlays_trampoline_lowered:
0x8: {  	[smem:$0x3FA8] =	sst s0  }
0x9: {  	[smem:$0x3FA9] =	sst s1  }
0xa: {  	[smem:$0x3FAA] =	sst s2  }
0xb: {  	[smem:$0x3FAB] =	sst s3  }
0xc: {  	[smem:$0x3FAC] =	sst s4  }
0xd: {  	[smem:$0x3FAD] =	sst s5  }
0xe: {  	[smem:$0x3FAE] =	sst s6  }
0xf: {  	[smem:$0x3FAF] =	sst s7  }
0x10: {  	[smem:$0x3FB0] =	sst s8  }
0x11: {  	[smem:$0x3FB1] =	sst s9;
	s0 =	simm.s32 @!p0 $0x0  }
0x12: {  	s1 =	sld [smem:$0x3F97];
	s0 =	simm.s32 @p0 $0x1  }
0x13: {  	[smem:$0x3FB2] =	sst s0;
	s0 =	simm.s32 @!p1 $0x0  }
0x14: {  	s2 =	sld [smem:$0x3F96];
	s0 =	simm.s32 @p1 $0x1  }
0x15: {  	[smem:$0x3FB3] =	sst s0;
	s0 =	simm.s32 @!p2 $0x0  }
0x16: {  	s3 =	sld [smem:$0x3FDB];
	s0 =	simm.s32 @p2 $0x1  }
0x17: {  	s4 =	simm.s32 $0x1BF5;
	[smem:$0x3FB5] =	sst s0  }
0x18: {  	s0 =	sld [smem:$0x3F98];
	_ =	swait.ge [sflag:s4], $0x0  }
0x19: {  	s7 =	sld [smem:$0x3F99]  }
0x1a: {  	s8 =	sadd.s32 $0xFFFFE003, lr  }
0x1b: {  	s9 =	sadd.s32 $0xFFFFFEF7, lr;
	s5 =	simm.s32 $0xFFFFFFFF;
	p2 =	slt.u32 s8, $0xFFFFF086  }
0x1c: {  	p1 =	slt.u32 s9, $0xF7A;
	s5 =	simm.s32 @!p2 $0x0  }
0x1d: {  	s5 =	simm.s32 @p1 $0x1;
	p0 =	seq.s32 s7, s2  }
0x1e: {  	s7 =	smul.u32 @!p0 $0xF7A, s2;
	p2 =	seq.s32 @!p0 s5, $0x0  }
0x1f: {  	s9 =	smul.u32 $0xF7A, s1;
	s8 =	simm.s32 @!p0 $0x1BF5;
	p2 =	por !p2, p0  }
0x20: {  	[sflag:s8] =	ssyncset.s32 @!p0 $0xFFFFF086;
	s6 =	sadd.s32 @!p0 s3, s7;
	s7 =	simm.s32 @!p0 $0x108  }
0x21: {  	s3 =	sadd.s32 s3, s9;
	s6 =	sadd.s32 @!p0 $0x88, s6;
	s7 =	simm.s32 @p2 $0x1082  }
0x22: {  	[simem:s7], [sflag:s8] =	dma.local @!p0 [hbm:s6], $0xF7A  }
0x23: {  	s9 =	sor.u32 $0xD0000000, s2;
	s6 =	simm.s32 $0x108;
	_ =	swait.ge @!p0 [sflag:s8], $0x0  }
0x24: {  	s3 =	sadd.s32 $0x88, s3;
	s6 =	simm.s32 @!p1 $0x1082;
	[sflag:s4] =	ssyncset.s32 $0xFFFFF086  }
0x25: {  	[simem:s6], [sflag:s4] =	dma.local [hbm:s3], $0xF7A  }
0x26: {  	[smem:$0x3F99] =	sst s1;
	(tag) =	ssettag s2;
	_ =	strace s9  }
0x27: {  	s1 =	sld [smem:$0x3FA9]  }
0x28: {  	s2 =	sld [smem:$0x3FAA]  }
0x29: {  	s4 =	sld [smem:$0x3FAC]  }
0x2a: {  	p0 =	seq.s32 s5, $0x0;
	s5 =	sld [smem:$0x3FAD]  }
0x2b: {  	s6 =	sld [smem:$0x3FAE]  }
0x2c: {  	s7 =	sld [smem:$0x3FAF]  }
0x2d: {  	s3 =	simm.s32 $0x108;
	s8 =	sld [smem:$0x3FB0]  }
0x2e: {  	s3 =	simm.s32 @!p0 $0x1082;
	s9 =	sld [smem:$0x3FB1]  }
0x2f: {  	lr =	sadd.s32 s0, s3;
	s0 =	sld [smem:$0x3FA8]  }
0x30: {  	s3 =	sld [smem:$0x3FAB]  }
0x31: {  	[smem:$0x3FB4] =	sst s10  }
0x32: {  	s10 =	sld [smem:$0x3FB2];
	_ =	sdelay $0x3  }
0x33: {  	p0 =	seq.s32 s10, $0x1;
	s10 =	sld [smem:$0x3FB4];
	_ =	sdelay $0x3  }
0x34: {  	[smem:$0x3FB4] =	sst s10  }
0x35: {  	s10 =	sld [smem:$0x3FB3];
	_ =	sdelay $0x3  }
0x36: {  	p1 =	seq.s32 s10, $0x1;
	s10 =	sld [smem:$0x3FB4];
	_ =	sdelay $0x3  }
0x37: {  	[smem:$0x3FB4] =	sst s10  }
0x38: {  	s10 =	sld [smem:$0x3FB5]  }
0x39: {  	_ = 	snop;
	(pc) =	sbr.ind lr, $3  }
0x3a: {  	_ = 	snop  }
0x3b: {  	_ = 	snop  }
0x3c: {  	p2 =	seq.s32 s10, $0x1;
	s10 =	sld [smem:$0x3FB4]  }
0x3d: {  	_ =	shalt  }
0x3e: {  	_ =	shalt  }
0x3f: {  	_ =	shalt  }
0x40: {  	_ =	shalt  }
0x41: {  	_ =	shalt  }
0x42: {  	_ =	shalt  }
0x43: {  	_ =	shalt  }
0x44: {  	_ =	shalt  }
0x45: {  	_ =	shalt  }
0x46: {  	_ =	shalt  }
0x47: {  	_ =	shalt  }
0x48: {  	_ =	shalt  }
0x49: {  	_ =	shalt  }
0x4a: {  	_ =	shalt  }
0x4b: {  	_ =	shalt  }
0x4c: {  	_ =	shalt  }
0x4d: {  	_ =	shalt  }
0x4e: {  	_ =	shalt  }
0x4f: {  	_ =	shalt  }
0x50: {  	_ =	shalt  }
0x51: {  	_ =	shalt  }
0x52: {  	_ =	shalt  }
0x53: {  	_ =	shalt  }
0x54: {  	_ =	shalt  }
0x55: {  	_ =	shalt  }
0x56: {  	_ =	shalt  }
0x57: {  	_ =	shalt  }
0x58: {  	_ =	shalt  }
0x59: {  	_ =	shalt  }
0x5a: {  	_ =	shalt  }
0x5b: {  	_ =	shalt  }
0x5c: {  	_ =	shalt  }
0x5d: {  	_ =	shalt  }
0x5e: {  	_ =	shalt  }
0x5f: {  	_ =	shalt  }
0x60: {  	_ =	shalt  }
0x61: {  	_ =	shalt  }
0x62: {  	_ =	shalt  }
0x63: {  	_ =	shalt  }
0x64: {  	_ =	shalt  }
0x65: {  	_ =	shalt  }
0x66: {  	_ =	shalt  }
0x67: {  	_ =	shalt  }
0x68: {  	_ =	shalt  }
0x69: {  	_ =	shalt  }
0x6a: {  	_ =	shalt  }
0x6b: {  	_ =	shalt  }
0x6c: {  	_ =	shalt  }
0x6d: {  	_ =	shalt  }
0x6e: {  	_ =	shalt  }
0x6f: {  	_ =	shalt  }
0x70: {  	_ =	shalt  }
0x71: {  	_ =	shalt  }
0x72: {  	_ =	shalt  }
0x73: {  	_ =	shalt  }
0x74: {  	_ =	shalt  }
0x75: {  	_ =	shalt  }
0x76: {  	_ =	shalt  }
0x77: {  	_ =	shalt  }
0x78: {  	_ =	shalt  }
0x79: {  	_ =	shalt  }
0x7a: {  	_ =	shalt  }
0x7b: {  	_ =	shalt  }
0x7c: {  	_ =	shalt  }
0x7d: {  	_ =	shalt  }
0x7e: {  	_ =	shalt  }
0x7f: {  	_ =	shalt  }
0x80: {  	_ =	shalt  }
0x81: {  	_ =	shalt  }
0x82: {  	_ =	shalt  }
0x83: {  	_ =	shalt  }
0x84: {  	_ =	shalt  }
0x85: {  	_ =	shalt  }
0x86: {  	_ =	shalt  }
0x87: {  	_ =	shalt  }
.Lfunc_end0:
.L_simem_size_0:
called_computation.1_lowered:
.L_overlay_start_0:
0x88: {  	s2 =	sld [smem:$0x3FD9]  }
0x89: {  	s3 =	sld [smem:$0x3FFE];
	_ =	sdelay $0x1  }
0x8a: {  	s1 =	srdreg.scid  }
0x8b: {  	s0 =	sand.u32 $0x1, s1  }
0x8c: {  	s16 =	sshll.u32 s0, $0xA;
	s2 =	sadd.s32 s3, s2  }
0x8d: {  	s2 =	sadd.s32 s2, s16  }
0x8e: {  	[smem:$0x3FC0] =	sst s2  }
0x8f: {  	_ = 	snop  }
0x90: {  	(tm) =	ssettm $0x1  }
0x91: {  	s17 =	sld [smem:$0x3FFB];
	_ =	sdelay $0x3  }
0x92: {  	_ =	strace s17  }
0x93: {  	s2 =	sld [smem:$0x3FFC];
	_ =	sdelay $0x3  }
0x94: {  	_ =	strace s2  }
0x95: {  	s2 =	sld [smem:$0x3FFD];
	_ =	sdelay $0x3  }
0x96: {  	_ =	strace s2  }
0x97: {  	_ =	strace $0x8FFFFFFF  }
0x98: {  	s18 =	sld [smem:$0x3FDB];
	_ =	sdelay $0x1  }
0x99: {  	s19 =	simm.s32 $_scs_section_size  }
0x9a: {  	s4 =	simm.s32 $_size__tile_overlayer_lowered;
	s5 =	simm.s32 $_tile_overlayer_lowered  }
0x9b: {  	s22 =	simm.s32 $0x1BFF;
	s21 =	sshll.u32 s5, $0x1;
	s2 =	sadd.s32 s19, s18  }
0x9c: {  	s6 =	simm.s32 $0x0;
	s20 =	sshll.u32 s4, $0x1;
	s4 =	sadd.s32 s21, s2  }
0x9d: {  	[timem:s6], [sflag:s22] =	dma.local [hbm:s4], s20  }
0x9e: {  	_ =	swait.ge [sflag:s22], s20  }
0x9f: {  	s3 =	ssub.s32 $0x0, s20;
	[sflag:s22] =	ssyncset.done $0x0  }
0xa0: {  	[sflag:s22] =	ssyncadd.s32 s3;
	_ =	sdelay $0x1  }
0xa1: {  	s23 =	simm.s32 $0x1B8B  }
0xa2: {  	_ =	swait.ge [sflag:s23], $0x1  }
0xa3: {  	[sflag:s23] =	ssyncset.done $0x0  }
0xa4: {  	s25 =	simm.s32 $0x1B8E;
	s24 =	sld [smem:$0x3FFE];
	[sflag:s23] =	ssyncadd.s32 $0xFFFFFFFF  }
0xa5: {  	s26 =	simm.s32 $execute0_lowered;
	[smem:$0x3FD2] =	sst s25  }
0xa6: {  	s4 =	sshll.u32 s26, $0x1;
	_ =	strace $0x80000049;
	[dreg:$0x1] =	wrdreg $0xFFFFFFFF  }
0xa7: {  	s28 =	simm.s32 $_size_execute0_lowered;
	s2 =	sadd.s32 s2, s4;
	[dreg:$0x0] =	wrdreg $0x0  }
0xa8: {  	s4 =	sshll.u32 s28, $0x1;
	[dreg:$0x2] =	wrdreg s2  }
0xa9: {  	[dreg:$0x3] =	wrdreg s4  }
0xaa: {  	[dreg:$0x4] =	wrdreg $0xC0  }
0xab: {  	_ =	task [dreg:s6], $0x5FFFF  }
0xac: {  	[dreg:$0x1] =	wrdreg $0xFFFFFFFF  }
0xad: {  	[dreg:$0x0] =	wrdreg $0x60  }
0xae: {  	[dreg:$0x2] =	wrdreg s24  }
0xaf: {  	[dreg:$0x3] =	wrdreg $0x9  }
0xb0: {  	_ =	task.clear_ibuf [dreg:s6], $0x4FFFF;
	_ =	strace $0x90000049  }
0xb1: {  	s29 =	simm.s32 $0x9;
	_ =	strace $0x8000004B  }
0xb2: {  	_ =	swait.ge [sflag:s29], $0x1  }
0xb3: {  	[sflag:s29] =	ssyncadd.s32 $0xFFFFFFFF  }
0xb4: {  	_ =	strace $0x9000004B  }
0xb5: {  	_ =	sfence  }
0xb6: {  	s30 =	sld [smem:$0x0];
	_ =	sdelay $0x2  }
0xb7: {  	s31 =	sshll.u32 s1, $0xD;
	s1 =	sshrl.u32 s1, $0x2  }
0xb8: {  	s3 =	sand.u32 $0x4000, s31;
	s1 =	sadd.s32 s1, s30  }
0xb9: {  	s0 =	sor.u32 s3, s0;
	s1 =	sshll.u32 s1, $0x11  }
0xba: {  	s0 =	sor.u32 s1, s0  }
0xbb: {  	s0 =	sadd.s32 $0x8F2B, s0  }
0xbc: {  	[sflag:s0] =	ssyncadd.remote.s32 $0x1  }
0xbd: {  	_ =	sfence.sel $0xFFFF  }
0xbe: {  	[dreg:$0x0] =	wrdreg $0xFFFFFFFF;
	(pc) =	sbr.abs _section_cstart, $3  }
0xbf: {  	[dreg:$0x1] =	wrdreg $0xFFFFFFFF  }
0xc0: {  	_ =	task.clear_ibuf [dreg:s6], $0x2FFFF;
	_ =	strace $0x9FFFFFFF  }
0xc1: {  	(tm) =	ssettm $0x7FFFFFFF  }
tec
execute0_lowered:
.L_overlay_start_1:
0x0: {  	(tag) =	ssettag $0x1  }
0x1: {  	s1 =	srdreg.scid;
	s0 =	stileid.u32  }
0x2: {  	s4 =	rddreg [dreg:$0x0];
	s2 =	simm.s32 $0x0;
	s11 =	simm.s32 $0xED00  }
0x3: {  	s12 =	simm.s32 $0x3;
	s13 =	simm.s32 $0x2780;
	s14 =	simm.s32 $0x13B80  }
0x4: {  	s15 =	simm.s32 $0x1;
	s16 =	simm.s32 $0x4F00;
	s17 =	simm.s32 $0x7680  }
0x5: {  	s18 =	simm.s32 $0x9E00;
	s3 =	sand.u32 $0x1, s1;
	s31 =	sshll.u32 s0, $0x1  }
0x6: {  	s19 =	simm.s32 $0xC580;
	s20 =	simm.s32 $0x2;
	s5 =	sor.u32 s3, s31  }
0x7: {  	s21 =	simm.s32 $0x0;
	s1 =	rddreg [dreg:$0x1];
	s6 =	smul.u32 $0x4E20, s5  }
0x8: {  	[smem:$0x7FF] =	sst s2;
	s7 =	ssub.s32 $0x2, s3;
	s5 =	smul.u32 $0x9C40, s5  }
0x9: {  	_ =	strace $0x8000004A;
	s3 =	sadd.s32 $0x15C00, s4;
	s8 =	sshrl.u32 s7, $0x1  }
0xa: {  	s10 =	ssub.s32 s7, s8;
	s6 =	sshrl.u32 s6, $0x3;
	s5 =	sshrl.u32 s5, $0x3  }
0xb: {  	s10 =	smax.u32 s10, $0x1;
	s6 =	sadd.s32 s6, s4;
	s9 =	sadd.s32 s5, s4  }
0xc: {  	s4 =	sadd.s32 $0x2000, s6;
	s5 =	sadd.s32 $0x24E2, s6;
	s6 =	sadd.s32 $0x1FA00, s9  }
0xd: {  	v0 =	vimm.f32 $0.0e+00;
	s7 =	sadd.s32 $0x1FEE2, s9;
	s8 =	sadd.s32 $0x203C4, s9;
	s9 =	sadd.s32 $0x208A6, s9  }
.LBB2_1:
0xe: {  	[tilespmem:s11], [sflag:$0x1] =	stream.linear.gather [hbm4b:s3+s2], $0x4E20, $0x38;
	[tilespmem:$0x18A00] =	vst v63  }
0xf: {  	_ = 	snop  }
0x10: {  	[tilespmem:s2], [sflag:$0x3] =	stream.linear.gather [hbm4b:s4+s2], $0x2710, $0x38;
	[tilespmem:$0x18A00] =	vst v63  }
0x11: {  	_ =	swait.ge [sflag:s12], $0x2710  }
0x12: {  	[sflag:s12] =	ssyncset.done $0x0  }
0x13: {  	[sflag:s12] =	ssyncadd.s32 $0xFFFFD8F0  }
0x14: {  	[tilespmem:s13], [sflag:$0x3] =	stream.linear.gather [hbm4b:s5+s2], $0x2710, $0x38;
	[tilespmem:$0x18A00] =	vst v63  }
0x15: {  	_ =	swait.ge [sflag:s12], $0x2710  }
0x16: {  	[sflag:s12] =	ssyncset.done $0x0  }
0x17: {  	s22 =	simm.s32 $0x0;
	[sflag:s12] =	ssyncadd.s32 $0xFFFFD8F0  }
.LBB2_2:
0x18: {  	p0 =	seq.s32 s22, $0x9C00  }
.Ltmp0:
0x19: {  	s23 =	sshra.s32 s22, $0x2;
	(pc) =	sbr.rel @!p0 .LBB2_2-.Ltmp0, $4  }
0x1a: {  	[tilespmem:s23+$0x4F00] =	vst v0  }
0x1b: {  	[tilespmem:s23+$0x7680] =	vst v0  }
0x1c: {  	[tilespmem:s23+$0x9E00] =	vst v0  }
0x1d: {  	s22 =	sadd.s32 $0x40, s22;
	[tilespmem:s23+$0xC580] =	vst v0  }
0x1e: {  	s22 =	simm.s32 $0x0;
	s23 =	simm.s32 $0x0  }
.LBB2_5:
0x1f: {  	s24 =	smul.u32 $0x9C40, s23;
	_ =	sdelay $0x1  }
0x20: {  	s25 =	sshrl.u32 s24, $0x3  }
0x21: {  	s25 =	sadd.s32 s3, s25  }
0x22: {  	s25 =	sadd.s32 $0x9C4, s25  }
0x23: {  	[tilespmem:s14], [sflag:$0x2] =	stream.linear.gather [hbm4b:s25+s2], $0x4E20, $0x38;
	[tilespmem:$0x18A00] =	vst v63  }
0x24: {  	_ =	swait.ge [sflag:s15], $0x4E20  }
0x25: {  	[sflag:s15] =	ssyncset.done $0x0  }
0x26: {  	s30 =	simm.s32 $0xED20;
	[sflag:s15] =	ssyncadd.s32 $0xFFFFB1E0  }
0x27: {  	v1 =	vld [tilespmem:s30+$0x10];
	_ =	sdelay $0x2  }
0x28: {  	v2 =	vld [tilespmem:s30+$0xFFFFFFE0]  }
0x29: {  	v3 =	vld [tilespmem:s30+$0xFFFFFFF0]  }
0x2a: {  	v4 =	vld [tilespmem:s30+$0x0];
	v5 =	vand.u32 $0xFFFF, v1;
	_ =	sdelay $0x2  }
0x2b: {  	v6 =	vand.u32 $0xFFFF, v2  }
0x2c: {  	v7 =	vand.u32 $0xFFFF, v3  }
0x2d: {  	s31 =	simm.s32 $0xED60;
	v9 =	vand.u32 $0xFFFF, v4;
	v8 =	vld.idx.msk [tilespmem:v5+s22+$0x0], $0xffff  }
0x2e: {  	v57 =	vld [tilespmem:s31+$0x0];
	v10 =	vshrl.u32 v1, $0x10  }
0x2f: {  	v58 =	vld [tilespmem:s31+$0xFFFFFFE0]  }
0x30: {  	v11 =	vld.idx.msk [tilespmem:v6+s22+$0x0], $0xffff  }
0x31: {  	v12 =	vshrl.u32 v2, $0x10;
	v13 =	vld.idx.msk [tilespmem:v7+s22+$0x0], $0xffff  }
0x32: {  	v14 =	vld.idx.msk [tilespmem:v9+s22+$0x0], $0xffff;
	v2 =	vshll.u32 v8, $0x10  }
0x33: {  	v1 =	vshrl.u32 v3, $0x10;
	v3 =	vand.u32 $0xFFFF0000, v8;
	[tilespmem:v10+s16+$0x0] =	vst.idx.add.f32.msk $0xffff, v2  }
0x34: {  	[tilespmem:v10+s17+$0x0] =	vst.idx.add.f32.msk $0xffff, v3  }
0x35: {  	v2 =	vshrl.u32 v4, $0x10;
	v3 =	vshll.u32 v11, $0x10;
	v4 =	vld.idx.msk [tilespmem:v5+s13+$0x0], $0xffff  }
0x36: {  	[tilespmem:v12+s16+$0x0] =	vst.idx.add.f32.msk $0xffff, v3  }
0x37: {  	v5 =	vand.u32 $0xFFFF0000, v11;
	v11 =	vld [tilespmem:s31+$0xFFFFFFF0]  }
0x38: {  	v8 =	vand.u32 $0xFFFF, v58;
	v3 =	vshll.u32 v13, $0x10;
	[tilespmem:v12+s17+$0x0] =	vst.idx.add.f32.msk $0xffff, v5  }
0x39: {  	v5 =	vand.u32 $0xFFFF0000, v13;
	[tilespmem:v1+s16+$0x0] =	vst.idx.add.f32.msk $0xffff, v3  }
0x3a: {  	[tilespmem:v1+s17+$0x0] =	vst.idx.add.f32.msk $0xffff, v5  }
0x3b: {  	v5 =	vld [tilespmem:s31+$0x10]  }
0x3c: {  	v6 =	vld.idx.msk [tilespmem:v6+s13+$0x0], $0xffff  }
0x3d: {  	v3 =	vshll.u32 v14, $0x10;
	v19 =	vld.idx.msk [tilespmem:v8+s22+$0x0], $0xffff  }
0x3e: {  	[tilespmem:v2+s16+$0x0] =	vst.idx.add.f32.msk $0xffff, v3;
	v3 =	vand.u32 $0xFFFF0000, v14  }
0x3f: {  	[tilespmem:v2+s17+$0x0] =	vst.idx.add.f32.msk $0xffff, v3  }
0x40: {  	v3 =	vshll.u32 v4, $0x10;
	v9 =	vld.idx.msk [tilespmem:v9+s13+$0x0], $0xffff;
	v15 =	vand.u32 $0xFFFF, v5  }
0x41: {  	v4 =	vand.u32 $0xFFFF0000, v4;
	[tilespmem:v10+s18+$0x0] =	vst.idx.add.f32.msk $0xffff, v3  }
0x42: {  	v3 =	vand.u32 $0xFFFF, v11;
	[tilespmem:v10+s19+$0x0] =	vst.idx.add.f32.msk $0xffff, v4  }
0x43: {  	v4 =	vand.u32 $0xFFFF, v57;
	v10 =	vld.idx.msk [tilespmem:v7+s13+$0x0], $0xffff;
	v18 =	vshrl.u32 v5, $0x10;
	v5 =	vshll.u32 v6, $0x10  }
0x44: {  	[tilespmem:v12+s18+$0x0] =	vst.idx.add.f32.msk $0xffff, v5  }
0x45: {  	v6 =	vand.u32 $0xFFFF0000, v6;
	v5 =	vshrl.u32 v58, $0x10;
	v7 =	vld.idx.msk [tilespmem:v15+s22+$0x0], $0xffff  }
0x46: {  	[tilespmem:v12+s19+$0x0] =	vst.idx.add.f32.msk $0xffff, v6  }
0x47: {  	v16 =	vld.idx.msk [tilespmem:v3+s22+$0x0], $0xffff  }
0x48: {  	v17 =	vld.idx.msk [tilespmem:v4+s22+$0x0], $0xffff;
	v59 =	vshll.u32 v10, $0x10  }
0x49: {  	v6 =	vshrl.u32 v11, $0x10;
	v11 =	vshll.u32 v19, $0x10;
	[tilespmem:v1+s18+$0x0] =	vst.idx.add.f32.msk $0xffff, v59  }
0x4a: {  	[tilespmem:v5+s16+$0x0] =	vst.idx.add.f32.msk $0xffff, v11;
	v60 =	vshll.u32 v7, $0x10  }
0x4b: {  	v7 =	vand.u32 $0xFFFF0000, v7;
	[tilespmem:v18+s16+$0x0] =	vst.idx.add.f32.msk $0xffff, v60  }
0x4c: {  	[tilespmem:v18+s17+$0x0] =	vst.idx.add.f32.msk $0xffff, v7;
	v7 =	vshrl.u32 v57, $0x10  }
0x4d: {  	v61 =	vand.u32 $0xFFFF0000, v19;
	v12 =	vld.idx.msk [tilespmem:v15+s13+$0x0], $0xffff  }
0x4e: {  	[tilespmem:v5+s17+$0x0] =	vst.idx.add.f32.msk $0xffff, v61;
	v11 =	vshll.u32 v16, $0x10  }
0x4f: {  	v62 =	vand.u32 $0xFFFF0000, v16;
	[tilespmem:v6+s16+$0x0] =	vst.idx.add.f32.msk $0xffff, v11  }
0x50: {  	v11 =	vshll.u32 v17, $0x10;
	[tilespmem:v6+s17+$0x0] =	vst.idx.add.f32.msk $0xffff, v62  }
0x51: {  	v63 =	vand.u32 $0xFFFF0000, v17;
	[tilespmem:v7+s16+$0x0] =	vst.idx.add.f32.msk $0xffff, v11  }
0x52: {  	[tilespmem:v7+s17+$0x0] =	vst.idx.add.f32.msk $0xffff, v63;
	v11 =	vshll.u32 v12, $0x10  }
0x53: {  	v12 =	vand.u32 $0xFFFF0000, v12;
	[tilespmem:v18+s18+$0x0] =	vst.idx.add.f32.msk $0xffff, v11  }
0x54: {  	s26 =	simm.s32 $0x4;
	s28 =	simm.s32 $0xEDA0;
	v11 =	vand.u32 $0xFFFF0000, v10;
	v10 =	vshll.u32 v9, $0x10;
	v9 =	vand.u32 $0xFFFF0000, v9;
	[tilespmem:v18+s19+$0x0] =	vst.idx.add.f32.msk $0xffff, v12  }
.LBB2_6:
0x55: {  	v12 =	vld [tilespmem:s28+$0x10]  }
0x56: {  	v13 =	vld [tilespmem:s28+$0xFFFFFFF0]  }
0x57: {  	s26 =	sadd.s32 $0x4, s26;
	v14 =	vld [tilespmem:s28+$0x0]  }
0x58: {  	p0 =	slt.u32 s26, $0x4DC;
	v15 =	vld [tilespmem:s28+$0xFFFFFFE0]  }
0x59: {  	v16 =	vld.idx.msk [tilespmem:v8+s13+$0x0], $0xffff  }
0x5a: {  	v17 =	vand.u32 $0xFFFF, v12;
	v18 =	vld.idx.msk [tilespmem:v3+s13+$0x0], $0xffff  }
0x5b: {  	v8 =	vshrl.u32 v13, $0x10;
	v3 =	vand.u32 $0xFFFF, v13;
	v13 =	vld.idx.msk [tilespmem:v4+s13+$0x0], $0xffff  }
0x5c: {  	v19 =	vshrl.u32 v14, $0x10;
	v4 =	vand.u32 $0xFFFF, v14;
	[tilespmem:v1+s19+$0x0] =	vst.idx.add.f32.msk $0xffff, v11;
	v1 =	vmovc v6;
	v6 =	vmov v8  }
0x5d: {  	v14 =	vshrl.u32 v15, $0x10;
	v8 =	vand.u32 $0xFFFF, v15;
	[tilespmem:v2+s18+$0x0] =	vst.idx.add.f32.msk $0xffff, v10  }
0x5e: {  	s25 =	simm.s32 $0x0;
	[tilespmem:v2+s19+$0x0] =	vst.idx.add.f32.msk $0xffff, v9;
	v2 =	vmov v7;
	v7 =	vmov v19  }
0x5f: {  	v19 =	vshll.u32 v16, $0x10;
	v16 =	vand.u32 $0xFFFF0000, v16;
	v15 =	vld.idx.msk [tilespmem:v17+s25+$0x0], $0xffff  }
0x60: {  	v21 =	vshll.u32 v18, $0x10;
	v11 =	vand.u32 $0xFFFF0000, v18;
	v20 =	vld.idx.msk [tilespmem:v3+s25+$0x0], $0xffff  }
0x61: {  	v12 =	vshrl.u32 v12, $0x10;
	v10 =	vshll.u32 v13, $0x10;
	v9 =	vand.u32 $0xFFFF0000, v13;
	v18 =	vld.idx.msk [tilespmem:v4+s25+$0x0], $0xffff  }
0x62: {  	v13 =	vld.idx.msk [tilespmem:v8+s25+$0x0], $0xffff  }
0x63: {  	[tilespmem:v5+s18+$0x0] =	vst.idx.add.f32.msk $0xffff, v19  }
0x64: {  	[tilespmem:v5+s19+$0x0] =	vst.idx.add.f32.msk $0xffff, v16;
	v5 =	vmov v14  }
0x65: {  	v14 =	vshll.u32 v15, $0x10;
	[tilespmem:v1+s18+$0x0] =	vst.idx.add.f32.msk $0xffff, v21  }
0x66: {  	v15 =	vand.u32 $0xFFFF0000, v15;
	v16 =	vshll.u32 v20, $0x10;
	v19 =	vand.u32 $0xFFFF0000, v20;
	[tilespmem:v12+s16+$0x0] =	vst.idx.add.f32.msk $0xffff, v14  }
0x67: {  	v14 =	vshll.u32 v18, $0x10;
	v18 =	vand.u32 $0xFFFF0000, v18;
	[tilespmem:v12+s17+$0x0] =	vst.idx.add.f32.msk $0xffff, v15  }
0x68: {  	v15 =	vshll.u32 v13, $0x10;
	v13 =	vand.u32 $0xFFFF0000, v13;
	v17 =	vld.idx.msk [tilespmem:v17+s13+$0x0], $0xffff  }
0x69: {  	[tilespmem:v5+s16+$0x0] =	vst.idx.add.f32.msk $0xffff, v15  }
0x6a: {  	[tilespmem:v5+s17+$0x0] =	vst.idx.add.f32.msk $0xffff, v13  }
0x6b: {  	[tilespmem:v6+s16+$0x0] =	vst.idx.add.f32.msk $0xffff, v16  }
.Ltmp1:
0x6c: {  	[tilespmem:v6+s17+$0x0] =	vst.idx.add.f32.msk $0xffff, v19;
	(pc) =	sbr.rel @p0 .LBB2_6-.Ltmp1, $4  }
0x6d: {  	[tilespmem:v7+s16+$0x0] =	vst.idx.add.f32.msk $0xffff, v14  }
0x6e: {  	v13 =	vshll.u32 v17, $0x10;
	[tilespmem:v7+s17+$0x0] =	vst.idx.add.f32.msk $0xffff, v18  }
0x6f: {  	v14 =	vand.u32 $0xFFFF0000, v17;
	[tilespmem:v12+s18+$0x0] =	vst.idx.add.f32.msk $0xffff, v13  }
0x70: {  	s28 =	sadd.s32 $0x40, s28;
	[tilespmem:v12+s19+$0x0] =	vst.idx.add.f32.msk $0xffff, v14  }
0x71: {  	_ =	sdelay $0x3  }
0x72: {  	v8 =	vld.idx.msk [tilespmem:v8+s13+$0x0], $0xffff  }
0x73: {  	v3 =	vld.idx.msk [tilespmem:v3+s13+$0x0], $0xffff  }
0x74: {  	v4 =	vld.idx.msk [tilespmem:v4+s13+$0x0], $0xffff  }
0x75: {  	[tilespmem:v1+s19+$0x0] =	vst.idx.add.f32.msk $0xffff, v11  }
0x76: {  	[tilespmem:v2+s18+$0x0] =	vst.idx.add.f32.msk $0xffff, v10  }
0x77: {  	[tilespmem:v2+s19+$0x0] =	vst.idx.add.f32.msk $0xffff, v9;
	v1 =	vshll.u32 v8, $0x10  }
0x78: {  	v2 =	vand.u32 $0xFFFF0000, v8;
	[tilespmem:v5+s18+$0x0] =	vst.idx.add.f32.msk $0xffff, v1  }
0x79: {  	v1 =	vshll.u32 v3, $0x10;
	[tilespmem:v5+s19+$0x0] =	vst.idx.add.f32.msk $0xffff, v2  }
0x7a: {  	v2 =	vand.u32 $0xFFFF0000, v3;
	[tilespmem:v6+s18+$0x0] =	vst.idx.add.f32.msk $0xffff, v1  }
0x7b: {  	v1 =	vshll.u32 v4, $0x10;
	[tilespmem:v6+s19+$0x0] =	vst.idx.add.f32.msk $0xffff, v2  }
0x7c: {  	v2 =	vand.u32 $0xFFFF0000, v4;
	[tilespmem:v7+s18+$0x0] =	vst.idx.add.f32.msk $0xffff, v1  }
0x7d: {  	[tilespmem:v7+s19+$0x0] =	vst.idx.add.f32.msk $0xffff, v2  }
.LBB2_8:
0x7e: {  	s26 =	sshra.s32 s25, $0x2  }
0x7f: {  	v1 =	vld [tilespmem:s26+$0x13B00];
	_ =	sdelay $0x4  }
0x80: {  	v2 =	vand.u32 $0xFFFF, v1;
	_ =	sdelay $0x4  }
0x81: {  	v3 =	vld.idx.msk [tilespmem:v2+s2+$0x0], $0xffff  }
0x82: {  	v1 =	vshrl.u32 v1, $0x10;
	_ =	sdelay $0x3  }
0x83: {  	v4 =	vshll.u32 v3, $0x10  }
0x84: {  	v3 =	vand.u32 $0xFFFF0000, v3;
	[tilespmem:v1+s16+$0x0] =	vst.idx.add.f32.msk $0xffff, v4  }
0x85: {  	[tilespmem:v1+s17+$0x0] =	vst.idx.add.f32.msk $0xffff, v3  }
0x86: {  	v2 =	vld.idx.msk [tilespmem:v2+s13+$0x0], $0xffff;
	_ =	sdelay $0x1  }
0x87: {  	p0 =	sne.s32 s25, $0x40  }
.Ltmp2:
0x88: {  	_ = 	snop;
	(pc) =	sbr.rel @p0 .LBB2_8-.Ltmp2, $4  }
0x89: {  	_ = 	snop  }
0x8a: {  	v3 =	vshll.u32 v2, $0x10  }
0x8b: {  	v2 =	vand.u32 $0xFFFF0000, v2;
	[tilespmem:v1+s18+$0x0] =	vst.idx.add.f32.msk $0xffff, v3  }
0x8c: {  	s25 =	sadd.s32 $0x40, s25;
	[tilespmem:v1+s19+$0x0] =	vst.idx.add.f32.msk $0xffff, v2  }
0x8d: {  	p0 =	seq.s32 s23, $0x7  }
0x8e: {  	s24 =	sshrl.u32 @!p0 s24, $0x3  }
0x8f: {  	s24 =	sadd.s32 @!p0 s3, s24  }
0x90: {  	s25 =	simm.s32 @!p0 $0x0;
	s26 =	simm.s32 @!p0 $0xED00;
	s24 =	sadd.s32 @!p0 $0x1388, s24  }
0x91: {  	[tilespmem:s26], [sflag:$0x1] =	stream.linear.gather @!p0 [hbm4b:s24+s25], $0x4E20, $0x38;
	[tilespmem:$0x18A00] =	vst v63  }
0x92: {  	_ =	swait.ge [sflag:s20], $0x4E20  }
0x93: {  	[sflag:s20] =	ssyncset.done $0x0  }
0x94: {  	s30 =	simm.s32 $0x13BA0;
	[sflag:s20] =	ssyncadd.s32 $0xFFFFB1E0  }
0x95: {  	v1 =	vld [tilespmem:s30+$0x10];
	_ =	sdelay $0x2  }
0x96: {  	v2 =	vld [tilespmem:s30+$0xFFFFFFE0]  }
0x97: {  	v3 =	vld [tilespmem:s30+$0xFFFFFFF0]  }
0x98: {  	v4 =	vld [tilespmem:s30+$0x0];
	v5 =	vand.u32 $0xFFFF, v1;
	_ =	sdelay $0x2  }
0x99: {  	v6 =	vand.u32 $0xFFFF, v2  }
0x9a: {  	s24 =	simm.s32 $0x0;
	v7 =	vand.u32 $0xFFFF, v3  }
0x9b: {  	s31 =	simm.s32 $0x13BE0;
	v9 =	vand.u32 $0xFFFF, v4;
	v8 =	vld.idx.msk [tilespmem:v5+s24+$0x0], $0xffff  }
0x9c: {  	v57 =	vld [tilespmem:s31+$0x0];
	v10 =	vshrl.u32 v1, $0x10  }
0x9d: {  	v58 =	vld [tilespmem:s31+$0xFFFFFFE0]  }
0x9e: {  	v11 =	vld.idx.msk [tilespmem:v6+s24+$0x0], $0xffff  }
0x9f: {  	v12 =	vshrl.u32 v2, $0x10;
	v13 =	vld.idx.msk [tilespmem:v7+s24+$0x0], $0xffff  }
0xa0: {  	v14 =	vld.idx.msk [tilespmem:v9+s24+$0x0], $0xffff;
	v2 =	vshll.u32 v8, $0x10  }
0xa1: {  	v1 =	vshrl.u32 v3, $0x10;
	v3 =	vand.u32 $0xFFFF0000, v8;
	[tilespmem:v10+s16+$0x0] =	vst.idx.add.f32.msk $0xffff, v2  }
0xa2: {  	[tilespmem:v10+s17+$0x0] =	vst.idx.add.f32.msk $0xffff, v3  }
0xa3: {  	v2 =	vshrl.u32 v4, $0x10;
	v3 =	vshll.u32 v11, $0x10;
	v4 =	vld.idx.msk [tilespmem:v5+s13+$0x0], $0xffff  }
0xa4: {  	[tilespmem:v12+s16+$0x0] =	vst.idx.add.f32.msk $0xffff, v3  }
0xa5: {  	v5 =	vand.u32 $0xFFFF0000, v11;
	v11 =	vld [tilespmem:s31+$0xFFFFFFF0]  }
0xa6: {  	v8 =	vand.u32 $0xFFFF, v58;
	v3 =	vshll.u32 v13, $0x10;
	[tilespmem:v12+s17+$0x0] =	vst.idx.add.f32.msk $0xffff, v5  }
0xa7: {  	v5 =	vand.u32 $0xFFFF0000, v13;
	[tilespmem:v1+s16+$0x0] =	vst.idx.add.f32.msk $0xffff, v3  }
0xa8: {  	[tilespmem:v1+s17+$0x0] =	vst.idx.add.f32.msk $0xffff, v5  }
0xa9: {  	v5 =	vld [tilespmem:s31+$0x10]  }
0xaa: {  	v6 =	vld.idx.msk [tilespmem:v6+s13+$0x0], $0xffff  }
0xab: {  	v3 =	vshll.u32 v14, $0x10;
	v19 =	vld.idx.msk [tilespmem:v8+s24+$0x0], $0xffff  }
0xac: {  	[tilespmem:v2+s16+$0x0] =	vst.idx.add.f32.msk $0xffff, v3;
	v3 =	vand.u32 $0xFFFF0000, v14  }
0xad: {  	[tilespmem:v2+s17+$0x0] =	vst.idx.add.f32.msk $0xffff, v3  }
0xae: {  	v3 =	vshll.u32 v4, $0x10;
	v9 =	vld.idx.msk [tilespmem:v9+s13+$0x0], $0xffff;
	v15 =	vand.u32 $0xFFFF, v5  }
0xaf: {  	v4 =	vand.u32 $0xFFFF0000, v4;
	[tilespmem:v10+s18+$0x0] =	vst.idx.add.f32.msk $0xffff, v3  }
0xb0: {  	v3 =	vand.u32 $0xFFFF, v11;
	[tilespmem:v10+s19+$0x0] =	vst.idx.add.f32.msk $0xffff, v4  }
0xb1: {  	v4 =	vand.u32 $0xFFFF, v57;
	v10 =	vld.idx.msk [tilespmem:v7+s13+$0x0], $0xffff;
	v18 =	vshrl.u32 v5, $0x10;
	v5 =	vshll.u32 v6, $0x10  }
0xb2: {  	[tilespmem:v12+s18+$0x0] =	vst.idx.add.f32.msk $0xffff, v5  }
0xb3: {  	v6 =	vand.u32 $0xFFFF0000, v6;
	v5 =	vshrl.u32 v58, $0x10;
	v7 =	vld.idx.msk [tilespmem:v15+s24+$0x0], $0xffff  }
0xb4: {  	[tilespmem:v12+s19+$0x0] =	vst.idx.add.f32.msk $0xffff, v6  }
0xb5: {  	v16 =	vld.idx.msk [tilespmem:v3+s24+$0x0], $0xffff  }
0xb6: {  	v17 =	vld.idx.msk [tilespmem:v4+s24+$0x0], $0xffff;
	v59 =	vshll.u32 v10, $0x10  }
0xb7: {  	v6 =	vshrl.u32 v11, $0x10;
	v11 =	vshll.u32 v19, $0x10;
	[tilespmem:v1+s18+$0x0] =	vst.idx.add.f32.msk $0xffff, v59  }
0xb8: {  	[tilespmem:v5+s16+$0x0] =	vst.idx.add.f32.msk $0xffff, v11;
	v60 =	vshll.u32 v7, $0x10  }
0xb9: {  	v7 =	vand.u32 $0xFFFF0000, v7;
	[tilespmem:v18+s16+$0x0] =	vst.idx.add.f32.msk $0xffff, v60  }
0xba: {  	[tilespmem:v18+s17+$0x0] =	vst.idx.add.f32.msk $0xffff, v7;
	v7 =	vshrl.u32 v57, $0x10  }
0xbb: {  	v61 =	vand.u32 $0xFFFF0000, v19;
	v12 =	vld.idx.msk [tilespmem:v15+s13+$0x0], $0xffff  }
0xbc: {  	[tilespmem:v5+s17+$0x0] =	vst.idx.add.f32.msk $0xffff, v61;
	v11 =	vshll.u32 v16, $0x10  }
0xbd: {  	v62 =	vand.u32 $0xFFFF0000, v16;
	[tilespmem:v6+s16+$0x0] =	vst.idx.add.f32.msk $0xffff, v11  }
0xbe: {  	v11 =	vshll.u32 v17, $0x10;
	[tilespmem:v6+s17+$0x0] =	vst.idx.add.f32.msk $0xffff, v62  }
0xbf: {  	v63 =	vand.u32 $0xFFFF0000, v17;
	[tilespmem:v7+s16+$0x0] =	vst.idx.add.f32.msk $0xffff, v11  }
0xc0: {  	[tilespmem:v7+s17+$0x0] =	vst.idx.add.f32.msk $0xffff, v63;
	v11 =	vshll.u32 v12, $0x10  }
0xc1: {  	v12 =	vand.u32 $0xFFFF0000, v12;
	[tilespmem:v18+s18+$0x0] =	vst.idx.add.f32.msk $0xffff, v11  }
0xc2: {  	s23 =	sadd.s32 $0x1, s23;
	s25 =	simm.s32 $0x4;
	s26 =	simm.s32 $0x13C20;
	v11 =	vand.u32 $0xFFFF0000, v10;
	v10 =	vshll.u32 v9, $0x10;
	v9 =	vand.u32 $0xFFFF0000, v9;
	[tilespmem:v18+s19+$0x0] =	vst.idx.add.f32.msk $0xffff, v12  }
.LBB2_10:
0xc3: {  	v12 =	vld [tilespmem:s26+$0x10]  }
0xc4: {  	v13 =	vld [tilespmem:s26+$0xFFFFFFF0]  }
0xc5: {  	s25 =	sadd.s32 $0x4, s25;
	v14 =	vld [tilespmem:s26+$0x0]  }
0xc6: {  	p0 =	slt.u32 s25, $0x4DC;
	v15 =	vld [tilespmem:s26+$0xFFFFFFE0]  }
0xc7: {  	v16 =	vld.idx.msk [tilespmem:v8+s13+$0x0], $0xffff  }
0xc8: {  	v17 =	vand.u32 $0xFFFF, v12;
	v18 =	vld.idx.msk [tilespmem:v3+s13+$0x0], $0xffff  }
0xc9: {  	v8 =	vshrl.u32 v13, $0x10;
	v3 =	vand.u32 $0xFFFF, v13;
	v13 =	vld.idx.msk [tilespmem:v4+s13+$0x0], $0xffff  }
0xca: {  	v19 =	vshrl.u32 v14, $0x10;
	v4 =	vand.u32 $0xFFFF, v14;
	[tilespmem:v1+s19+$0x0] =	vst.idx.add.f32.msk $0xffff, v11;
	v1 =	vmovc v6;
	v6 =	vmov v8  }
0xcb: {  	v14 =	vshrl.u32 v15, $0x10;
	v8 =	vand.u32 $0xFFFF, v15;
	[tilespmem:v2+s18+$0x0] =	vst.idx.add.f32.msk $0xffff, v10  }
0xcc: {  	[tilespmem:v2+s19+$0x0] =	vst.idx.add.f32.msk $0xffff, v9;
	v2 =	vmov v7;
	v7 =	vmov v19  }
0xcd: {  	v19 =	vshll.u32 v16, $0x10;
	v16 =	vand.u32 $0xFFFF0000, v16;
	v15 =	vld.idx.msk [tilespmem:v17+s24+$0x0], $0xffff  }
0xce: {  	v21 =	vshll.u32 v18, $0x10;
	v11 =	vand.u32 $0xFFFF0000, v18;
	v20 =	vld.idx.msk [tilespmem:v3+s24+$0x0], $0xffff  }
0xcf: {  	v12 =	vshrl.u32 v12, $0x10;
	v10 =	vshll.u32 v13, $0x10;
	v9 =	vand.u32 $0xFFFF0000, v13;
	v18 =	vld.idx.msk [tilespmem:v4+s24+$0x0], $0xffff  }
0xd0: {  	v13 =	vld.idx.msk [tilespmem:v8+s24+$0x0], $0xffff  }
0xd1: {  	[tilespmem:v5+s18+$0x0] =	vst.idx.add.f32.msk $0xffff, v19  }
0xd2: {  	[tilespmem:v5+s19+$0x0] =	vst.idx.add.f32.msk $0xffff, v16;
	v5 =	vmov v14  }
0xd3: {  	v14 =	vshll.u32 v15, $0x10;
	[tilespmem:v1+s18+$0x0] =	vst.idx.add.f32.msk $0xffff, v21  }
0xd4: {  	v15 =	vand.u32 $0xFFFF0000, v15;
	v16 =	vshll.u32 v20, $0x10;
	v19 =	vand.u32 $0xFFFF0000, v20;
	[tilespmem:v12+s16+$0x0] =	vst.idx.add.f32.msk $0xffff, v14  }
0xd5: {  	v14 =	vshll.u32 v18, $0x10;
	v18 =	vand.u32 $0xFFFF0000, v18;
	[tilespmem:v12+s17+$0x0] =	vst.idx.add.f32.msk $0xffff, v15  }
0xd6: {  	v15 =	vshll.u32 v13, $0x10;
	v13 =	vand.u32 $0xFFFF0000, v13;
	v17 =	vld.idx.msk [tilespmem:v17+s13+$0x0], $0xffff  }
0xd7: {  	[tilespmem:v5+s16+$0x0] =	vst.idx.add.f32.msk $0xffff, v15  }
0xd8: {  	[tilespmem:v5+s17+$0x0] =	vst.idx.add.f32.msk $0xffff, v13  }
0xd9: {  	[tilespmem:v6+s16+$0x0] =	vst.idx.add.f32.msk $0xffff, v16  }
.Ltmp3:
0xda: {  	[tilespmem:v6+s17+$0x0] =	vst.idx.add.f32.msk $0xffff, v19;
	(pc) =	sbr.rel @p0 .LBB2_10-.Ltmp3, $4  }
0xdb: {  	[tilespmem:v7+s16+$0x0] =	vst.idx.add.f32.msk $0xffff, v14  }
0xdc: {  	v13 =	vshll.u32 v17, $0x10;
	[tilespmem:v7+s17+$0x0] =	vst.idx.add.f32.msk $0xffff, v18  }
0xdd: {  	v14 =	vand.u32 $0xFFFF0000, v17;
	[tilespmem:v12+s18+$0x0] =	vst.idx.add.f32.msk $0xffff, v13  }
0xde: {  	s26 =	sadd.s32 $0x40, s26;
	[tilespmem:v12+s19+$0x0] =	vst.idx.add.f32.msk $0xffff, v14  }
0xdf: {  	_ =	sdelay $0x3  }
0xe0: {  	v8 =	vld.idx.msk [tilespmem:v8+s13+$0x0], $0xffff  }
0xe1: {  	v3 =	vld.idx.msk [tilespmem:v3+s13+$0x0], $0xffff  }
0xe2: {  	v4 =	vld.idx.msk [tilespmem:v4+s13+$0x0], $0xffff  }
0xe3: {  	[tilespmem:v1+s19+$0x0] =	vst.idx.add.f32.msk $0xffff, v11  }
0xe4: {  	[tilespmem:v2+s18+$0x0] =	vst.idx.add.f32.msk $0xffff, v10  }
0xe5: {  	[tilespmem:v2+s19+$0x0] =	vst.idx.add.f32.msk $0xffff, v9;
	v1 =	vshll.u32 v8, $0x10  }
0xe6: {  	v2 =	vand.u32 $0xFFFF0000, v8;
	[tilespmem:v5+s18+$0x0] =	vst.idx.add.f32.msk $0xffff, v1  }
0xe7: {  	v1 =	vshll.u32 v3, $0x10;
	[tilespmem:v5+s19+$0x0] =	vst.idx.add.f32.msk $0xffff, v2  }
0xe8: {  	v2 =	vand.u32 $0xFFFF0000, v3;
	[tilespmem:v6+s18+$0x0] =	vst.idx.add.f32.msk $0xffff, v1  }
0xe9: {  	v1 =	vshll.u32 v4, $0x10;
	[tilespmem:v6+s19+$0x0] =	vst.idx.add.f32.msk $0xffff, v2  }
0xea: {  	v2 =	vand.u32 $0xFFFF0000, v4;
	[tilespmem:v7+s18+$0x0] =	vst.idx.add.f32.msk $0xffff, v1  }
0xeb: {  	[tilespmem:v7+s19+$0x0] =	vst.idx.add.f32.msk $0xffff, v2  }
.LBB2_12:
0xec: {  	s25 =	sshra.s32 s24, $0x2  }
0xed: {  	v1 =	vld [tilespmem:s25+$0x18980];
	_ =	sdelay $0x4  }
0xee: {  	v2 =	vand.u32 $0xFFFF, v1;
	_ =	sdelay $0x4  }
0xef: {  	v3 =	vld.idx.msk [tilespmem:v2+s2+$0x0], $0xffff  }
0xf0: {  	v1 =	vshrl.u32 v1, $0x10;
	_ =	sdelay $0x3  }
0xf1: {  	v4 =	vshll.u32 v3, $0x10  }
0xf2: {  	v3 =	vand.u32 $0xFFFF0000, v3;
	[tilespmem:v1+s16+$0x0] =	vst.idx.add.f32.msk $0xffff, v4  }
0xf3: {  	[tilespmem:v1+s17+$0x0] =	vst.idx.add.f32.msk $0xffff, v3  }
0xf4: {  	v2 =	vld.idx.msk [tilespmem:v2+s13+$0x0], $0xffff;
	_ =	sdelay $0x1  }
0xf5: {  	p0 =	seq.s32 s24, $0x40  }
.Ltmp4:
0xf6: {  	_ = 	snop;
	(pc) =	sbr.rel @!p0 .LBB2_12-.Ltmp4, $4  }
0xf7: {  	_ = 	snop  }
0xf8: {  	v3 =	vshll.u32 v2, $0x10  }
0xf9: {  	v2 =	vand.u32 $0xFFFF0000, v2;
	[tilespmem:v1+s18+$0x0] =	vst.idx.add.f32.msk $0xffff, v3  }
0xfa: {  	s24 =	sadd.s32 $0x40, s24;
	[tilespmem:v1+s19+$0x0] =	vst.idx.add.f32.msk $0xffff, v2  }
0xfb: {  	p0 =	seq.s32 s23, $0x8  }
.Ltmp5:
0xfc: {  	_ = 	snop;
	(pc) =	sbr.rel @!p0 .LBB2_5-.Ltmp5, $1  }
0xfd: {  	_ =	sdelay $0x3  }
0xfe: {  	[hbm4b:s6+s2] =	stream.linear.scatter [tilespmem:s16], [sflag:$0x3], $0x2710, $0x38;
	[tilespmem:$0x18A00] =	vst v63  }
0xff: {  	_ =	swait.ge [sflag:s12], $0x2710  }
0x100: {  	[sflag:s12] =	ssyncset.done $0x0  }
0x101: {  	[sflag:s12] =	ssyncadd.s32 $0xFFFFD8F0  }
0x102: {  	[hbm4b:s7+s2] =	stream.linear.scatter [tilespmem:s17], [sflag:$0x3], $0x2710, $0x38;
	[tilespmem:$0x18A00] =	vst v63  }
0x103: {  	_ =	swait.ge [sflag:s12], $0x2710  }
0x104: {  	[sflag:s12] =	ssyncset.done $0x0  }
0x105: {  	[sflag:s12] =	ssyncadd.s32 $0xFFFFD8F0  }
0x106: {  	[hbm4b:s8+s2] =	stream.linear.scatter [tilespmem:s18], [sflag:$0x3], $0x2710, $0x38;
	[tilespmem:$0x18A00] =	vst v63  }
0x107: {  	s21 =	sadd.s32 $0x1, s21;
	_ =	swait.ge [sflag:s12], $0x2710  }
0x108: {  	p0 =	sne.s32 s21, s10;
	[sflag:s12] =	ssyncset.done $0x0  }
.Ltmp6:
0x109: {  	[sflag:s12] =	ssyncadd.s32 $0xFFFFD8F0;
	(pc) =	sbr.rel @p0 .LBB2_1-.Ltmp6, $4  }
0x10a: {  	[hbm4b:s9+s2] =	stream.linear.scatter [tilespmem:s19], [sflag:$0x3], $0x2710, $0x38;
	[tilespmem:$0x18A00] =	vst v63  }
0x10b: {  	_ =	swait.ge [sflag:s12], $0x2710  }
0x10c: {  	[sflag:s12] =	ssyncset.done $0x0  }
0x10d: {  	[sflag:s12] =	ssyncadd.s32 $0xFFFFD8F0  }
0x10e: {  	_ =	sfence.sel $0x180000  }
0x10f: {  	[bflag:$0x0] =	sbarrier.arrive $0xFFFF  }
0x110: {  	p0 =	sne.s32 s0, $0x0;
	_ =	strace $0x9000004A  }
0x111: {  	s0 =	sadd.s32 @!p0 $0x100000, s1;
	[bflag:$0x2] =	sbarrier.arrive $0xFFFF  }
0x112: {  	[sflag:s0] =	ssyncadd.tile.s32 @!p0 $0x1;
	_ =	shalt  }
.Lfunc_end2:
_tile_overlayer_lowered:
.L_overlay_start_2:
0x113: {  	(tag) =	ssettag $0x2  }
0x114: {  	s0 =	rddreg [dreg:$0x0];
	s2 =	stileid.u32  }
0x115: {  	s1 =	rddreg [dreg:$0x1];
	p0 =	sne.s32 s2, $0x0  }
0x116: {  	s3 =	rddreg [dreg:$0x2];
	[bflag:$0x3] =	sbarrier.arrive $0xFFFF;
	s2 =	simm.s32 @!p0 $0x1C03  }
0x117: {  	[timem:s3], [sflag:s2] =	dma.local @!p0 [hbm:s0], s1  }
0x118: {  	s0 =	simm.s32 @!p0 $0x3  }
0x119: {  	_ =	swait.ge @!p0 [sflag:s0], s1  }
0x11a: {  	s1 =	ssub.s32 @!p0 $0x0, s1;
	[sflag:s0] =	ssyncset.done @!p0 $0x0  }
0x11b: {  	[sflag:s0] =	ssyncadd.s32 @!p0 s1  }
0x11c: {  	[bflag:$0x3] =	sbarrier.arrive $0xFFFF  }
0x11d: {  	_ =	shalt  }

// kernel: kernel.14.cloned.1.call-start
scs
__scs_entry_jumppad:
0x0: {  	(pc) =	sbr.rel $0x88, $3  }
0x1: {  	(tag) =	ssettag $0x0;
	lr =	simm.s32 $0x1  }
0x2: {  	[smem:$0x3F99] =	sst lr;
	_ =	strace $0xD0000000  }
0x3: {  	_ = 	snop  }
0x4: {  	_ = 	snop  }
0x5: {  	_ = 	snop  }
0x6: {  	_ = 	snop  }
0x7: {  	_ = 	snop  }
__scs_overlays_trampoline_lowered:
0x8: {  	[smem:$0x3FA8] =	sst s0  }
0x9: {  	[smem:$0x3FA9] =	sst s1  }
0xa: {  	[smem:$0x3FAA] =	sst s2  }
0xb: {  	[smem:$0x3FAB] =	sst s3  }
0xc: {  	[smem:$0x3FAC] =	sst s4  }
0xd: {  	[smem:$0x3FAD] =	sst s5  }
0xe: {  	[smem:$0x3FAE] =	sst s6  }
0xf: {  	[smem:$0x3FAF] =	sst s7  }
0x10: {  	[smem:$0x3FB0] =	sst s8  }
0x11: {  	[smem:$0x3FB1] =	sst s9;
	s0 =	simm.s32 @!p0 $0x0  }
0x12: {  	s1 =	sld [smem:$0x3F97];
	s0 =	simm.s32 @p0 $0x1  }
0x13: {  	[smem:$0x3FB2] =	sst s0;
	s0 =	simm.s32 @!p1 $0x0  }
0x14: {  	s2 =	sld [smem:$0x3F96];
	s0 =	simm.s32 @p1 $0x1  }
0x15: {  	[smem:$0x3FB3] =	sst s0;
	s0 =	simm.s32 @!p2 $0x0  }
0x16: {  	s3 =	sld [smem:$0x3FDB];
	s0 =	simm.s32 @p2 $0x1  }
0x17: {  	s4 =	simm.s32 $0x1BF5;
	[smem:$0x3FB5] =	sst s0  }
0x18: {  	s0 =	sld [smem:$0x3F98];
	_ =	swait.ge [sflag:s4], $0x0  }
0x19: {  	s7 =	sld [smem:$0x3F99]  }
0x1a: {  	s8 =	sadd.s32 $0xFFFFE003, lr  }
0x1b: {  	s9 =	sadd.s32 $0xFFFFFEF7, lr;
	s5 =	simm.s32 $0xFFFFFFFF;
	p2 =	slt.u32 s8, $0xFFFFF086  }
0x1c: {  	p1 =	slt.u32 s9, $0xF7A;
	s5 =	simm.s32 @!p2 $0x0  }
0x1d: {  	s5 =	simm.s32 @p1 $0x1;
	p0 =	seq.s32 s7, s2  }
0x1e: {  	s7 =	smul.u32 @!p0 $0xF7A, s2;
	p2 =	seq.s32 @!p0 s5, $0x0  }
0x1f: {  	s9 =	smul.u32 $0xF7A, s1;
	s8 =	simm.s32 @!p0 $0x1BF5;
	p2 =	por !p2, p0  }
0x20: {  	[sflag:s8] =	ssyncset.s32 @!p0 $0xFFFFF086;
	s6 =	sadd.s32 @!p0 s3, s7;
	s7 =	simm.s32 @!p0 $0x108  }
0x21: {  	s3 =	sadd.s32 s3, s9;
	s6 =	sadd.s32 @!p0 $0x88, s6;
	s7 =	simm.s32 @p2 $0x1082  }
0x22: {  	[simem:s7], [sflag:s8] =	dma.local @!p0 [hbm:s6], $0xF7A  }
0x23: {  	s9 =	sor.u32 $0xD0000000, s2;
	s6 =	simm.s32 $0x108;
	_ =	swait.ge @!p0 [sflag:s8], $0x0  }
0x24: {  	s3 =	sadd.s32 $0x88, s3;
	s6 =	simm.s32 @!p1 $0x1082;
	[sflag:s4] =	ssyncset.s32 $0xFFFFF086  }
0x25: {  	[simem:s6], [sflag:s4] =	dma.local [hbm:s3], $0xF7A  }
0x26: {  	[smem:$0x3F99] =	sst s1;
	(tag) =	ssettag s2;
	_ =	strace s9  }
0x27: {  	s1 =	sld [smem:$0x3FA9]  }
0x28: {  	s2 =	sld [smem:$0x3FAA]  }
0x29: {  	s4 =	sld [smem:$0x3FAC]  }
0x2a: {  	p0 =	seq.s32 s5, $0x0;
	s5 =	sld [smem:$0x3FAD]  }
0x2b: {  	s6 =	sld [smem:$0x3FAE]  }
0x2c: {  	s7 =	sld [smem:$0x3FAF]  }
0x2d: {  	s3 =	simm.s32 $0x108;
	s8 =	sld [smem:$0x3FB0]  }
0x2e: {  	s3 =	simm.s32 @!p0 $0x1082;
	s9 =	sld [smem:$0x3FB1]  }
0x2f: {  	lr =	sadd.s32 s0, s3;
	s0 =	sld [smem:$0x3FA8]  }
0x30: {  	s3 =	sld [smem:$0x3FAB]  }
0x31: {  	[smem:$0x3FB4] =	sst s10  }
0x32: {  	s10 =	sld [smem:$0x3FB2];
	_ =	sdelay $0x3  }
0x33: {  	p0 =	seq.s32 s10, $0x1;
	s10 =	sld [smem:$0x3FB4];
	_ =	sdelay $0x3  }
0x34: {  	[smem:$0x3FB4] =	sst s10  }
0x35: {  	s10 =	sld [smem:$0x3FB3];
	_ =	sdelay $0x3  }
0x36: {  	p1 =	seq.s32 s10, $0x1;
	s10 =	sld [smem:$0x3FB4];
	_ =	sdelay $0x3  }
0x37: {  	[smem:$0x3FB4] =	sst s10  }
0x38: {  	s10 =	sld [smem:$0x3FB5]  }
0x39: {  	_ = 	snop;
	(pc) =	sbr.ind lr, $3  }
0x3a: {  	_ = 	snop  }
0x3b: {  	_ = 	snop  }
0x3c: {  	p2 =	seq.s32 s10, $0x1;
	s10 =	sld [smem:$0x3FB4]  }
0x3d: {  	_ =	shalt  }
0x3e: {  	_ =	shalt  }
0x3f: {  	_ =	shalt  }
0x40: {  	_ =	shalt  }
0x41: {  	_ =	shalt  }
0x42: {  	_ =	shalt  }
0x43: {  	_ =	shalt  }
0x44: {  	_ =	shalt  }
0x45: {  	_ =	shalt  }
0x46: {  	_ =	shalt  }
0x47: {  	_ =	shalt  }
0x48: {  	_ =	shalt  }
0x49: {  	_ =	shalt  }
0x4a: {  	_ =	shalt  }
0x4b: {  	_ =	shalt  }
0x4c: {  	_ =	shalt  }
0x4d: {  	_ =	shalt  }
0x4e: {  	_ =	shalt  }
0x4f: {  	_ =	shalt  }
0x50: {  	_ =	shalt  }
0x51: {  	_ =	shalt  }
0x52: {  	_ =	shalt  }
0x53: {  	_ =	shalt  }
0x54: {  	_ =	shalt  }
0x55: {  	_ =	shalt  }
0x56: {  	_ =	shalt  }
0x57: {  	_ =	shalt  }
0x58: {  	_ =	shalt  }
0x59: {  	_ =	shalt  }
0x5a: {  	_ =	shalt  }
0x5b: {  	_ =	shalt  }
0x5c: {  	_ =	shalt  }
0x5d: {  	_ =	shalt  }
0x5e: {  	_ =	shalt  }
0x5f: {  	_ =	shalt  }
0x60: {  	_ =	shalt  }
0x61: {  	_ =	shalt  }
0x62: {  	_ =	shalt  }
0x63: {  	_ =	shalt  }
0x64: {  	_ =	shalt  }
0x65: {  	_ =	shalt  }
0x66: {  	_ =	shalt  }
0x67: {  	_ =	shalt  }
0x68: {  	_ =	shalt  }
0x69: {  	_ =	shalt  }
0x6a: {  	_ =	shalt  }
0x6b: {  	_ =	shalt  }
0x6c: {  	_ =	shalt  }
0x6d: {  	_ =	shalt  }
0x6e: {  	_ =	shalt  }
0x6f: {  	_ =	shalt  }
0x70: {  	_ =	shalt  }
0x71: {  	_ =	shalt  }
0x72: {  	_ =	shalt  }
0x73: {  	_ =	shalt  }
0x74: {  	_ =	shalt  }
0x75: {  	_ =	shalt  }
0x76: {  	_ =	shalt  }
0x77: {  	_ =	shalt  }
0x78: {  	_ =	shalt  }
0x79: {  	_ =	shalt  }
0x7a: {  	_ =	shalt  }
0x7b: {  	_ =	shalt  }
0x7c: {  	_ =	shalt  }
0x7d: {  	_ =	shalt  }
0x7e: {  	_ =	shalt  }
0x7f: {  	_ =	shalt  }
0x80: {  	_ =	shalt  }
0x81: {  	_ =	shalt  }
0x82: {  	_ =	shalt  }
0x83: {  	_ =	shalt  }
0x84: {  	_ =	shalt  }
0x85: {  	_ =	shalt  }
0x86: {  	_ =	shalt  }
0x87: {  	_ =	shalt  }
.Lfunc_end0:
.L_simem_size_0:
called_computation.2_lowered:
.L_overlay_start_0:
0x88: {  	s2 =	sld [smem:$0x3FD9]  }
0x89: {  	s3 =	sld [smem:$0x3FFE];
	_ =	sdelay $0x1  }
0x8a: {  	s1 =	srdreg.scid  }
0x8b: {  	s0 =	sand.u32 $0x1, s1  }
0x8c: {  	s16 =	sshll.u32 s0, $0xA;
	s2 =	sadd.s32 s3, s2  }
0x8d: {  	s2 =	sadd.s32 s2, s16  }
0x8e: {  	[smem:$0x3FC0] =	sst s2  }
0x8f: {  	_ = 	snop  }
0x90: {  	(tm) =	ssettm $0x1  }
0x91: {  	s17 =	sld [smem:$0x3FFB];
	_ =	sdelay $0x3  }
0x92: {  	_ =	strace s17  }
0x93: {  	s2 =	sld [smem:$0x3FFC];
	_ =	sdelay $0x3  }
0x94: {  	_ =	strace s2  }
0x95: {  	s2 =	sld [smem:$0x3FFD];
	_ =	sdelay $0x3  }
0x96: {  	_ =	strace s2  }
0x97: {  	_ =	strace $0x8FFFFFFF  }
0x98: {  	s18 =	sld [smem:$0x3FDB];
	_ =	sdelay $0x1  }
0x99: {  	s19 =	simm.s32 $_scs_section_size  }
0x9a: {  	s4 =	simm.s32 $_size__tile_overlayer_lowered;
	s5 =	simm.s32 $_tile_overlayer_lowered  }
0x9b: {  	s22 =	simm.s32 $0x1BFF;
	s21 =	sshll.u32 s5, $0x1;
	s2 =	sadd.s32 s19, s18  }
0x9c: {  	s6 =	simm.s32 $0x0;
	s20 =	sshll.u32 s4, $0x1;
	s4 =	sadd.s32 s21, s2  }
0x9d: {  	[timem:s6], [sflag:s22] =	dma.local [hbm:s4], s20  }
0x9e: {  	_ =	swait.ge [sflag:s22], s20  }
0x9f: {  	s3 =	ssub.s32 $0x0, s20;
	[sflag:s22] =	ssyncset.done $0x0  }
0xa0: {  	[sflag:s22] =	ssyncadd.s32 s3;
	_ =	sdelay $0x1  }
0xa1: {  	s23 =	simm.s32 $0x1B8B  }
0xa2: {  	_ =	swait.ge [sflag:s23], $0x1  }
0xa3: {  	[sflag:s23] =	ssyncset.done $0x0  }
0xa4: {  	s25 =	simm.s32 $0x1B8E;
	s24 =	sld [smem:$0x3FFE];
	[sflag:s23] =	ssyncadd.s32 $0xFFFFFFFF  }
0xa5: {  	s26 =	simm.s32 $execute0_lowered;
	[smem:$0x3FD2] =	sst s25  }
0xa6: {  	s4 =	sshll.u32 s26, $0x1;
	_ =	strace $0x8000004C;
	[dreg:$0x1] =	wrdreg $0xFFFFFFFF  }
0xa7: {  	s28 =	simm.s32 $_size_execute0_lowered;
	s2 =	sadd.s32 s2, s4;
	[dreg:$0x0] =	wrdreg $0x0  }
0xa8: {  	s4 =	sshll.u32 s28, $0x1;
	[dreg:$0x2] =	wrdreg s2  }
0xa9: {  	[dreg:$0x3] =	wrdreg s4  }
0xaa: {  	[dreg:$0x4] =	wrdreg $0xC0  }
0xab: {  	_ =	task [dreg:s6], $0x5FFFF  }
0xac: {  	[dreg:$0x1] =	wrdreg $0xFFFFFFFF  }
0xad: {  	[dreg:$0x0] =	wrdreg $0x60  }
0xae: {  	[dreg:$0x2] =	wrdreg s24  }
0xaf: {  	[dreg:$0x3] =	wrdreg $0x9  }
0xb0: {  	_ =	task.clear_ibuf [dreg:s6], $0x4FFFF;
	_ =	strace $0x9000004C  }
0xb1: {  	s29 =	simm.s32 $0x9;
	_ =	strace $0x8000004E  }
0xb2: {  	_ =	swait.ge [sflag:s29], $0x1  }
0xb3: {  	[sflag:s29] =	ssyncadd.s32 $0xFFFFFFFF  }
0xb4: {  	_ =	strace $0x9000004E  }
0xb5: {  	_ =	sfence  }
0xb6: {  	s30 =	sld [smem:$0x0];
	_ =	sdelay $0x2  }
0xb7: {  	s31 =	sshll.u32 s1, $0xD;
	s1 =	sshrl.u32 s1, $0x2  }
0xb8: {  	s3 =	sand.u32 $0x4000, s31;
	s1 =	sadd.s32 s1, s30  }
0xb9: {  	s0 =	sor.u32 s3, s0;
	s1 =	sshll.u32 s1, $0x11  }
0xba: {  	s0 =	sor.u32 s1, s0  }
0xbb: {  	s0 =	sadd.s32 $0x8F2B, s0  }
0xbc: {  	[sflag:s0] =	ssyncadd.remote.s32 $0x1  }
0xbd: {  	_ =	sfence.sel $0xFFFF  }
0xbe: {  	[dreg:$0x0] =	wrdreg $0xFFFFFFFF;
	(pc) =	sbr.abs _section_cstart, $3  }
0xbf: {  	[dreg:$0x1] =	wrdreg $0xFFFFFFFF  }
0xc0: {  	_ =	task.clear_ibuf [dreg:s6], $0x2FFFF;
	_ =	strace $0x9FFFFFFF  }
0xc1: {  	(tm) =	ssettm $0x7FFFFFFF  }
tec
execute0_lowered:
.L_overlay_start_1:
0x0: {  	(tag) =	ssettag $0x1  }
0x1: {  	s1 =	srdreg.scid;
	s0 =	stileid.u32  }
0x2: {  	s4 =	rddreg [dreg:$0x0];
	s2 =	simm.s32 $0x0;
	s11 =	simm.s32 $0xED00  }
0x3: {  	s12 =	simm.s32 $0x3;
	s13 =	simm.s32 $0x2780;
	s14 =	simm.s32 $0x13B80  }
0x4: {  	s15 =	simm.s32 $0x1;
	s16 =	simm.s32 $0x4F00;
	s17 =	simm.s32 $0x7680  }
0x5: {  	s18 =	simm.s32 $0x9E00;
	s3 =	sand.u32 $0x1, s1;
	s31 =	sshll.u32 s0, $0x1  }
0x6: {  	s19 =	simm.s32 $0xC580;
	s20 =	simm.s32 $0x2;
	s5 =	sor.u32 s3, s31  }
0x7: {  	s21 =	simm.s32 $0x0;
	s1 =	rddreg [dreg:$0x1];
	s6 =	smul.u32 $0x4E20, s5  }
0x8: {  	[smem:$0x7FF] =	sst s2;
	s7 =	ssub.s32 $0x2, s3;
	s5 =	smul.u32 $0x9C40, s5  }
0x9: {  	_ =	strace $0x8000004D;
	s3 =	sadd.s32 $0x15C00, s4;
	s8 =	sshrl.u32 s7, $0x1  }
0xa: {  	s10 =	ssub.s32 s7, s8;
	s6 =	sshrl.u32 s6, $0x3;
	s5 =	sshrl.u32 s5, $0x3  }
0xb: {  	s10 =	smax.u32 s10, $0x1;
	s6 =	sadd.s32 s6, s4;
	s9 =	sadd.s32 s5, s4  }
0xc: {  	s4 =	sadd.s32 $0x2000, s6;
	s5 =	sadd.s32 $0x24E2, s6;
	s6 =	sadd.s32 $0x1FA00, s9  }
0xd: {  	v0 =	vimm.f32 $0.0e+00;
	s7 =	sadd.s32 $0x1FEE2, s9;
	s8 =	sadd.s32 $0x203C4, s9;
	s9 =	sadd.s32 $0x208A6, s9  }
.LBB2_1:
0xe: {  	[tilespmem:s11], [sflag:$0x1] =	stream.linear.gather [hbm4b:s3+s2], $0x4E20, $0x38;
	[tilespmem:$0x18A00] =	vst v63  }
0xf: {  	_ = 	snop  }
0x10: {  	[tilespmem:s2], [sflag:$0x3] =	stream.linear.gather [hbm4b:s4+s2], $0x2710, $0x38;
	[tilespmem:$0x18A00] =	vst v63  }
0x11: {  	_ =	swait.ge [sflag:s12], $0x2710  }
0x12: {  	[sflag:s12] =	ssyncset.done $0x0  }
0x13: {  	[sflag:s12] =	ssyncadd.s32 $0xFFFFD8F0  }
0x14: {  	[tilespmem:s13], [sflag:$0x3] =	stream.linear.gather [hbm4b:s5+s2], $0x2710, $0x38;
	[tilespmem:$0x18A00] =	vst v63  }
0x15: {  	_ =	swait.ge [sflag:s12], $0x2710  }
0x16: {  	[sflag:s12] =	ssyncset.done $0x0  }
0x17: {  	s22 =	simm.s32 $0x0;
	[sflag:s12] =	ssyncadd.s32 $0xFFFFD8F0  }
.LBB2_2:
0x18: {  	p0 =	seq.s32 s22, $0x9C00  }
.Ltmp0:
0x19: {  	s23 =	sshra.s32 s22, $0x2;
	(pc) =	sbr.rel @!p0 .LBB2_2-.Ltmp0, $4  }
0x1a: {  	[tilespmem:s23+$0x4F00] =	vst v0  }
0x1b: {  	[tilespmem:s23+$0x7680] =	vst v0  }
0x1c: {  	[tilespmem:s23+$0x9E00] =	vst v0  }
0x1d: {  	s22 =	sadd.s32 $0x40, s22;
	[tilespmem:s23+$0xC580] =	vst v0  }
0x1e: {  	s22 =	simm.s32 $0x0;
	s23 =	simm.s32 $0x0  }
.LBB2_5:
0x1f: {  	s24 =	smul.u32 $0x9C40, s23;
	_ =	sdelay $0x1  }
0x20: {  	s25 =	sshrl.u32 s24, $0x3  }
0x21: {  	s25 =	sadd.s32 s3, s25  }
0x22: {  	s25 =	sadd.s32 $0x9C4, s25  }
0x23: {  	[tilespmem:s14], [sflag:$0x2] =	stream.linear.gather [hbm4b:s25+s2], $0x4E20, $0x38;
	[tilespmem:$0x18A00] =	vst v63  }
0x24: {  	_ =	swait.ge [sflag:s15], $0x4E20  }
0x25: {  	[sflag:s15] =	ssyncset.done $0x0  }
0x26: {  	s30 =	simm.s32 $0xED20;
	[sflag:s15] =	ssyncadd.s32 $0xFFFFB1E0  }
0x27: {  	v1 =	vld [tilespmem:s30+$0x10];
	_ =	sdelay $0x2  }
0x28: {  	v2 =	vld [tilespmem:s30+$0xFFFFFFE0]  }
0x29: {  	v3 =	vld [tilespmem:s30+$0xFFFFFFF0]  }
0x2a: {  	v4 =	vld [tilespmem:s30+$0x0];
	v5 =	vand.u32 $0xFFFF, v1;
	_ =	sdelay $0x2  }
0x2b: {  	v6 =	vand.u32 $0xFFFF, v2  }
0x2c: {  	v7 =	vand.u32 $0xFFFF, v3  }
0x2d: {  	s31 =	simm.s32 $0xED60;
	v9 =	vand.u32 $0xFFFF, v4;
	v8 =	vld.idx.msk [tilespmem:v5+s22+$0x0], $0xffff  }
0x2e: {  	v57 =	vld [tilespmem:s31+$0x0];
	v10 =	vshrl.u32 v1, $0x10  }
0x2f: {  	v58 =	vld [tilespmem:s31+$0xFFFFFFE0]  }
0x30: {  	v11 =	vld.idx.msk [tilespmem:v6+s22+$0x0], $0xffff  }
0x31: {  	v12 =	vshrl.u32 v2, $0x10;
	v13 =	vld.idx.msk [tilespmem:v7+s22+$0x0], $0xffff  }
0x32: {  	v14 =	vld.idx.msk [tilespmem:v9+s22+$0x0], $0xffff;
	v2 =	vshll.u32 v8, $0x10  }
0x33: {  	v1 =	vshrl.u32 v3, $0x10;
	v3 =	vand.u32 $0xFFFF0000, v8;
	[tilespmem:v10+s16+$0x0] =	vst.idx.add.f32.msk $0xffff, v2  }
0x34: {  	[tilespmem:v10+s17+$0x0] =	vst.idx.add.f32.msk $0xffff, v3  }
0x35: {  	v2 =	vshrl.u32 v4, $0x10;
	v3 =	vshll.u32 v11, $0x10;
	v4 =	vld.idx.msk [tilespmem:v5+s13+$0x0], $0xffff  }
0x36: {  	[tilespmem:v12+s16+$0x0] =	vst.idx.add.f32.msk $0xffff, v3  }
0x37: {  	v5 =	vand.u32 $0xFFFF0000, v11;
	v11 =	vld [tilespmem:s31+$0xFFFFFFF0]  }
0x38: {  	v8 =	vand.u32 $0xFFFF, v58;
	v3 =	vshll.u32 v13, $0x10;
	[tilespmem:v12+s17+$0x0] =	vst.idx.add.f32.msk $0xffff, v5  }
0x39: {  	v5 =	vand.u32 $0xFFFF0000, v13;
	[tilespmem:v1+s16+$0x0] =	vst.idx.add.f32.msk $0xffff, v3  }
0x3a: {  	[tilespmem:v1+s17+$0x0] =	vst.idx.add.f32.msk $0xffff, v5  }
0x3b: {  	v5 =	vld [tilespmem:s31+$0x10]  }
0x3c: {  	v6 =	vld.idx.msk [tilespmem:v6+s13+$0x0], $0xffff  }
0x3d: {  	v3 =	vshll.u32 v14, $0x10;
	v19 =	vld.idx.msk [tilespmem:v8+s22+$0x0], $0xffff  }
0x3e: {  	[tilespmem:v2+s16+$0x0] =	vst.idx.add.f32.msk $0xffff, v3;
	v3 =	vand.u32 $0xFFFF0000, v14  }
0x3f: {  	[tilespmem:v2+s17+$0x0] =	vst.idx.add.f32.msk $0xffff, v3  }
0x40: {  	v3 =	vshll.u32 v4, $0x10;
	v9 =	vld.idx.msk [tilespmem:v9+s13+$0x0], $0xffff;
	v15 =	vand.u32 $0xFFFF, v5  }
0x41: {  	v4 =	vand.u32 $0xFFFF0000, v4;
	[tilespmem:v10+s18+$0x0] =	vst.idx.add.f32.msk $0xffff, v3  }
0x42: {  	v3 =	vand.u32 $0xFFFF, v11;
	[tilespmem:v10+s19+$0x0] =	vst.idx.add.f32.msk $0xffff, v4  }
0x43: {  	v4 =	vand.u32 $0xFFFF, v57;
	v10 =	vld.idx.msk [tilespmem:v7+s13+$0x0], $0xffff;
	v18 =	vshrl.u32 v5, $0x10;
	v5 =	vshll.u32 v6, $0x10  }
0x44: {  	[tilespmem:v12+s18+$0x0] =	vst.idx.add.f32.msk $0xffff, v5  }
0x45: {  	v6 =	vand.u32 $0xFFFF0000, v6;
	v5 =	vshrl.u32 v58, $0x10;
	v7 =	vld.idx.msk [tilespmem:v15+s22+$0x0], $0xffff  }
0x46: {  	[tilespmem:v12+s19+$0x0] =	vst.idx.add.f32.msk $0xffff, v6  }
0x47: {  	v16 =	vld.idx.msk [tilespmem:v3+s22+$0x0], $0xffff  }
0x48: {  	v17 =	vld.idx.msk [tilespmem:v4+s22+$0x0], $0xffff;
	v59 =	vshll.u32 v10, $0x10  }
0x49: {  	v6 =	vshrl.u32 v11, $0x10;
	v11 =	vshll.u32 v19, $0x10;
	[tilespmem:v1+s18+$0x0] =	vst.idx.add.f32.msk $0xffff, v59  }
0x4a: {  	[tilespmem:v5+s16+$0x0] =	vst.idx.add.f32.msk $0xffff, v11;
	v60 =	vshll.u32 v7, $0x10  }
0x4b: {  	v7 =	vand.u32 $0xFFFF0000, v7;
	[tilespmem:v18+s16+$0x0] =	vst.idx.add.f32.msk $0xffff, v60  }
0x4c: {  	[tilespmem:v18+s17+$0x0] =	vst.idx.add.f32.msk $0xffff, v7;
	v7 =	vshrl.u32 v57, $0x10  }
0x4d: {  	v61 =	vand.u32 $0xFFFF0000, v19;
	v12 =	vld.idx.msk [tilespmem:v15+s13+$0x0], $0xffff  }
0x4e: {  	[tilespmem:v5+s17+$0x0] =	vst.idx.add.f32.msk $0xffff, v61;
	v11 =	vshll.u32 v16, $0x10  }
0x4f: {  	v62 =	vand.u32 $0xFFFF0000, v16;
	[tilespmem:v6+s16+$0x0] =	vst.idx.add.f32.msk $0xffff, v11  }
0x50: {  	v11 =	vshll.u32 v17, $0x10;
	[tilespmem:v6+s17+$0x0] =	vst.idx.add.f32.msk $0xffff, v62  }
0x51: {  	v63 =	vand.u32 $0xFFFF0000, v17;
	[tilespmem:v7+s16+$0x0] =	vst.idx.add.f32.msk $0xffff, v11  }
0x52: {  	[tilespmem:v7+s17+$0x0] =	vst.idx.add.f32.msk $0xffff, v63;
	v11 =	vshll.u32 v12, $0x10  }
0x53: {  	v12 =	vand.u32 $0xFFFF0000, v12;
	[tilespmem:v18+s18+$0x0] =	vst.idx.add.f32.msk $0xffff, v11  }
0x54: {  	s26 =	simm.s32 $0x4;
	s28 =	simm.s32 $0xEDA0;
	v11 =	vand.u32 $0xFFFF0000, v10;
	v10 =	vshll.u32 v9, $0x10;
	v9 =	vand.u32 $0xFFFF0000, v9;
	[tilespmem:v18+s19+$0x0] =	vst.idx.add.f32.msk $0xffff, v12  }
.LBB2_6:
0x55: {  	v12 =	vld [tilespmem:s28+$0x10]  }
0x56: {  	v13 =	vld [tilespmem:s28+$0xFFFFFFF0]  }
0x57: {  	s26 =	sadd.s32 $0x4, s26;
	v14 =	vld [tilespmem:s28+$0x0]  }
0x58: {  	p0 =	slt.u32 s26, $0x4DC;
	v15 =	vld [tilespmem:s28+$0xFFFFFFE0]  }
0x59: {  	v16 =	vld.idx.msk [tilespmem:v8+s13+$0x0], $0xffff  }
0x5a: {  	v17 =	vand.u32 $0xFFFF, v12;
	v18 =	vld.idx.msk [tilespmem:v3+s13+$0x0], $0xffff  }
0x5b: {  	v8 =	vshrl.u32 v13, $0x10;
	v3 =	vand.u32 $0xFFFF, v13;
	v13 =	vld.idx.msk [tilespmem:v4+s13+$0x0], $0xffff  }
0x5c: {  	v19 =	vshrl.u32 v14, $0x10;
	v4 =	vand.u32 $0xFFFF, v14;
	[tilespmem:v1+s19+$0x0] =	vst.idx.add.f32.msk $0xffff, v11;
	v1 =	vmovc v6;
	v6 =	vmov v8  }
0x5d: {  	v14 =	vshrl.u32 v15, $0x10;
	v8 =	vand.u32 $0xFFFF, v15;
	[tilespmem:v2+s18+$0x0] =	vst.idx.add.f32.msk $0xffff, v10  }
0x5e: {  	s25 =	simm.s32 $0x0;
	[tilespmem:v2+s19+$0x0] =	vst.idx.add.f32.msk $0xffff, v9;
	v2 =	vmov v7;
	v7 =	vmov v19  }
0x5f: {  	v19 =	vshll.u32 v16, $0x10;
	v16 =	vand.u32 $0xFFFF0000, v16;
	v15 =	vld.idx.msk [tilespmem:v17+s25+$0x0], $0xffff  }
0x60: {  	v21 =	vshll.u32 v18, $0x10;
	v11 =	vand.u32 $0xFFFF0000, v18;
	v20 =	vld.idx.msk [tilespmem:v3+s25+$0x0], $0xffff  }
0x61: {  	v12 =	vshrl.u32 v12, $0x10;
	v10 =	vshll.u32 v13, $0x10;
	v9 =	vand.u32 $0xFFFF0000, v13;
	v18 =	vld.idx.msk [tilespmem:v4+s25+$0x0], $0xffff  }
0x62: {  	v13 =	vld.idx.msk [tilespmem:v8+s25+$0x0], $0xffff  }
0x63: {  	[tilespmem:v5+s18+$0x0] =	vst.idx.add.f32.msk $0xffff, v19  }
0x64: {  	[tilespmem:v5+s19+$0x0] =	vst.idx.add.f32.msk $0xffff, v16;
	v5 =	vmov v14  }
0x65: {  	v14 =	vshll.u32 v15, $0x10;
	[tilespmem:v1+s18+$0x0] =	vst.idx.add.f32.msk $0xffff, v21  }
0x66: {  	v15 =	vand.u32 $0xFFFF0000, v15;
	v16 =	vshll.u32 v20, $0x10;
	v19 =	vand.u32 $0xFFFF0000, v20;
	[tilespmem:v12+s16+$0x0] =	vst.idx.add.f32.msk $0xffff, v14  }
0x67: {  	v14 =	vshll.u32 v18, $0x10;
	v18 =	vand.u32 $0xFFFF0000, v18;
	[tilespmem:v12+s17+$0x0] =	vst.idx.add.f32.msk $0xffff, v15  }
0x68: {  	v15 =	vshll.u32 v13, $0x10;
	v13 =	vand.u32 $0xFFFF0000, v13;
	v17 =	vld.idx.msk [tilespmem:v17+s13+$0x0], $0xffff  }
0x69: {  	[tilespmem:v5+s16+$0x0] =	vst.idx.add.f32.msk $0xffff, v15  }
0x6a: {  	[tilespmem:v5+s17+$0x0] =	vst.idx.add.f32.msk $0xffff, v13  }
0x6b: {  	[tilespmem:v6+s16+$0x0] =	vst.idx.add.f32.msk $0xffff, v16  }
.Ltmp1:
0x6c: {  	[tilespmem:v6+s17+$0x0] =	vst.idx.add.f32.msk $0xffff, v19;
	(pc) =	sbr.rel @p0 .LBB2_6-.Ltmp1, $4  }
0x6d: {  	[tilespmem:v7+s16+$0x0] =	vst.idx.add.f32.msk $0xffff, v14  }
0x6e: {  	v13 =	vshll.u32 v17, $0x10;
	[tilespmem:v7+s17+$0x0] =	vst.idx.add.f32.msk $0xffff, v18  }
0x6f: {  	v14 =	vand.u32 $0xFFFF0000, v17;
	[tilespmem:v12+s18+$0x0] =	vst.idx.add.f32.msk $0xffff, v13  }
0x70: {  	s28 =	sadd.s32 $0x40, s28;
	[tilespmem:v12+s19+$0x0] =	vst.idx.add.f32.msk $0xffff, v14  }
0x71: {  	_ =	sdelay $0x3  }
0x72: {  	v8 =	vld.idx.msk [tilespmem:v8+s13+$0x0], $0xffff  }
0x73: {  	v3 =	vld.idx.msk [tilespmem:v3+s13+$0x0], $0xffff  }
0x74: {  	v4 =	vld.idx.msk [tilespmem:v4+s13+$0x0], $0xffff  }
0x75: {  	[tilespmem:v1+s19+$0x0] =	vst.idx.add.f32.msk $0xffff, v11  }
0x76: {  	[tilespmem:v2+s18+$0x0] =	vst.idx.add.f32.msk $0xffff, v10  }
0x77: {  	[tilespmem:v2+s19+$0x0] =	vst.idx.add.f32.msk $0xffff, v9;
	v1 =	vshll.u32 v8, $0x10  }
0x78: {  	v2 =	vand.u32 $0xFFFF0000, v8;
	[tilespmem:v5+s18+$0x0] =	vst.idx.add.f32.msk $0xffff, v1  }
0x79: {  	v1 =	vshll.u32 v3, $0x10;
	[tilespmem:v5+s19+$0x0] =	vst.idx.add.f32.msk $0xffff, v2  }
0x7a: {  	v2 =	vand.u32 $0xFFFF0000, v3;
	[tilespmem:v6+s18+$0x0] =	vst.idx.add.f32.msk $0xffff, v1  }
0x7b: {  	v1 =	vshll.u32 v4, $0x10;
	[tilespmem:v6+s19+$0x0] =	vst.idx.add.f32.msk $0xffff, v2  }
0x7c: {  	v2 =	vand.u32 $0xFFFF0000, v4;
	[tilespmem:v7+s18+$0x0] =	vst.idx.add.f32.msk $0xffff, v1  }
0x7d: {  	[tilespmem:v7+s19+$0x0] =	vst.idx.add.f32.msk $0xffff, v2  }
.LBB2_8:
0x7e: {  	s26 =	sshra.s32 s25, $0x2  }
0x7f: {  	v1 =	vld [tilespmem:s26+$0x13B00];
	_ =	sdelay $0x4  }
0x80: {  	v2 =	vand.u32 $0xFFFF, v1;
	_ =	sdelay $0x4  }
0x81: {  	v3 =	vld.idx.msk [tilespmem:v2+s2+$0x0], $0xffff  }
0x82: {  	v1 =	vshrl.u32 v1, $0x10;
	_ =	sdelay $0x3  }
0x83: {  	v4 =	vshll.u32 v3, $0x10  }
0x84: {  	v3 =	vand.u32 $0xFFFF0000, v3;
	[tilespmem:v1+s16+$0x0] =	vst.idx.add.f32.msk $0xffff, v4  }
0x85: {  	[tilespmem:v1+s17+$0x0] =	vst.idx.add.f32.msk $0xffff, v3  }
0x86: {  	v2 =	vld.idx.msk [tilespmem:v2+s13+$0x0], $0xffff;
	_ =	sdelay $0x1  }
0x87: {  	p0 =	sne.s32 s25, $0x40  }
.Ltmp2:
0x88: {  	_ = 	snop;
	(pc) =	sbr.rel @p0 .LBB2_8-.Ltmp2, $4  }
0x89: {  	_ = 	snop  }
0x8a: {  	v3 =	vshll.u32 v2, $0x10  }
0x8b: {  	v2 =	vand.u32 $0xFFFF0000, v2;
	[tilespmem:v1+s18+$0x0] =	vst.idx.add.f32.msk $0xffff, v3  }
0x8c: {  	s25 =	sadd.s32 $0x40, s25;
	[tilespmem:v1+s19+$0x0] =	vst.idx.add.f32.msk $0xffff, v2  }
0x8d: {  	p0 =	seq.s32 s23, $0x7  }
0x8e: {  	s24 =	sshrl.u32 @!p0 s24, $0x3  }
0x8f: {  	s24 =	sadd.s32 @!p0 s3, s24  }
0x90: {  	s25 =	simm.s32 @!p0 $0x0;
	s26 =	simm.s32 @!p0 $0xED00;
	s24 =	sadd.s32 @!p0 $0x1388, s24  }
0x91: {  	[tilespmem:s26], [sflag:$0x1] =	stream.linear.gather @!p0 [hbm4b:s24+s25], $0x4E20, $0x38;
	[tilespmem:$0x18A00] =	vst v63  }
0x92: {  	_ =	swait.ge [sflag:s20], $0x4E20  }
0x93: {  	[sflag:s20] =	ssyncset.done $0x0  }
0x94: {  	s30 =	simm.s32 $0x13BA0;
	[sflag:s20] =	ssyncadd.s32 $0xFFFFB1E0  }
0x95: {  	v1 =	vld [tilespmem:s30+$0x10];
	_ =	sdelay $0x2  }
0x96: {  	v2 =	vld [tilespmem:s30+$0xFFFFFFE0]  }
0x97: {  	v3 =	vld [tilespmem:s30+$0xFFFFFFF0]  }
0x98: {  	v4 =	vld [tilespmem:s30+$0x0];
	v5 =	vand.u32 $0xFFFF, v1;
	_ =	sdelay $0x2  }
0x99: {  	v6 =	vand.u32 $0xFFFF, v2  }
0x9a: {  	s24 =	simm.s32 $0x0;
	v7 =	vand.u32 $0xFFFF, v3  }
0x9b: {  	s31 =	simm.s32 $0x13BE0;
	v9 =	vand.u32 $0xFFFF, v4;
	v8 =	vld.idx.msk [tilespmem:v5+s24+$0x0], $0xffff  }
0x9c: {  	v57 =	vld [tilespmem:s31+$0x0];
	v10 =	vshrl.u32 v1, $0x10  }
0x9d: {  	v58 =	vld [tilespmem:s31+$0xFFFFFFE0]  }
0x9e: {  	v11 =	vld.idx.msk [tilespmem:v6+s24+$0x0], $0xffff  }
0x9f: {  	v12 =	vshrl.u32 v2, $0x10;
	v13 =	vld.idx.msk [tilespmem:v7+s24+$0x0], $0xffff  }
0xa0: {  	v14 =	vld.idx.msk [tilespmem:v9+s24+$0x0], $0xffff;
	v2 =	vshll.u32 v8, $0x10  }
0xa1: {  	v1 =	vshrl.u32 v3, $0x10;
	v3 =	vand.u32 $0xFFFF0000, v8;
	[tilespmem:v10+s16+$0x0] =	vst.idx.add.f32.msk $0xffff, v2  }
0xa2: {  	[tilespmem:v10+s17+$0x0] =	vst.idx.add.f32.msk $0xffff, v3  }
0xa3: {  	v2 =	vshrl.u32 v4, $0x10;
	v3 =	vshll.u32 v11, $0x10;
	v4 =	vld.idx.msk [tilespmem:v5+s13+$0x0], $0xffff  }
0xa4: {  	[tilespmem:v12+s16+$0x0] =	vst.idx.add.f32.msk $0xffff, v3  }
0xa5: {  	v5 =	vand.u32 $0xFFFF0000, v11;
	v11 =	vld [tilespmem:s31+$0xFFFFFFF0]  }
0xa6: {  	v8 =	vand.u32 $0xFFFF, v58;
	v3 =	vshll.u32 v13, $0x10;
	[tilespmem:v12+s17+$0x0] =	vst.idx.add.f32.msk $0xffff, v5  }
0xa7: {  	v5 =	vand.u32 $0xFFFF0000, v13;
	[tilespmem:v1+s16+$0x0] =	vst.idx.add.f32.msk $0xffff, v3  }
0xa8: {  	[tilespmem:v1+s17+$0x0] =	vst.idx.add.f32.msk $0xffff, v5  }
0xa9: {  	v5 =	vld [tilespmem:s31+$0x10]  }
0xaa: {  	v6 =	vld.idx.msk [tilespmem:v6+s13+$0x0], $0xffff  }
0xab: {  	v3 =	vshll.u32 v14, $0x10;
	v19 =	vld.idx.msk [tilespmem:v8+s24+$0x0], $0xffff  }
0xac: {  	[tilespmem:v2+s16+$0x0] =	vst.idx.add.f32.msk $0xffff, v3;
	v3 =	vand.u32 $0xFFFF0000, v14  }
0xad: {  	[tilespmem:v2+s17+$0x0] =	vst.idx.add.f32.msk $0xffff, v3  }
0xae: {  	v3 =	vshll.u32 v4, $0x10;
	v9 =	vld.idx.msk [tilespmem:v9+s13+$0x0], $0xffff;
	v15 =	vand.u32 $0xFFFF, v5  }
0xaf: {  	v4 =	vand.u32 $0xFFFF0000, v4;
	[tilespmem:v10+s18+$0x0] =	vst.idx.add.f32.msk $0xffff, v3  }
0xb0: {  	v3 =	vand.u32 $0xFFFF, v11;
	[tilespmem:v10+s19+$0x0] =	vst.idx.add.f32.msk $0xffff, v4  }
0xb1: {  	v4 =	vand.u32 $0xFFFF, v57;
	v10 =	vld.idx.msk [tilespmem:v7+s13+$0x0], $0xffff;
	v18 =	vshrl.u32 v5, $0x10;
	v5 =	vshll.u32 v6, $0x10  }
0xb2: {  	[tilespmem:v12+s18+$0x0] =	vst.idx.add.f32.msk $0xffff, v5  }
0xb3: {  	v6 =	vand.u32 $0xFFFF0000, v6;
	v5 =	vshrl.u32 v58, $0x10;
	v7 =	vld.idx.msk [tilespmem:v15+s24+$0x0], $0xffff  }
0xb4: {  	[tilespmem:v12+s19+$0x0] =	vst.idx.add.f32.msk $0xffff, v6  }
0xb5: {  	v16 =	vld.idx.msk [tilespmem:v3+s24+$0x0], $0xffff  }
0xb6: {  	v17 =	vld.idx.msk [tilespmem:v4+s24+$0x0], $0xffff;
	v59 =	vshll.u32 v10, $0x10  }
0xb7: {  	v6 =	vshrl.u32 v11, $0x10;
	v11 =	vshll.u32 v19, $0x10;
	[tilespmem:v1+s18+$0x0] =	vst.idx.add.f32.msk $0xffff, v59  }
0xb8: {  	[tilespmem:v5+s16+$0x0] =	vst.idx.add.f32.msk $0xffff, v11;
	v60 =	vshll.u32 v7, $0x10  }
0xb9: {  	v7 =	vand.u32 $0xFFFF0000, v7;
	[tilespmem:v18+s16+$0x0] =	vst.idx.add.f32.msk $0xffff, v60  }
0xba: {  	[tilespmem:v18+s17+$0x0] =	vst.idx.add.f32.msk $0xffff, v7;
	v7 =	vshrl.u32 v57, $0x10  }
0xbb: {  	v61 =	vand.u32 $0xFFFF0000, v19;
	v12 =	vld.idx.msk [tilespmem:v15+s13+$0x0], $0xffff  }
0xbc: {  	[tilespmem:v5+s17+$0x0] =	vst.idx.add.f32.msk $0xffff, v61;
	v11 =	vshll.u32 v16, $0x10  }
0xbd: {  	v62 =	vand.u32 $0xFFFF0000, v16;
	[tilespmem:v6+s16+$0x0] =	vst.idx.add.f32.msk $0xffff, v11  }
0xbe: {  	v11 =	vshll.u32 v17, $0x10;
	[tilespmem:v6+s17+$0x0] =	vst.idx.add.f32.msk $0xffff, v62  }
0xbf: {  	v63 =	vand.u32 $0xFFFF0000, v17;
	[tilespmem:v7+s16+$0x0] =	vst.idx.add.f32.msk $0xffff, v11  }
0xc0: {  	[tilespmem:v7+s17+$0x0] =	vst.idx.add.f32.msk $0xffff, v63;
	v11 =	vshll.u32 v12, $0x10  }
0xc1: {  	v12 =	vand.u32 $0xFFFF0000, v12;
	[tilespmem:v18+s18+$0x0] =	vst.idx.add.f32.msk $0xffff, v11  }
0xc2: {  	s23 =	sadd.s32 $0x1, s23;
	s25 =	simm.s32 $0x4;
	s26 =	simm.s32 $0x13C20;
	v11 =	vand.u32 $0xFFFF0000, v10;
	v10 =	vshll.u32 v9, $0x10;
	v9 =	vand.u32 $0xFFFF0000, v9;
	[tilespmem:v18+s19+$0x0] =	vst.idx.add.f32.msk $0xffff, v12  }
.LBB2_10:
0xc3: {  	v12 =	vld [tilespmem:s26+$0x10]  }
0xc4: {  	v13 =	vld [tilespmem:s26+$0xFFFFFFF0]  }
0xc5: {  	s25 =	sadd.s32 $0x4, s25;
	v14 =	vld [tilespmem:s26+$0x0]  }
0xc6: {  	p0 =	slt.u32 s25, $0x4DC;
	v15 =	vld [tilespmem:s26+$0xFFFFFFE0]  }
0xc7: {  	v16 =	vld.idx.msk [tilespmem:v8+s13+$0x0], $0xffff  }
0xc8: {  	v17 =	vand.u32 $0xFFFF, v12;
	v18 =	vld.idx.msk [tilespmem:v3+s13+$0x0], $0xffff  }
0xc9: {  	v8 =	vshrl.u32 v13, $0x10;
	v3 =	vand.u32 $0xFFFF, v13;
	v13 =	vld.idx.msk [tilespmem:v4+s13+$0x0], $0xffff  }
0xca: {  	v19 =	vshrl.u32 v14, $0x10;
	v4 =	vand.u32 $0xFFFF, v14;
	[tilespmem:v1+s19+$0x0] =	vst.idx.add.f32.msk $0xffff, v11;
	v1 =	vmovc v6;
	v6 =	vmov v8  }
0xcb: {  	v14 =	vshrl.u32 v15, $0x10;
	v8 =	vand.u32 $0xFFFF, v15;
	[tilespmem:v2+s18+$0x0] =	vst.idx.add.f32.msk $0xffff, v10  }
0xcc: {  	[tilespmem:v2+s19+$0x0] =	vst.idx.add.f32.msk $0xffff, v9;
	v2 =	vmov v7;
	v7 =	vmov v19  }
0xcd: {  	v19 =	vshll.u32 v16, $0x10;
	v16 =	vand.u32 $0xFFFF0000, v16;
	v15 =	vld.idx.msk [tilespmem:v17+s24+$0x0], $0xffff  }
0xce: {  	v21 =	vshll.u32 v18, $0x10;
	v11 =	vand.u32 $0xFFFF0000, v18;
	v20 =	vld.idx.msk [tilespmem:v3+s24+$0x0], $0xffff  }
0xcf: {  	v12 =	vshrl.u32 v12, $0x10;
	v10 =	vshll.u32 v13, $0x10;
	v9 =	vand.u32 $0xFFFF0000, v13;
	v18 =	vld.idx.msk [tilespmem:v4+s24+$0x0], $0xffff  }
0xd0: {  	v13 =	vld.idx.msk [tilespmem:v8+s24+$0x0], $0xffff  }
0xd1: {  	[tilespmem:v5+s18+$0x0] =	vst.idx.add.f32.msk $0xffff, v19  }
0xd2: {  	[tilespmem:v5+s19+$0x0] =	vst.idx.add.f32.msk $0xffff, v16;
	v5 =	vmov v14  }
0xd3: {  	v14 =	vshll.u32 v15, $0x10;
	[tilespmem:v1+s18+$0x0] =	vst.idx.add.f32.msk $0xffff, v21  }
0xd4: {  	v15 =	vand.u32 $0xFFFF0000, v15;
	v16 =	vshll.u32 v20, $0x10;
	v19 =	vand.u32 $0xFFFF0000, v20;
	[tilespmem:v12+s16+$0x0] =	vst.idx.add.f32.msk $0xffff, v14  }
0xd5: {  	v14 =	vshll.u32 v18, $0x10;
	v18 =	vand.u32 $0xFFFF0000, v18;
	[tilespmem:v12+s17+$0x0] =	vst.idx.add.f32.msk $0xffff, v15  }
0xd6: {  	v15 =	vshll.u32 v13, $0x10;
	v13 =	vand.u32 $0xFFFF0000, v13;
	v17 =	vld.idx.msk [tilespmem:v17+s13+$0x0], $0xffff  }
0xd7: {  	[tilespmem:v5+s16+$0x0] =	vst.idx.add.f32.msk $0xffff, v15  }
0xd8: {  	[tilespmem:v5+s17+$0x0] =	vst.idx.add.f32.msk $0xffff, v13  }
0xd9: {  	[tilespmem:v6+s16+$0x0] =	vst.idx.add.f32.msk $0xffff, v16  }
.Ltmp3:
0xda: {  	[tilespmem:v6+s17+$0x0] =	vst.idx.add.f32.msk $0xffff, v19;
	(pc) =	sbr.rel @p0 .LBB2_10-.Ltmp3, $4  }
0xdb: {  	[tilespmem:v7+s16+$0x0] =	vst.idx.add.f32.msk $0xffff, v14  }
0xdc: {  	v13 =	vshll.u32 v17, $0x10;
	[tilespmem:v7+s17+$0x0] =	vst.idx.add.f32.msk $0xffff, v18  }
0xdd: {  	v14 =	vand.u32 $0xFFFF0000, v17;
	[tilespmem:v12+s18+$0x0] =	vst.idx.add.f32.msk $0xffff, v13  }
0xde: {  	s26 =	sadd.s32 $0x40, s26;
	[tilespmem:v12+s19+$0x0] =	vst.idx.add.f32.msk $0xffff, v14  }
0xdf: {  	_ =	sdelay $0x3  }
0xe0: {  	v8 =	vld.idx.msk [tilespmem:v8+s13+$0x0], $0xffff  }
0xe1: {  	v3 =	vld.idx.msk [tilespmem:v3+s13+$0x0], $0xffff  }
0xe2: {  	v4 =	vld.idx.msk [tilespmem:v4+s13+$0x0], $0xffff  }
0xe3: {  	[tilespmem:v1+s19+$0x0] =	vst.idx.add.f32.msk $0xffff, v11  }
0xe4: {  	[tilespmem:v2+s18+$0x0] =	vst.idx.add.f32.msk $0xffff, v10  }
0xe5: {  	[tilespmem:v2+s19+$0x0] =	vst.idx.add.f32.msk $0xffff, v9;
	v1 =	vshll.u32 v8, $0x10  }
0xe6: {  	v2 =	vand.u32 $0xFFFF0000, v8;
	[tilespmem:v5+s18+$0x0] =	vst.idx.add.f32.msk $0xffff, v1  }
0xe7: {  	v1 =	vshll.u32 v3, $0x10;
	[tilespmem:v5+s19+$0x0] =	vst.idx.add.f32.msk $0xffff, v2  }
0xe8: {  	v2 =	vand.u32 $0xFFFF0000, v3;
	[tilespmem:v6+s18+$0x0] =	vst.idx.add.f32.msk $0xffff, v1  }
0xe9: {  	v1 =	vshll.u32 v4, $0x10;
	[tilespmem:v6+s19+$0x0] =	vst.idx.add.f32.msk $0xffff, v2  }
0xea: {  	v2 =	vand.u32 $0xFFFF0000, v4;
	[tilespmem:v7+s18+$0x0] =	vst.idx.add.f32.msk $0xffff, v1  }
0xeb: {  	[tilespmem:v7+s19+$0x0] =	vst.idx.add.f32.msk $0xffff, v2  }
.LBB2_12:
0xec: {  	s25 =	sshra.s32 s24, $0x2  }
0xed: {  	v1 =	vld [tilespmem:s25+$0x18980];
	_ =	sdelay $0x4  }
0xee: {  	v2 =	vand.u32 $0xFFFF, v1;
	_ =	sdelay $0x4  }
0xef: {  	v3 =	vld.idx.msk [tilespmem:v2+s2+$0x0], $0xffff  }
0xf0: {  	v1 =	vshrl.u32 v1, $0x10;
	_ =	sdelay $0x3  }
0xf1: {  	v4 =	vshll.u32 v3, $0x10  }
0xf2: {  	v3 =	vand.u32 $0xFFFF0000, v3;
	[tilespmem:v1+s16+$0x0] =	vst.idx.add.f32.msk $0xffff, v4  }
0xf3: {  	[tilespmem:v1+s17+$0x0] =	vst.idx.add.f32.msk $0xffff, v3  }
0xf4: {  	v2 =	vld.idx.msk [tilespmem:v2+s13+$0x0], $0xffff;
	_ =	sdelay $0x1  }
0xf5: {  	p0 =	seq.s32 s24, $0x40  }
.Ltmp4:
0xf6: {  	_ = 	snop;
	(pc) =	sbr.rel @!p0 .LBB2_12-.Ltmp4, $4  }
0xf7: {  	_ = 	snop  }
0xf8: {  	v3 =	vshll.u32 v2, $0x10  }
0xf9: {  	v2 =	vand.u32 $0xFFFF0000, v2;
	[tilespmem:v1+s18+$0x0] =	vst.idx.add.f32.msk $0xffff, v3  }
0xfa: {  	s24 =	sadd.s32 $0x40, s24;
	[tilespmem:v1+s19+$0x0] =	vst.idx.add.f32.msk $0xffff, v2  }
0xfb: {  	p0 =	seq.s32 s23, $0x8  }
.Ltmp5:
0xfc: {  	_ = 	snop;
	(pc) =	sbr.rel @!p0 .LBB2_5-.Ltmp5, $1  }
0xfd: {  	_ =	sdelay $0x3  }
0xfe: {  	[hbm4b:s6+s2] =	stream.linear.scatter [tilespmem:s16], [sflag:$0x3], $0x2710, $0x38;
	[tilespmem:$0x18A00] =	vst v63  }
0xff: {  	_ =	swait.ge [sflag:s12], $0x2710  }
0x100: {  	[sflag:s12] =	ssyncset.done $0x0  }
0x101: {  	[sflag:s12] =	ssyncadd.s32 $0xFFFFD8F0  }
0x102: {  	[hbm4b:s7+s2] =	stream.linear.scatter [tilespmem:s17], [sflag:$0x3], $0x2710, $0x38;
	[tilespmem:$0x18A00] =	vst v63  }
0x103: {  	_ =	swait.ge [sflag:s12], $0x2710  }
0x104: {  	[sflag:s12] =	ssyncset.done $0x0  }
0x105: {  	[sflag:s12] =	ssyncadd.s32 $0xFFFFD8F0  }
0x106: {  	[hbm4b:s8+s2] =	stream.linear.scatter [tilespmem:s18], [sflag:$0x3], $0x2710, $0x38;
	[tilespmem:$0x18A00] =	vst v63  }
0x107: {  	s21 =	sadd.s32 $0x1, s21;
	_ =	swait.ge [sflag:s12], $0x2710  }
0x108: {  	p0 =	sne.s32 s21, s10;
	[sflag:s12] =	ssyncset.done $0x0  }
.Ltmp6:
0x109: {  	[sflag:s12] =	ssyncadd.s32 $0xFFFFD8F0;
	(pc) =	sbr.rel @p0 .LBB2_1-.Ltmp6, $4  }
0x10a: {  	[hbm4b:s9+s2] =	stream.linear.scatter [tilespmem:s19], [sflag:$0x3], $0x2710, $0x38;
	[tilespmem:$0x18A00] =	vst v63  }
0x10b: {  	_ =	swait.ge [sflag:s12], $0x2710  }
0x10c: {  	[sflag:s12] =	ssyncset.done $0x0  }
0x10d: {  	[sflag:s12] =	ssyncadd.s32 $0xFFFFD8F0  }
0x10e: {  	_ =	sfence.sel $0x180000  }
0x10f: {  	[bflag:$0x0] =	sbarrier.arrive $0xFFFF  }
0x110: {  	p0 =	sne.s32 s0, $0x0;
	_ =	strace $0x9000004D  }
0x111: {  	s0 =	sadd.s32 @!p0 $0x100000, s1;
	[bflag:$0x2] =	sbarrier.arrive $0xFFFF  }
0x112: {  	[sflag:s0] =	ssyncadd.tile.s32 @!p0 $0x1;
	_ =	shalt  }
.Lfunc_end2:
_tile_overlayer_lowered:
.L_overlay_start_2:
0x113: {  	(tag) =	ssettag $0x2  }
0x114: {  	s0 =	rddreg [dreg:$0x0];
	s2 =	stileid.u32  }
0x115: {  	s1 =	rddreg [dreg:$0x1];
	p0 =	sne.s32 s2, $0x0  }
0x116: {  	s3 =	rddreg [dreg:$0x2];
	[bflag:$0x3] =	sbarrier.arrive $0xFFFF;
	s2 =	simm.s32 @!p0 $0x1C03  }
0x117: {  	[timem:s3], [sflag:s2] =	dma.local @!p0 [hbm:s0], s1  }
0x118: {  	s0 =	simm.s32 @!p0 $0x3  }
0x119: {  	_ =	swait.ge @!p0 [sflag:s0], s1  }
0x11a: {  	s1 =	ssub.s32 @!p0 $0x0, s1;
	[sflag:s0] =	ssyncset.done @!p0 $0x0  }
0x11b: {  	[sflag:s0] =	ssyncadd.s32 @!p0 s1  }
0x11c: {  	[bflag:$0x3] =	sbarrier.arrive $0xFFFF  }
0x11d: {  	_ =	shalt  }

// kernel: kernel.8.cloned.1.call-start
scs
__scs_entry_jumppad:
0x0: {  	(pc) =	sbr.rel $0x88, $3  }
0x1: {  	(tag) =	ssettag $0x0;
	lr =	simm.s32 $0x1  }
0x2: {  	[smem:$0x3F99] =	sst lr;
	_ =	strace $0xD0000000  }
0x3: {  	_ = 	snop  }
0x4: {  	_ = 	snop  }
0x5: {  	_ = 	snop  }
0x6: {  	_ = 	snop  }
0x7: {  	_ = 	snop  }
__scs_overlays_trampoline_lowered:
0x8: {  	[smem:$0x3FA8] =	sst s0  }
0x9: {  	[smem:$0x3FA9] =	sst s1  }
0xa: {  	[smem:$0x3FAA] =	sst s2  }
0xb: {  	[smem:$0x3FAB] =	sst s3  }
0xc: {  	[smem:$0x3FAC] =	sst s4  }
0xd: {  	[smem:$0x3FAD] =	sst s5  }
0xe: {  	[smem:$0x3FAE] =	sst s6  }
0xf: {  	[smem:$0x3FAF] =	sst s7  }
0x10: {  	[smem:$0x3FB0] =	sst s8  }
0x11: {  	[smem:$0x3FB1] =	sst s9;
	s0 =	simm.s32 @!p0 $0x0  }
0x12: {  	s1 =	sld [smem:$0x3F97];
	s0 =	simm.s32 @p0 $0x1  }
0x13: {  	[smem:$0x3FB2] =	sst s0;
	s0 =	simm.s32 @!p1 $0x0  }
0x14: {  	s2 =	sld [smem:$0x3F96];
	s0 =	simm.s32 @p1 $0x1  }
0x15: {  	[smem:$0x3FB3] =	sst s0;
	s0 =	simm.s32 @!p2 $0x0  }
0x16: {  	s3 =	sld [smem:$0x3FDB];
	s0 =	simm.s32 @p2 $0x1  }
0x17: {  	s4 =	simm.s32 $0x1BF5;
	[smem:$0x3FB5] =	sst s0  }
0x18: {  	s0 =	sld [smem:$0x3F98];
	_ =	swait.ge [sflag:s4], $0x0  }
0x19: {  	s7 =	sld [smem:$0x3F99]  }
0x1a: {  	s8 =	sadd.s32 $0xFFFFE003, lr  }
0x1b: {  	s9 =	sadd.s32 $0xFFFFFEF7, lr;
	s5 =	simm.s32 $0xFFFFFFFF;
	p2 =	slt.u32 s8, $0xFFFFF086  }
0x1c: {  	p1 =	slt.u32 s9, $0xF7A;
	s5 =	simm.s32 @!p2 $0x0  }
0x1d: {  	s5 =	simm.s32 @p1 $0x1;
	p0 =	seq.s32 s7, s2  }
0x1e: {  	s7 =	smul.u32 @!p0 $0xF7A, s2;
	p2 =	seq.s32 @!p0 s5, $0x0  }
0x1f: {  	s9 =	smul.u32 $0xF7A, s1;
	s8 =	simm.s32 @!p0 $0x1BF5;
	p2 =	por !p2, p0  }
0x20: {  	[sflag:s8] =	ssyncset.s32 @!p0 $0xFFFFF086;
	s6 =	sadd.s32 @!p0 s3, s7;
	s7 =	simm.s32 @!p0 $0x108  }
0x21: {  	s3 =	sadd.s32 s3, s9;
	s6 =	sadd.s32 @!p0 $0x88, s6;
	s7 =	simm.s32 @p2 $0x1082  }
0x22: {  	[simem:s7], [sflag:s8] =	dma.local @!p0 [hbm:s6], $0xF7A  }
0x23: {  	s9 =	sor.u32 $0xD0000000, s2;
	s6 =	simm.s32 $0x108;
	_ =	swait.ge @!p0 [sflag:s8], $0x0  }
0x24: {  	s3 =	sadd.s32 $0x88, s3;
	s6 =	simm.s32 @!p1 $0x1082;
	[sflag:s4] =	ssyncset.s32 $0xFFFFF086  }
0x25: {  	[simem:s6], [sflag:s4] =	dma.local [hbm:s3], $0xF7A  }
0x26: {  	[smem:$0x3F99] =	sst s1;
	(tag) =	ssettag s2;
	_ =	strace s9  }
0x27: {  	s1 =	sld [smem:$0x3FA9]  }
0x28: {  	s2 =	sld [smem:$0x3FAA]  }
0x29: {  	s4 =	sld [smem:$0x3FAC]  }
0x2a: {  	p0 =	seq.s32 s5, $0x0;
	s5 =	sld [smem:$0x3FAD]  }
0x2b: {  	s6 =	sld [smem:$0x3FAE]  }
0x2c: {  	s7 =	sld [smem:$0x3FAF]  }
0x2d: {  	s3 =	simm.s32 $0x108;
	s8 =	sld [smem:$0x3FB0]  }
0x2e: {  	s3 =	simm.s32 @!p0 $0x1082;
	s9 =	sld [smem:$0x3FB1]  }
0x2f: {  	lr =	sadd.s32 s0, s3;
	s0 =	sld [smem:$0x3FA8]  }
0x30: {  	s3 =	sld [smem:$0x3FAB]  }
0x31: {  	[smem:$0x3FB4] =	sst s10  }
0x32: {  	s10 =	sld [smem:$0x3FB2];
	_ =	sdelay $0x3  }
0x33: {  	p0 =	seq.s32 s10, $0x1;
	s10 =	sld [smem:$0x3FB4];
	_ =	sdelay $0x3  }
0x34: {  	[smem:$0x3FB4] =	sst s10  }
0x35: {  	s10 =	sld [smem:$0x3FB3];
	_ =	sdelay $0x3  }
0x36: {  	p1 =	seq.s32 s10, $0x1;
	s10 =	sld [smem:$0x3FB4];
	_ =	sdelay $0x3  }
0x37: {  	[smem:$0x3FB4] =	sst s10  }
0x38: {  	s10 =	sld [smem:$0x3FB5]  }
0x39: {  	_ = 	snop;
	(pc) =	sbr.ind lr, $3  }
0x3a: {  	_ = 	snop  }
0x3b: {  	_ = 	snop  }
0x3c: {  	p2 =	seq.s32 s10, $0x1;
	s10 =	sld [smem:$0x3FB4]  }
0x3d: {  	_ =	shalt  }
0x3e: {  	_ =	shalt  }
0x3f: {  	_ =	shalt  }
0x40: {  	_ =	shalt  }
0x41: {  	_ =	shalt  }
0x42: {  	_ =	shalt  }
0x43: {  	_ =	shalt  }
0x44: {  	_ =	shalt  }
0x45: {  	_ =	shalt  }
0x46: {  	_ =	shalt  }
0x47: {  	_ =	shalt  }
0x48: {  	_ =	shalt  }
0x49: {  	_ =	shalt  }
0x4a: {  	_ =	shalt  }
0x4b: {  	_ =	shalt  }
0x4c: {  	_ =	shalt  }
0x4d: {  	_ =	shalt  }
0x4e: {  	_ =	shalt  }
0x4f: {  	_ =	shalt  }
0x50: {  	_ =	shalt  }
0x51: {  	_ =	shalt  }
0x52: {  	_ =	shalt  }
0x53: {  	_ =	shalt  }
0x54: {  	_ =	shalt  }
0x55: {  	_ =	shalt  }
0x56: {  	_ =	shalt  }
0x57: {  	_ =	shalt  }
0x58: {  	_ =	shalt  }
0x59: {  	_ =	shalt  }
0x5a: {  	_ =	shalt  }
0x5b: {  	_ =	shalt  }
0x5c: {  	_ =	shalt  }
0x5d: {  	_ =	shalt  }
0x5e: {  	_ =	shalt  }
0x5f: {  	_ =	shalt  }
0x60: {  	_ =	shalt  }
0x61: {  	_ =	shalt  }
0x62: {  	_ =	shalt  }
0x63: {  	_ =	shalt  }
0x64: {  	_ =	shalt  }
0x65: {  	_ =	shalt  }
0x66: {  	_ =	shalt  }
0x67: {  	_ =	shalt  }
0x68: {  	_ =	shalt  }
0x69: {  	_ =	shalt  }
0x6a: {  	_ =	shalt  }
0x6b: {  	_ =	shalt  }
0x6c: {  	_ =	shalt  }
0x6d: {  	_ =	shalt  }
0x6e: {  	_ =	shalt  }
0x6f: {  	_ =	shalt  }
0x70: {  	_ =	shalt  }
0x71: {  	_ =	shalt  }
0x72: {  	_ =	shalt  }
0x73: {  	_ =	shalt  }
0x74: {  	_ =	shalt  }
0x75: {  	_ =	shalt  }
0x76: {  	_ =	shalt  }
0x77: {  	_ =	shalt  }
0x78: {  	_ =	shalt  }
0x79: {  	_ =	shalt  }
0x7a: {  	_ =	shalt  }
0x7b: {  	_ =	shalt  }
0x7c: {  	_ =	shalt  }
0x7d: {  	_ =	shalt  }
0x7e: {  	_ =	shalt  }
0x7f: {  	_ =	shalt  }
0x80: {  	_ =	shalt  }
0x81: {  	_ =	shalt  }
0x82: {  	_ =	shalt  }
0x83: {  	_ =	shalt  }
0x84: {  	_ =	shalt  }
0x85: {  	_ =	shalt  }
0x86: {  	_ =	shalt  }
0x87: {  	_ =	shalt  }
.Lfunc_end0:
.L_simem_size_0:
called_computation_lowered:
.L_overlay_start_0:
0x88: {  	s2 =	sld [smem:$0x3FD9]  }
0x89: {  	s3 =	sld [smem:$0x3FFE];
	_ =	sdelay $0x1  }
0x8a: {  	s1 =	srdreg.scid  }
0x8b: {  	s0 =	sand.u32 $0x1, s1  }
0x8c: {  	s17 =	sshll.u32 s0, $0xA;
	s2 =	sadd.s32 s3, s2  }
0x8d: {  	s2 =	sadd.s32 s2, s17  }
0x8e: {  	[smem:$0x3FC0] =	sst s2  }
0x8f: {  	_ = 	snop  }
0x90: {  	s2 =	sld [smem:$0x3FD0];
	(tm) =	ssettm $0x1  }
0x91: {  	s18 =	sld [smem:$0x3FFB];
	_ =	sdelay $0x3  }
0x92: {  	_ =	strace s18  }
0x93: {  	s3 =	sld [smem:$0x3FFC];
	_ =	sdelay $0x3  }
0x94: {  	_ =	strace s3  }
0x95: {  	s3 =	sld [smem:$0x3FFD];
	_ =	sdelay $0x3  }
0x96: {  	_ =	strace s3  }
0x97: {  	_ =	strace $0x8FFFFFFF  }
0x98: {  	s19 =	sld [smem:$0x3FDB];
	_ =	sdelay $0x1  }
0x99: {  	s4 =	simm.s32 $_scs_section_size  }
0x9a: {  	s5 =	simm.s32 $_size__tile_overlayer_lowered;
	s6 =	simm.s32 $_tile_overlayer_lowered  }
0x9b: {  	s22 =	simm.s32 $0x1BFF;
	s21 =	sshll.u32 s6, $0x1;
	s3 =	sadd.s32 s4, s19  }
0x9c: {  	s7 =	simm.s32 $0x0;
	s20 =	sshll.u32 s5, $0x1;
	s5 =	sadd.s32 s21, s3  }
0x9d: {  	[timem:s7], [sflag:s22] =	dma.local [hbm:s5], s20  }
0x9e: {  	_ =	swait.ge [sflag:s22], s20  }
0x9f: {  	s4 =	ssub.s32 $0x0, s20;
	[sflag:s22] =	ssyncset.done $0x0  }
0xa0: {  	[sflag:s22] =	ssyncadd.s32 s4;
	_ =	sdelay $0x1  }
0xa1: {  	s23 =	simm.s32 $0x1B8B  }
0xa2: {  	_ =	swait.ge [sflag:s23], $0x1  }
0xa3: {  	[sflag:s23] =	ssyncset.done $0x0  }
0xa4: {  	s25 =	simm.s32 $0x1B8E;
	s24 =	sld [smem:$0x3FFE];
	[sflag:s23] =	ssyncadd.s32 $0xFFFFFFFF  }
0xa5: {  	s26 =	simm.s32 $execute0_lowered;
	[smem:$0x3FD2] =	sst s25  }
0xa6: {  	s5 =	sshll.u32 s26, $0x1;
	_ =	strace $0x80000046;
	[dreg:$0x1] =	wrdreg $0xFFFFFFFF  }
0xa7: {  	s28 =	simm.s32 $_size_execute0_lowered;
	s3 =	sadd.s32 s3, s5;
	[dreg:$0x0] =	wrdreg $0x0  }
0xa8: {  	s5 =	sshll.u32 s28, $0x1;
	[dreg:$0x2] =	wrdreg s3  }
0xa9: {  	[dreg:$0x3] =	wrdreg s5  }
0xaa: {  	[dreg:$0x4] =	wrdreg $0xC0  }
0xab: {  	_ =	task [dreg:s7], $0x5FFFF  }
0xac: {  	[dreg:$0x1] =	wrdreg $0xFFFFFFFF  }
0xad: {  	[dreg:$0x0] =	wrdreg $0x60  }
0xae: {  	[dreg:$0x2] =	wrdreg s24  }
0xaf: {  	[dreg:$0x3] =	wrdreg s2  }
0xb0: {  	[dreg:$0x4] =	wrdreg $0xC6800  }
0xb1: {  	[dreg:$0x5] =	wrdreg $0x9  }
0xb2: {  	_ =	task.clear_ibuf [dreg:s7], $0x6FFFF;
	_ =	strace $0x90000046  }
0xb3: {  	s29 =	simm.s32 $0x9;
	_ =	strace $0x80000048  }
0xb4: {  	_ =	swait.ge [sflag:s29], $0x1  }
0xb5: {  	[sflag:s29] =	ssyncadd.s32 $0xFFFFFFFF  }
0xb6: {  	_ =	strace $0x90000048  }
0xb7: {  	_ =	sfence  }
0xb8: {  	s30 =	sld [smem:$0x0];
	_ =	sdelay $0x2  }
0xb9: {  	s31 =	sshll.u32 s1, $0xD;
	s1 =	sshrl.u32 s1, $0x2  }
0xba: {  	s3 =	sand.u32 $0x4000, s31;
	s1 =	sadd.s32 s1, s30  }
0xbb: {  	s0 =	sor.u32 s3, s0;
	s1 =	sshll.u32 s1, $0x11  }
0xbc: {  	s0 =	sor.u32 s1, s0  }
0xbd: {  	s0 =	sadd.s32 $0x8F2B, s0  }
0xbe: {  	[sflag:s0] =	ssyncadd.remote.s32 $0x1  }
0xbf: {  	_ =	sfence.sel $0xFFFF  }
0xc0: {  	[dreg:$0x0] =	wrdreg $0xFFFFFFFF;
	(pc) =	sbr.abs _section_cstart, $3  }
0xc1: {  	[dreg:$0x1] =	wrdreg $0xFFFFFFFF  }
0xc2: {  	_ =	task.clear_ibuf [dreg:s7], $0x2FFFF;
	_ =	strace $0x9FFFFFFF  }
0xc3: {  	(tm) =	ssettm $0x7FFFFFFF  }
tec
execute0_lowered:
.L_overlay_start_1:
0x0: {  	(tag) =	ssettag $0x1  }
0x1: {  	s0 =	rddreg [dreg:$0x0]  }
0x2: {  	s1 =	rddreg [dreg:$0x1];
	s2 =	srdreg.scid  }
0x3: {  	s17 =	stileid.u32;
	s3 =	rddreg [dreg:$0x2];
	s30 =	simm.s32 $0x80  }
0x4: {  	s31 =	simm.s32 $0x400;
	s28 =	simm.s32 $0x0;
	s4 =	sand.u32 $0x1, s2  }
0x5: {  	s5 =	sshll.u32 s17, $0x1;
	s2 =	simm.s32 $0x0;
	s8 =	smul.u32 $0xA000, s17  }
0x6: {  	s6 =	sshrl.u32 s17, $0x3;
	s22 =	sshll.u32 s17, $0x7;
	s26 =	smul.u32 $0xA00, s17  }
0x7: {  	s5 =	sor.u32 s4, s5;
	[smem:$0x7FF] =	sst s2;
	s7 =	ssub.s32 $0x2, s4  }
0x8: {  	s6 =	smul.u32 $0xA0000, s6;
	s25 =	sand.u32 $0x380, s22;
	s29 =	sshll.u32 s4, $0x7  }
0x9: {  	s5 =	smul.u32 $0x4E2, s5;
	_ =	strace $0x80000047;
	s19 =	sshrl.u32 s7, $0x1  }
0xa: {  	s23 =	sshrl.u32 s8, $0x2;
	s24 =	ssub.s32 s7, s19;
	s6 =	sshrl.u32 s6, $0x2  }
0xb: {  	s0 =	sadd.s32 s5, s0;
	s9 =	sadd.s32 s6, s3;
	s5 =	sadd.s32 s23, s3  }
0xc: {  	s24 =	smax.u32 s24, $0x1;
	s20 =	sadd.s32 $0xBE00, s0;
	s21 =	sadd.s32 $0x2000, s0  }
0xd: {  	s6 =	sadd.s32 $0x15C00, s0;
	s7 =	sadd.s32 s25, s9;
	s8 =	sadd.s32 $0x80, s5  }
0xe: {  	s9 =	sadd.s32 $0x100, s5;
	s10 =	sadd.s32 $0x180, s5;
	s11 =	sadd.s32 $0x200, s5  }
0xf: {  	s12 =	sadd.s32 $0x280, s5;
	s13 =	sadd.s32 $0x300, s5;
	s14 =	sadd.s32 $0x380, s5  }
0x10: {  	s15 =	sadd.s32 $0x28000, s5;
	s16 =	sadd.s32 $0x28080, s5;
	s17 =	sadd.s32 $0x28100, s5  }
0x11: {  	s18 =	sadd.s32 $0x28180, s5;
	s19 =	sadd.s32 $0x28200, s5;
	s0 =	sor.u32 s29, s26  }
0x12: {  	s22 =	sadd.s32 $0x28380, s5;
	s26 =	simm.s32 $0x1;
	[dreg:$0x4] =	wrdreg s20  }
0x13: {  	[dreg:$0x5] =	wrdreg s21;
	s20 =	sadd.s32 $0x28280, s5;
	s0 =	sshrl.u32 s0, $0x3  }
0x14: {  	v0 =	vimm.f32 $0.0e+00;
	v1 =	vimm.f32 $1.000000000e+00;
	s21 =	sadd.s32 $0x28300, s5;
	s23 =	sadd.s32 s1, s0;
	s1 =	simm.s32 $0x11680  }
.LBB2_1:
0x15: {  	s0 =	simm.s32 $0x40;
	s3 =	simm.s32 $0x0  }
.LBB2_2:
0x16: {  	p0 =	sne.s32 s0, $0x13FC0;
	[tilespmem:s3+$0x0] =	vst v0;
	s3 =	smov.u32 s0;
	s0 =	sadd.s32 $0x40, s0  }
.Ltmp0:
0x17: {  	(pc) =	sbr.rel @p0 .LBB2_2-.Ltmp0, $2  }
0x18: {  	_ =	sdelay $0x2  }
0x19: {  	s3 =	sshra.s32 s3, $0x2  }
0x1a: {  	[tilespmem:s3+$0x0] =	vst v0;
	s0 =	rddreg [dreg:$0x4];
	s25 =	simm.s32 $0x5000  }
0x1b: {  	[tilespmem:s25], [sflag:$0x1] =	stream.linear.gather [hbm4b:s0+s2], $0x2710, $0x38;
	[tilespmem:$0x12080] =	vst v63  }
0x1c: {  	_ =	swait.ge [sflag:s26], $0x2710  }
0x1d: {  	[sflag:s26] =	ssyncset.done $0x0  }
0x1e: {  	s4 =	simm.s32 $0x7780;
	s3 =	rddreg [dreg:$0x5];
	[sflag:s26] =	ssyncadd.s32 $0xFFFFD8F0  }
0x1f: {  	[tilespmem:s4], [sflag:$0x1] =	stream.linear.gather [hbm4b:s3+s2], $0x2710, $0x38;
	[tilespmem:$0x12080] =	vst v63  }
0x20: {  	_ =	swait.ge [sflag:s26], $0x2710  }
0x21: {  	[sflag:s26] =	ssyncset.done $0x0  }
0x22: {  	s25 =	simm.s32 $0x5020;
	[sflag:s26] =	ssyncadd.s32 $0xFFFFD8F0  }
0x23: {  	s29 =	simm.s32 $0x77A0;
	v4 =	vld [tilespmem:s25+$0xFFFFFFE0]  }
0x24: {  	v5 =	vld [tilespmem:s29+$0xFFFFFFE0]  }
0x25: {  	v6 =	vld [tilespmem:s25+$0xFFFFFFF0]  }
0x26: {  	v3 =	vld [tilespmem:s25+$0x10];
	_ =	sdelay $0x2  }
0x27: {  	v8 =	vld [tilespmem:s29+$0xFFFFFFF0]  }
0x28: {  	v11 =	vld [tilespmem:s29+$0x10]  }
0x29: {  	v2 =	vld [tilespmem:s29+$0x0];
	v9 =	vadd.s32 $0x2800, v5  }
0x2a: {  	[tilespmem:v4+s2+$0x0] =	vst.idx.add.f32.msk $0xffff, v1  }
0x2b: {  	[tilespmem:v6+s2+$0x0] =	vst.idx.add.f32.msk $0xffff, v1  }
0x2c: {  	v5 =	vshll.u32 v5, $0x10;
	v7 =	vshll.u32 v8, $0x10;
	[tilespmem:v3+s2+$0x0] =	vst.idx.add.f32.msk $0xffff, v1  }
0x2d: {  	s0 =	simm.s32 $0x9F20;
	v10 =	vadd.s32 $0x2800, v8;
	v8 =	vadd.s32 $0x2800, v11;
	v6 =	vor.u32 v6, v7;
	v7 =	vld [tilespmem:s25+$0x0]  }
0x2e: {  	s3 =	simm.s32 $0x0;
	s4 =	simm.s32 $0x5060;
	v5 =	vor.u32 v4, v5;
	v4 =	vadd.s32 $0x2800, v2;
	s25 =	simm.s32 $0x9F20;
	[tilespmem:v9+s2+$0x0] =	vst.idx.add.f32.msk $0xffff, v1;
	v9 =	vshll.u32 v11, $0x10  }
.LBB2_4:
0x2f: {  	v11 =	vld [tilespmem:s4+$0xFFFFFFE0];
	s3 =	sadd.s32 $0x4, s3;
	s0 =	sadd.s32 $0x40, s0;
	s29 =	sadd.s32 $0x40, s29  }
0x30: {  	v12 =	vld [tilespmem:s29+$0xFFFFFFE0];
	p0 =	slt.u32 s3, $0x26C  }
0x31: {  	v13 =	vld [tilespmem:s4+$0x10]  }
0x32: {  	v14 =	vld [tilespmem:s4+$0xFFFFFFF0];
	[tilespmem:s25+$0xFFFFFFE0] =	vst v5  }
0x33: {  	[tilespmem:v10+s2+$0x0] =	vst.idx.add.f32.msk $0xffff, v1  }
0x34: {  	v9 =	vor.u32 v3, v9;
	[tilespmem:v8+s2+$0x0] =	vst.idx.add.f32.msk $0xffff, v1  }
0x35: {  	v8 =	vshll.u32 v2, $0x10;
	v5 =	vshll.u32 v12, $0x10;
	v2 =	vld [tilespmem:s29+$0x0];
	[tilespmem:s25+$0x10] =	vst v9  }
0x36: {  	v5 =	vor.u32 v11, v5;
	[tilespmem:v7+s2+$0x0] =	vst.idx.add.f32.msk $0xffff, v1;
	v7 =	vor.u32 v7, v8;
	v3 =	vmov v13  }
0x37: {  	v8 =	vld [tilespmem:s29+$0xFFFFFFF0];
	[tilespmem:s25+$0xFFFFFFF0] =	vst v6  }
0x38: {  	[tilespmem:v4+s2+$0x0] =	vst.idx.add.f32.msk $0xffff, v1  }
0x39: {  	v9 =	vadd.s32 $0x2800, v12;
	v12 =	vld [tilespmem:s29+$0x10];
	[tilespmem:s25+$0x0] =	vst v7;
	s25 =	smov.u32 s0  }
.Ltmp1:
0x3a: {  	[tilespmem:v11+s2+$0x0] =	vst.idx.add.f32.msk $0xffff, v1;
	(pc) =	sbr.rel @p0 .LBB2_4-.Ltmp1, $4  }
0x3b: {  	[tilespmem:v14+s2+$0x0] =	vst.idx.add.f32.msk $0xffff, v1  }
0x3c: {  	v4 =	vadd.s32 $0x2800, v2;
	v6 =	vshll.u32 v8, $0x10;
	[tilespmem:v13+s2+$0x0] =	vst.idx.add.f32.msk $0xffff, v1  }
0x3d: {  	v6 =	vor.u32 v14, v6;
	v7 =	vld [tilespmem:s4+$0x0]  }
0x3e: {  	v10 =	vadd.s32 $0x2800, v8;
	s4 =	sadd.s32 $0x40, s4;
	[tilespmem:v9+s2+$0x0] =	vst.idx.add.f32.msk $0xffff, v1;
	v8 =	vadd.s32 $0x2800, v12;
	v9 =	vshll.u32 v12, $0x10  }
0x3f: {  	_ =	sdelay $0x2  }
0x40: {  	[tilespmem:s25+$0xFFFFFFE0] =	vst v5  }
0x41: {  	[tilespmem:v10+s2+$0x0] =	vst.idx.add.f32.msk $0xffff, v1  }
0x42: {  	[tilespmem:v8+s2+$0x0] =	vst.idx.add.f32.msk $0xffff, v1;
	v3 =	vor.u32 v3, v9  }
0x43: {  	[tilespmem:s25+$0x10] =	vst v3  }
0x44: {  	[tilespmem:s25+$0xFFFFFFF0] =	vst v6  }
0x45: {  	v2 =	vshll.u32 v2, $0x10;
	[tilespmem:v7+s2+$0x0] =	vst.idx.add.f32.msk $0xffff, v1  }
0x46: {  	v2 =	vor.u32 v7, v2;
	[tilespmem:v4+s2+$0x0] =	vst.idx.add.f32.msk $0xffff, v1  }
0x47: {  	[tilespmem:s25+$0x0] =	vst v2  }
0x48: {  	v2 =	vld [tilespmem:$0x9E80]  }
0x49: {  	v3 =	vld [tilespmem:$0x7700];
	_ =	sdelay $0x3  }
0x4a: {  	v63 =	vadd.s32 $0x2800, v2;
	_ =	sdelay $0x2  }
0x4b: {  	s0 =	simm.s32 $0x0  }
0x4c: {  	v2 =	vshll.u32 v2, $0x10;
	[tilespmem:v3+s0+$0x0] =	vst.idx.add.f32.msk $0xffff, v1  }
0x4d: {  	v2 =	vor.u32 v3, v2;
	[tilespmem:v63+s0+$0x0] =	vst.idx.add.f32.msk $0xffff, v1  }
0x4e: {  	s3 =	simm.s32 $0x9F00;
	[tilespmem:$0xC600] =	vst v2  }
0x4f: {  	[hbm4b:s6+s0] =	stream.linear.scatter [tilespmem:s3], [sflag:$0x1], $0x2710, $0x38;
	[tilespmem:$0x12080] =	vst v63  }
0x50: {  	_ =	swait.ge [sflag:s26], $0x2710  }
0x51: {  	[sflag:s26] =	ssyncset.done $0x0  }
0x52: {  	[sflag:s26] =	ssyncadd.s32 $0xFFFFD8F0  }
0x53: {  	[spmem:s7] =	stream.strided.scatter [tilespmem:s0], [sflag:$0x1], $0x5000, s31, s30, $0x38;
	[tilespmem:$0x12080] =	vst v63  }
0x54: {  	_ =	swait.ge [sflag:s26], $0x5000  }
0x55: {  	[sflag:s26] =	ssyncset.done $0x0  }
0x56: {  	[sflag:s26] =	ssyncadd.s32 $0xFFFFB000  }
0x57: {  	s3 =	simm.s32 $0x0;
	s0 =	simm.s32 $0x40;
	[bflag:$0x0] =	sbarrier.arrive $0xFFFF  }
.LBB2_6:
0x58: {  	p0 =	sne.s32 s0, $0x13C0;
	[tilespmem:s3+$0x11B80] =	vst v0;
	s3 =	smov.u32 s0;
	s0 =	sadd.s32 $0x40, s0  }
.Ltmp2:
0x59: {  	(pc) =	sbr.rel @p0 .LBB2_6-.Ltmp2, $2  }
0x5a: {  	_ =	sdelay $0x2  }
0x5b: {  	s3 =	sshra.s32 s3, $0x2  }
0x5c: {  	[tilespmem:s3+$0x11B80] =	vst v0  }
0x5d: {  	[tilespmem:s1], [sflag:$0x1] =	stream.strided.gather [spmem:s5], $0x500, s31, s30, $0x38;
	[tilespmem:$0x12080] =	vst v63  }
0x5e: {  	_ =	swait.ge [sflag:s26], $0x500  }
0x5f: {  	[sflag:s26] =	ssyncset.done $0x0  }
0x60: {  	s0 =	simm.s32 $0x0;
	[sflag:s26] =	ssyncadd.s32 $0xFFFFFB00  }
0x61: {  	s3 =	simm.s32 $0x40;
	v2 =	vld [tilespmem:s0+$0x11680]  }
.LBB2_8:
0x62: {  	p0 =	sne.s32 s3, $0x13C0;
	v3 =	vld [tilespmem:s0+$0x11B80];
	_ =	sdelay $0x2  }
.Ltmp3:
0x63: {  	(pc) =	sbr.rel @p0 .LBB2_8-.Ltmp3, $4  }
0x64: {  	_ = 	snop  }
0x65: {  	v3 =	vadd.f32 v2, v3  }
0x66: {  	s4 =	sshra.s32 s3, $0x2  }
0x67: {  	s3 =	sadd.s32 $0x40, s3;
	v2 =	vld [tilespmem:s4+$0x11680];
	[tilespmem:s0+$0x11B80] =	vst v3;
	s0 =	smov.u32 s4  }
0x68: {  	v3 =	vld [tilespmem:s0+$0x11B80];
	_ =	sdelay $0x4  }
0x69: {  	v2 =	vadd.f32 v2, v3;
	_ =	sdelay $0x1  }
0x6a: {  	[tilespmem:s0+$0x11B80] =	vst v2  }
0x6b: {  	[tilespmem:s1], [sflag:$0x1] =	stream.strided.gather [spmem:s8], $0x500, s31, s30, $0x38;
	[tilespmem:$0x12080] =	vst v63  }
0x6c: {  	_ =	swait.ge [sflag:s26], $0x500  }
0x6d: {  	[sflag:s26] =	ssyncset.done $0x0  }
0x6e: {  	s0 =	simm.s32 $0x0;
	[sflag:s26] =	ssyncadd.s32 $0xFFFFFB00  }
0x6f: {  	s3 =	simm.s32 $0x40;
	v2 =	vld [tilespmem:s0+$0x11680]  }
.LBB2_10:
0x70: {  	p0 =	sne.s32 s3, $0x13C0;
	v3 =	vld [tilespmem:s0+$0x11B80];
	_ =	sdelay $0x2  }
.Ltmp4:
0x71: {  	(pc) =	sbr.rel @p0 .LBB2_10-.Ltmp4, $4  }
0x72: {  	_ = 	snop  }
0x73: {  	v3 =	vadd.f32 v2, v3  }
0x74: {  	s4 =	sshra.s32 s3, $0x2  }
0x75: {  	s3 =	sadd.s32 $0x40, s3;
	v2 =	vld [tilespmem:s4+$0x11680];
	[tilespmem:s0+$0x11B80] =	vst v3;
	s0 =	smov.u32 s4  }
0x76: {  	v3 =	vld [tilespmem:s0+$0x11B80];
	_ =	sdelay $0x4  }
0x77: {  	v2 =	vadd.f32 v2, v3;
	_ =	sdelay $0x1  }
0x78: {  	[tilespmem:s0+$0x11B80] =	vst v2  }
0x79: {  	[tilespmem:s1], [sflag:$0x1] =	stream.strided.gather [spmem:s9], $0x500, s31, s30, $0x38;
	[tilespmem:$0x12080] =	vst v63  }
0x7a: {  	_ =	swait.ge [sflag:s26], $0x500  }
0x7b: {  	[sflag:s26] =	ssyncset.done $0x0  }
0x7c: {  	s0 =	simm.s32 $0x0;
	[sflag:s26] =	ssyncadd.s32 $0xFFFFFB00  }
0x7d: {  	s3 =	simm.s32 $0x40;
	v2 =	vld [tilespmem:s0+$0x11680]  }
.LBB2_12:
0x7e: {  	p0 =	sne.s32 s3, $0x13C0;
	v3 =	vld [tilespmem:s0+$0x11B80];
	_ =	sdelay $0x2  }
.Ltmp5:
0x7f: {  	(pc) =	sbr.rel @p0 .LBB2_12-.Ltmp5, $4  }
0x80: {  	_ = 	snop  }
0x81: {  	v3 =	vadd.f32 v2, v3  }
0x82: {  	s4 =	sshra.s32 s3, $0x2  }
0x83: {  	s3 =	sadd.s32 $0x40, s3;
	v2 =	vld [tilespmem:s4+$0x11680];
	[tilespmem:s0+$0x11B80] =	vst v3;
	s0 =	smov.u32 s4  }
0x84: {  	v3 =	vld [tilespmem:s0+$0x11B80];
	_ =	sdelay $0x4  }
0x85: {  	v2 =	vadd.f32 v2, v3;
	_ =	sdelay $0x1  }
0x86: {  	[tilespmem:s0+$0x11B80] =	vst v2  }
0x87: {  	[tilespmem:s1], [sflag:$0x1] =	stream.strided.gather [spmem:s10], $0x500, s31, s30, $0x38;
	[tilespmem:$0x12080] =	vst v63  }
0x88: {  	_ =	swait.ge [sflag:s26], $0x500  }
0x89: {  	[sflag:s26] =	ssyncset.done $0x0  }
0x8a: {  	s0 =	simm.s32 $0x0;
	[sflag:s26] =	ssyncadd.s32 $0xFFFFFB00  }
0x8b: {  	s3 =	simm.s32 $0x40;
	v2 =	vld [tilespmem:s0+$0x11680]  }
.LBB2_14:
0x8c: {  	p0 =	sne.s32 s3, $0x13C0;
	v3 =	vld [tilespmem:s0+$0x11B80];
	_ =	sdelay $0x2  }
.Ltmp6:
0x8d: {  	(pc) =	sbr.rel @p0 .LBB2_14-.Ltmp6, $4  }
0x8e: {  	_ = 	snop  }
0x8f: {  	v3 =	vadd.f32 v2, v3  }
0x90: {  	s4 =	sshra.s32 s3, $0x2  }
0x91: {  	s3 =	sadd.s32 $0x40, s3;
	v2 =	vld [tilespmem:s4+$0x11680];
	[tilespmem:s0+$0x11B80] =	vst v3;
	s0 =	smov.u32 s4  }
0x92: {  	v3 =	vld [tilespmem:s0+$0x11B80];
	_ =	sdelay $0x4  }
0x93: {  	v2 =	vadd.f32 v2, v3;
	_ =	sdelay $0x1  }
0x94: {  	[tilespmem:s0+$0x11B80] =	vst v2  }
0x95: {  	[tilespmem:s1], [sflag:$0x1] =	stream.strided.gather [spmem:s11], $0x500, s31, s30, $0x38;
	[tilespmem:$0x12080] =	vst v63  }
0x96: {  	_ =	swait.ge [sflag:s26], $0x500  }
0x97: {  	[sflag:s26] =	ssyncset.done $0x0  }
0x98: {  	s0 =	simm.s32 $0x0;
	[sflag:s26] =	ssyncadd.s32 $0xFFFFFB00  }
0x99: {  	s3 =	simm.s32 $0x40;
	v2 =	vld [tilespmem:s0+$0x11680]  }
.LBB2_16:
0x9a: {  	p0 =	sne.s32 s3, $0x13C0;
	v3 =	vld [tilespmem:s0+$0x11B80];
	_ =	sdelay $0x2  }
.Ltmp7:
0x9b: {  	(pc) =	sbr.rel @p0 .LBB2_16-.Ltmp7, $4  }
0x9c: {  	_ = 	snop  }
0x9d: {  	v3 =	vadd.f32 v2, v3  }
0x9e: {  	s4 =	sshra.s32 s3, $0x2  }
0x9f: {  	s3 =	sadd.s32 $0x40, s3;
	v2 =	vld [tilespmem:s4+$0x11680];
	[tilespmem:s0+$0x11B80] =	vst v3;
	s0 =	smov.u32 s4  }
0xa0: {  	v3 =	vld [tilespmem:s0+$0x11B80];
	_ =	sdelay $0x4  }
0xa1: {  	v2 =	vadd.f32 v2, v3;
	_ =	sdelay $0x1  }
0xa2: {  	[tilespmem:s0+$0x11B80] =	vst v2  }
0xa3: {  	[tilespmem:s1], [sflag:$0x1] =	stream.strided.gather [spmem:s12], $0x500, s31, s30, $0x38;
	[tilespmem:$0x12080] =	vst v63  }
0xa4: {  	_ =	swait.ge [sflag:s26], $0x500  }
0xa5: {  	[sflag:s26] =	ssyncset.done $0x0  }
0xa6: {  	s0 =	simm.s32 $0x0;
	[sflag:s26] =	ssyncadd.s32 $0xFFFFFB00  }
0xa7: {  	s3 =	simm.s32 $0x40;
	v2 =	vld [tilespmem:s0+$0x11680]  }
.LBB2_18:
0xa8: {  	p0 =	sne.s32 s3, $0x13C0;
	v3 =	vld [tilespmem:s0+$0x11B80];
	_ =	sdelay $0x2  }
.Ltmp8:
0xa9: {  	(pc) =	sbr.rel @p0 .LBB2_18-.Ltmp8, $4  }
0xaa: {  	_ = 	snop  }
0xab: {  	v3 =	vadd.f32 v2, v3  }
0xac: {  	s4 =	sshra.s32 s3, $0x2  }
0xad: {  	s3 =	sadd.s32 $0x40, s3;
	v2 =	vld [tilespmem:s4+$0x11680];
	[tilespmem:s0+$0x11B80] =	vst v3;
	s0 =	smov.u32 s4  }
0xae: {  	v3 =	vld [tilespmem:s0+$0x11B80];
	_ =	sdelay $0x4  }
0xaf: {  	v2 =	vadd.f32 v2, v3;
	_ =	sdelay $0x1  }
0xb0: {  	[tilespmem:s0+$0x11B80] =	vst v2  }
0xb1: {  	[tilespmem:s1], [sflag:$0x1] =	stream.strided.gather [spmem:s13], $0x500, s31, s30, $0x38;
	[tilespmem:$0x12080] =	vst v63  }
0xb2: {  	_ =	swait.ge [sflag:s26], $0x500  }
0xb3: {  	[sflag:s26] =	ssyncset.done $0x0  }
0xb4: {  	s0 =	simm.s32 $0x0;
	[sflag:s26] =	ssyncadd.s32 $0xFFFFFB00  }
0xb5: {  	s3 =	simm.s32 $0x40;
	v2 =	vld [tilespmem:s0+$0x11680]  }
.LBB2_20:
0xb6: {  	p0 =	sne.s32 s3, $0x13C0;
	v3 =	vld [tilespmem:s0+$0x11B80];
	_ =	sdelay $0x2  }
.Ltmp9:
0xb7: {  	(pc) =	sbr.rel @p0 .LBB2_20-.Ltmp9, $4  }
0xb8: {  	_ = 	snop  }
0xb9: {  	v3 =	vadd.f32 v2, v3  }
0xba: {  	s4 =	sshra.s32 s3, $0x2  }
0xbb: {  	s3 =	sadd.s32 $0x40, s3;
	v2 =	vld [tilespmem:s4+$0x11680];
	[tilespmem:s0+$0x11B80] =	vst v3;
	s0 =	smov.u32 s4  }
0xbc: {  	v3 =	vld [tilespmem:s0+$0x11B80];
	_ =	sdelay $0x4  }
0xbd: {  	v2 =	vadd.f32 v2, v3;
	_ =	sdelay $0x1  }
0xbe: {  	[tilespmem:s0+$0x11B80] =	vst v2  }
0xbf: {  	[tilespmem:s1], [sflag:$0x1] =	stream.strided.gather [spmem:s14], $0x500, s31, s30, $0x38;
	[tilespmem:$0x12080] =	vst v63  }
0xc0: {  	_ =	swait.ge [sflag:s26], $0x500  }
0xc1: {  	[sflag:s26] =	ssyncset.done $0x0  }
0xc2: {  	s0 =	simm.s32 $0x0;
	[sflag:s26] =	ssyncadd.s32 $0xFFFFFB00  }
0xc3: {  	s3 =	simm.s32 $0x40;
	v2 =	vld [tilespmem:s0+$0x11680]  }
.LBB2_22:
0xc4: {  	p0 =	sne.s32 s3, $0x13C0;
	v3 =	vld [tilespmem:s0+$0x11B80];
	_ =	sdelay $0x2  }
.Ltmp10:
0xc5: {  	(pc) =	sbr.rel @p0 .LBB2_22-.Ltmp10, $4  }
0xc6: {  	_ = 	snop  }
0xc7: {  	v3 =	vadd.f32 v2, v3  }
0xc8: {  	s4 =	sshra.s32 s3, $0x2  }
0xc9: {  	s3 =	sadd.s32 $0x40, s3;
	v2 =	vld [tilespmem:s4+$0x11680];
	[tilespmem:s0+$0x11B80] =	vst v3;
	s0 =	smov.u32 s4  }
0xca: {  	v3 =	vld [tilespmem:s0+$0x11B80];
	_ =	sdelay $0x4  }
0xcb: {  	v2 =	vadd.f32 v2, v3;
	_ =	sdelay $0x1  }
0xcc: {  	[tilespmem:s0+$0x11B80] =	vst v2  }
0xcd: {  	[tilespmem:s1], [sflag:$0x1] =	stream.strided.gather [spmem:s15], $0x500, s31, s30, $0x38;
	[tilespmem:$0x12080] =	vst v63  }
0xce: {  	_ =	swait.ge [sflag:s26], $0x500  }
0xcf: {  	[sflag:s26] =	ssyncset.done $0x0  }
0xd0: {  	s0 =	simm.s32 $0x0;
	[sflag:s26] =	ssyncadd.s32 $0xFFFFFB00  }
0xd1: {  	s3 =	simm.s32 $0x40;
	v2 =	vld [tilespmem:s0+$0x11680]  }
.LBB2_24:
0xd2: {  	p0 =	sne.s32 s3, $0x13C0;
	v3 =	vld [tilespmem:s0+$0x11B80];
	_ =	sdelay $0x2  }
.Ltmp11:
0xd3: {  	(pc) =	sbr.rel @p0 .LBB2_24-.Ltmp11, $4  }
0xd4: {  	_ = 	snop  }
0xd5: {  	v3 =	vadd.f32 v2, v3  }
0xd6: {  	s4 =	sshra.s32 s3, $0x2  }
0xd7: {  	s3 =	sadd.s32 $0x40, s3;
	v2 =	vld [tilespmem:s4+$0x11680];
	[tilespmem:s0+$0x11B80] =	vst v3;
	s0 =	smov.u32 s4  }
0xd8: {  	v3 =	vld [tilespmem:s0+$0x11B80];
	_ =	sdelay $0x4  }
0xd9: {  	v2 =	vadd.f32 v2, v3;
	_ =	sdelay $0x1  }
0xda: {  	[tilespmem:s0+$0x11B80] =	vst v2  }
0xdb: {  	[tilespmem:s1], [sflag:$0x1] =	stream.strided.gather [spmem:s16], $0x500, s31, s30, $0x38;
	[tilespmem:$0x12080] =	vst v63  }
0xdc: {  	_ =	swait.ge [sflag:s26], $0x500  }
0xdd: {  	[sflag:s26] =	ssyncset.done $0x0  }
0xde: {  	s0 =	simm.s32 $0x0;
	[sflag:s26] =	ssyncadd.s32 $0xFFFFFB00  }
0xdf: {  	s3 =	simm.s32 $0x40;
	v2 =	vld [tilespmem:s0+$0x11680]  }
.LBB2_26:
0xe0: {  	p0 =	sne.s32 s3, $0x13C0;
	v3 =	vld [tilespmem:s0+$0x11B80];
	_ =	sdelay $0x2  }
.Ltmp12:
0xe1: {  	(pc) =	sbr.rel @p0 .LBB2_26-.Ltmp12, $4  }
0xe2: {  	_ = 	snop  }
0xe3: {  	v3 =	vadd.f32 v2, v3  }
0xe4: {  	s4 =	sshra.s32 s3, $0x2  }
0xe5: {  	s3 =	sadd.s32 $0x40, s3;
	v2 =	vld [tilespmem:s4+$0x11680];
	[tilespmem:s0+$0x11B80] =	vst v3;
	s0 =	smov.u32 s4  }
0xe6: {  	v3 =	vld [tilespmem:s0+$0x11B80];
	_ =	sdelay $0x4  }
0xe7: {  	v2 =	vadd.f32 v2, v3;
	_ =	sdelay $0x1  }
0xe8: {  	[tilespmem:s0+$0x11B80] =	vst v2  }
0xe9: {  	[tilespmem:s1], [sflag:$0x1] =	stream.strided.gather [spmem:s17], $0x500, s31, s30, $0x38;
	[tilespmem:$0x12080] =	vst v63  }
0xea: {  	_ =	swait.ge [sflag:s26], $0x500  }
0xeb: {  	[sflag:s26] =	ssyncset.done $0x0  }
0xec: {  	s0 =	simm.s32 $0x0;
	[sflag:s26] =	ssyncadd.s32 $0xFFFFFB00  }
0xed: {  	s3 =	simm.s32 $0x40;
	v2 =	vld [tilespmem:s0+$0x11680]  }
.LBB2_28:
0xee: {  	p0 =	sne.s32 s3, $0x13C0;
	v3 =	vld [tilespmem:s0+$0x11B80];
	_ =	sdelay $0x2  }
.Ltmp13:
0xef: {  	(pc) =	sbr.rel @p0 .LBB2_28-.Ltmp13, $4  }
0xf0: {  	_ = 	snop  }
0xf1: {  	v3 =	vadd.f32 v2, v3  }
0xf2: {  	s4 =	sshra.s32 s3, $0x2  }
0xf3: {  	s3 =	sadd.s32 $0x40, s3;
	v2 =	vld [tilespmem:s4+$0x11680];
	[tilespmem:s0+$0x11B80] =	vst v3;
	s0 =	smov.u32 s4  }
0xf4: {  	v3 =	vld [tilespmem:s0+$0x11B80];
	_ =	sdelay $0x4  }
0xf5: {  	v2 =	vadd.f32 v2, v3;
	_ =	sdelay $0x1  }
0xf6: {  	[tilespmem:s0+$0x11B80] =	vst v2  }
0xf7: {  	[tilespmem:s1], [sflag:$0x1] =	stream.strided.gather [spmem:s18], $0x500, s31, s30, $0x38;
	[tilespmem:$0x12080] =	vst v63  }
0xf8: {  	_ =	swait.ge [sflag:s26], $0x500  }
0xf9: {  	[sflag:s26] =	ssyncset.done $0x0  }
0xfa: {  	s0 =	simm.s32 $0x0;
	[sflag:s26] =	ssyncadd.s32 $0xFFFFFB00  }
0xfb: {  	s3 =	simm.s32 $0x40;
	v2 =	vld [tilespmem:s0+$0x11680]  }
.LBB2_30:
0xfc: {  	p0 =	sne.s32 s3, $0x13C0;
	v3 =	vld [tilespmem:s0+$0x11B80];
	_ =	sdelay $0x2  }
.Ltmp14:
0xfd: {  	(pc) =	sbr.rel @p0 .LBB2_30-.Ltmp14, $4  }
0xfe: {  	_ = 	snop  }
0xff: {  	v3 =	vadd.f32 v2, v3  }
0x100: {  	s4 =	sshra.s32 s3, $0x2  }
0x101: {  	s3 =	sadd.s32 $0x40, s3;
	v2 =	vld [tilespmem:s4+$0x11680];
	[tilespmem:s0+$0x11B80] =	vst v3;
	s0 =	smov.u32 s4  }
0x102: {  	v3 =	vld [tilespmem:s0+$0x11B80];
	_ =	sdelay $0x4  }
0x103: {  	v2 =	vadd.f32 v2, v3;
	_ =	sdelay $0x1  }
0x104: {  	[tilespmem:s0+$0x11B80] =	vst v2  }
0x105: {  	[tilespmem:s1], [sflag:$0x1] =	stream.strided.gather [spmem:s19], $0x500, s31, s30, $0x38;
	[tilespmem:$0x12080] =	vst v63  }
0x106: {  	_ =	swait.ge [sflag:s26], $0x500  }
0x107: {  	[sflag:s26] =	ssyncset.done $0x0  }
0x108: {  	s0 =	simm.s32 $0x0;
	[sflag:s26] =	ssyncadd.s32 $0xFFFFFB00  }
0x109: {  	s3 =	simm.s32 $0x40;
	v2 =	vld [tilespmem:s0+$0x11680]  }
.LBB2_32:
0x10a: {  	p0 =	sne.s32 s3, $0x13C0;
	v3 =	vld [tilespmem:s0+$0x11B80];
	_ =	sdelay $0x2  }
.Ltmp15:
0x10b: {  	(pc) =	sbr.rel @p0 .LBB2_32-.Ltmp15, $4  }
0x10c: {  	_ = 	snop  }
0x10d: {  	v3 =	vadd.f32 v2, v3  }
0x10e: {  	s4 =	sshra.s32 s3, $0x2  }
0x10f: {  	s3 =	sadd.s32 $0x40, s3;
	v2 =	vld [tilespmem:s4+$0x11680];
	[tilespmem:s0+$0x11B80] =	vst v3;
	s0 =	smov.u32 s4  }
0x110: {  	v3 =	vld [tilespmem:s0+$0x11B80];
	_ =	sdelay $0x4  }
0x111: {  	v2 =	vadd.f32 v2, v3;
	_ =	sdelay $0x1  }
0x112: {  	[tilespmem:s0+$0x11B80] =	vst v2  }
0x113: {  	[tilespmem:s1], [sflag:$0x1] =	stream.strided.gather [spmem:s20], $0x500, s31, s30, $0x38;
	[tilespmem:$0x12080] =	vst v63  }
0x114: {  	_ =	swait.ge [sflag:s26], $0x500  }
0x115: {  	[sflag:s26] =	ssyncset.done $0x0  }
0x116: {  	s0 =	simm.s32 $0x0;
	[sflag:s26] =	ssyncadd.s32 $0xFFFFFB00  }
0x117: {  	s3 =	simm.s32 $0x40;
	v2 =	vld [tilespmem:s0+$0x11680]  }
.LBB2_34:
0x118: {  	p0 =	sne.s32 s3, $0x13C0;
	v3 =	vld [tilespmem:s0+$0x11B80];
	_ =	sdelay $0x2  }
.Ltmp16:
0x119: {  	(pc) =	sbr.rel @p0 .LBB2_34-.Ltmp16, $4  }
0x11a: {  	_ = 	snop  }
0x11b: {  	v3 =	vadd.f32 v2, v3  }
0x11c: {  	s4 =	sshra.s32 s3, $0x2  }
0x11d: {  	s3 =	sadd.s32 $0x40, s3;
	v2 =	vld [tilespmem:s4+$0x11680];
	[tilespmem:s0+$0x11B80] =	vst v3;
	s0 =	smov.u32 s4  }
0x11e: {  	v3 =	vld [tilespmem:s0+$0x11B80];
	_ =	sdelay $0x4  }
0x11f: {  	v2 =	vadd.f32 v2, v3;
	_ =	sdelay $0x1  }
0x120: {  	[tilespmem:s0+$0x11B80] =	vst v2  }
0x121: {  	[tilespmem:s1], [sflag:$0x1] =	stream.strided.gather [spmem:s21], $0x500, s31, s30, $0x38;
	[tilespmem:$0x12080] =	vst v63  }
0x122: {  	_ =	swait.ge [sflag:s26], $0x500  }
0x123: {  	[sflag:s26] =	ssyncset.done $0x0  }
0x124: {  	s0 =	simm.s32 $0x0;
	[sflag:s26] =	ssyncadd.s32 $0xFFFFFB00  }
0x125: {  	s3 =	simm.s32 $0x40;
	v2 =	vld [tilespmem:s0+$0x11680]  }
.LBB2_36:
0x126: {  	p0 =	sne.s32 s3, $0x13C0;
	v3 =	vld [tilespmem:s0+$0x11B80];
	_ =	sdelay $0x2  }
.Ltmp17:
0x127: {  	(pc) =	sbr.rel @p0 .LBB2_36-.Ltmp17, $4  }
0x128: {  	_ = 	snop  }
0x129: {  	v3 =	vadd.f32 v2, v3  }
0x12a: {  	s4 =	sshra.s32 s3, $0x2  }
0x12b: {  	s3 =	sadd.s32 $0x40, s3;
	v2 =	vld [tilespmem:s4+$0x11680];
	[tilespmem:s0+$0x11B80] =	vst v3;
	s0 =	smov.u32 s4  }
0x12c: {  	v3 =	vld [tilespmem:s0+$0x11B80];
	_ =	sdelay $0x4  }
0x12d: {  	v2 =	vadd.f32 v2, v3;
	_ =	sdelay $0x1  }
0x12e: {  	[tilespmem:s0+$0x11B80] =	vst v2  }
0x12f: {  	[tilespmem:s1], [sflag:$0x1] =	stream.strided.gather [spmem:s22], $0x500, s31, s30, $0x38;
	[tilespmem:$0x12080] =	vst v63  }
0x130: {  	_ =	swait.ge [sflag:s26], $0x500  }
0x131: {  	[sflag:s26] =	ssyncset.done $0x0  }
0x132: {  	s0 =	simm.s32 $0x0;
	[sflag:s26] =	ssyncadd.s32 $0xFFFFFB00  }
0x133: {  	s3 =	simm.s32 $0x40;
	v2 =	vld [tilespmem:s0+$0x11680]  }
.LBB2_38:
0x134: {  	p0 =	sne.s32 s3, $0x13C0;
	v3 =	vld [tilespmem:s0+$0x11B80];
	_ =	sdelay $0x2  }
.Ltmp18:
0x135: {  	(pc) =	sbr.rel @p0 .LBB2_38-.Ltmp18, $4  }
0x136: {  	_ = 	snop  }
0x137: {  	v3 =	vadd.f32 v2, v3  }
0x138: {  	s4 =	sshra.s32 s3, $0x2  }
0x139: {  	s3 =	sadd.s32 $0x40, s3;
	v2 =	vld [tilespmem:s4+$0x11680];
	[tilespmem:s0+$0x11B80] =	vst v3;
	s0 =	smov.u32 s4  }
0x13a: {  	v3 =	vld [tilespmem:s0+$0x11B80];
	_ =	sdelay $0x4  }
0x13b: {  	s28 =	sadd.s32 $0x1, s28;
	v2 =	vadd.f32 v2, v3  }
0x13c: {  	p0 =	sne.s32 s28, s24  }
.Ltmp19:
0x13d: {  	s29 =	simm.s32 $0x100;
	s3 =	simm.s32 $0x11B80;
	[tilespmem:s0+$0x11B80] =	vst v2;
	(pc) =	sbr.rel @p0 .LBB2_1-.Ltmp19, $4  }
0x13e: {  	[hbm4b:s23+s30] =	stream.strided.scatter [tilespmem:s3], [sflag:$0x1], $0x500, s29, s30, $0x38;
	[tilespmem:$0x12080] =	vst v63  }
0x13f: {  	_ =	swait.ge [sflag:s26], $0x500  }
0x140: {  	[sflag:s26] =	ssyncset.done $0x0  }
0x141: {  	[sflag:s26] =	ssyncadd.s32 $0xFFFFFB00  }
0x142: {  	_ =	sfence.sel $0x180000  }
0x143: {  	[bflag:$0x0] =	sbarrier.arrive $0xFFFF  }
0x144: {  	_ =	strace $0x90000047  }
0x145: {  	s0 =	stileid.u32;
	[bflag:$0x2] =	sbarrier.arrive $0xFFFF  }
0x146: {  	p0 =	sne.s32 s0, $0x0;
	s0 =	rddreg [dreg:$0x3]  }
0x147: {  	s0 =	sadd.s32 @!p0 $0x100000, s0  }
0x148: {  	[sflag:s0] =	ssyncadd.tile.s32 @!p0 $0x1;
	_ =	shalt  }
.Lfunc_end2:
_tile_overlayer_lowered:
.L_overlay_start_2:
0x149: {  	(tag) =	ssettag $0x2  }
0x14a: {  	s0 =	rddreg [dreg:$0x0];
	s2 =	stileid.u32  }
0x14b: {  	s1 =	rddreg [dreg:$0x1];
	p0 =	sne.s32 s2, $0x0  }
0x14c: {  	s3 =	rddreg [dreg:$0x2];
	[bflag:$0x3] =	sbarrier.arrive $0xFFFF;
	s2 =	simm.s32 @!p0 $0x1C01  }
0x14d: {  	[timem:s3], [sflag:s2] =	dma.local @!p0 [hbm:s0], s1  }
0x14e: {  	s0 =	simm.s32 @!p0 $0x1  }
0x14f: {  	_ =	swait.ge @!p0 [sflag:s0], s1  }
0x150: {  	s1 =	ssub.s32 @!p0 $0x0, s1;
	[sflag:s0] =	ssyncset.done @!p0 $0x0  }
0x151: {  	[sflag:s0] =	ssyncadd.s32 @!p0 s1  }
0x152: {  	[bflag:$0x3] =	sbarrier.arrive $0xFFFF  }
0x153: {  	_ =	shalt  }

</sc_bundles>
